<compile_context>
chip_gen: v7x
topology: tpu7x:2x2x1
jax: 0.10.2.dev20260603
libtpu: 0.0.44.dev20260713+nightly
codegen_flags: <defaults>
</compile_context>

<pallas_src>
import dataclasses
import functools

import jax
import jax.numpy as jnp
from jax import lax
from jax.experimental import pallas as pl
from jax.experimental.pallas import tpu as pltpu
from jax.experimental.pallas import tpu_sc as plsc

BATCH = 16384
D = 32
NC = 2
NS = 16
L = 16
NW = NC * NS
BPW = BATCH // NW
CHUNK = 128
NCHUNK = BPW // CHUNK
GPC = CHUNK // L


def _sc_dot_kernel(uR_hbm, um_hbm, iR_hbm, im_hbm, utab_hbm, itab_hbm,
                   out_hbm, uR_v, um_v, iR_v, im_v,
                   ubuf0, ubuf1, ibuf0, ibuf1, out_v, usem, isem):
    wid = lax.axis_index("s") * NC + lax.axis_index("c")
    base = wid * BPW

    pltpu.sync_copy(uR_hbm.at[pl.ds(base, BPW)], uR_v)
    pltpu.sync_copy(um_hbm.at[pl.ds(base, BPW)], um_v)
    pltpu.sync_copy(iR_hbm.at[pl.ds(base, BPW)], iR_v)
    pltpu.sync_copy(im_hbm.at[pl.ds(base, BPW)], im_v)

    ubufs = (ubuf0, ubuf1)
    ibufs = (ibuf0, ibuf1)

    def fire(c):
        sl = pl.ds(c * CHUNK, CHUNK)
        return (pltpu.async_copy(utab_hbm.at[uR_v.at[sl]], ubufs[c % 2], usem),
                pltpu.async_copy(itab_hbm.at[iR_v.at[sl]], ibufs[c % 2], isem))

    iota16 = lax.iota(jnp.int32, L)
    inflight = {0: fire(0), 1: fire(1)}

    for c in range(NCHUNK):
        for cp in inflight.pop(c):
            cp.wait()
        ub, ib = ubufs[c % 2], ibufs[c % 2]

        @pl.loop(0, GPC)
        def _(g):
            rows = g * L + iota16
            sl16 = lambda gg: pl.ds(c * CHUNK + gg * L, L)
            mu32 = um_v[sl16(g)] * 32
            mi32 = im_v[sl16(g)] * 32
            acc = jnp.zeros((L,), jnp.float32)
            for d in range(D):
                u = plsc.load_gather(ub, [rows, mu32 + d])
                v = plsc.load_gather(ib, [rows, mi32 + d])
                acc = acc + u * v
            out_v[sl16(g)] = acc

        if c + 2 < NCHUNK:
            inflight[c + 2] = fire(c + 2)

    pltpu.sync_copy(out_v, out_hbm.at[pl.ds(base, BPW)])


UNTILE_W = 8192
UNTILE_STEPS = -(-1000000 // UNTILE_W)
PACK_ROWS = UNTILE_W // 4
NPACK = UNTILE_STEPS * PACK_ROWS


def _untile_body(u_ref, i_ref, uo_ref, io_ref):
    for src, dst in ((u_ref, uo_ref), (i_ref, io_ref)):
        t = src[...].T
        dst[...] = jnp.concatenate(
            [t[j * PACK_ROWS:(j + 1) * PACK_ROWS] for j in range(4)], axis=1)


def _untile(uT, iT):
    spec_in = pl.BlockSpec((D, UNTILE_W), lambda i: (0, i))
    spec_out = pl.BlockSpec((PACK_ROWS, 4 * D), lambda i: (i, 0))
    return pl.pallas_call(
        _untile_body,
        grid=(UNTILE_STEPS,),
        in_specs=[spec_in, spec_in],
        out_specs=[spec_out, spec_out],
        out_shape=[jax.ShapeDtypeStruct((NPACK, 4 * D), jnp.float32)] * 2,
    )(uT, iT)


def kernel(user_indices, item_indices, user_table, item_table):
    mesh = plsc.VectorSubcoreMesh(core_axis_name="c", subcore_axis_name="s")
    cp = pltpu.CompilerParams()
    for fld, val in (("needs_layout_passes", False),
                     ("use_tc_tiling_on_sc", True)):
        if fld in pltpu.CompilerParams.__dataclass_fields__:
            cp = dataclasses.replace(cp, **{fld: val})
    sc_call = functools.partial(
        pl.kernel,
        out_type=jax.ShapeDtypeStruct((BATCH,), jnp.float32),
        mesh=mesh,
        compiler_params=cp,
        scratch_types=[
            pltpu.VMEM((BPW,), jnp.int32),
            pltpu.VMEM((BPW,), jnp.int32),
            pltpu.VMEM((BPW,), jnp.int32),
            pltpu.VMEM((BPW,), jnp.int32),
            pltpu.VMEM((CHUNK, 4 * D), jnp.float32),
            pltpu.VMEM((CHUNK, 4 * D), jnp.float32),
            pltpu.VMEM((CHUNK, 4 * D), jnp.float32),
            pltpu.VMEM((CHUNK, 4 * D), jnp.float32),
            pltpu.VMEM((BPW,), jnp.float32),
            pltpu.SemaphoreType.DMA,
            pltpu.SemaphoreType.DMA,
        ],
    )(_sc_dot_kernel)
    ui = user_indices.astype(jnp.int32)
    ii = item_indices.astype(jnp.int32)
    u128, i128 = _untile(user_table.T, item_table.T)
    uR = ((ui >> 13) << 11) + (ui & 2047)
    iR = ((ii >> 13) << 11) + (ii & 2047)
    um = (ui & 8191) >> 11
    im = (ii & 8191) >> 11
    return sc_call(uR, um, iR, im, u128, i128)

# --- scband reference (transcript-rebuilt; emitter-appended) ---
"""Pipeline reference for scband-cfmodel-24773371363496 (READ-ONLY COPY).

The authoritative reference and input builder live on the scoring server;
editing this copy changes nothing except your own understanding.
"""

import jax, jax.numpy as jnp
import numpy as np

N_USERS = 1000000
N_ITEMS = 1000000
EMBED_DIM = 32
BATCH = 16384

def setup_inputs(seed: int = 0) -> dict:
    key = jax.random.key(seed)
    k1, k2, k3, k4 = jax.random.split(key, 4)
    user_indices = jax.random.randint(k1, (BATCH,), 0, N_USERS, dtype=jnp.int64 if jax.config.jax_enable_x64 else jnp.int32)
    item_indices = jax.random.randint(k2, (BATCH,), 0, N_ITEMS, dtype=jnp.int64 if jax.config.jax_enable_x64 else jnp.int32)
    user_table = jax.random.normal(k3, (N_USERS, EMBED_DIM), dtype=jnp.float32) * 0.01
    item_table = jax.random.normal(k4, (N_ITEMS, EMBED_DIM), dtype=jnp.float32) * 0.01
    return {"user_indices": user_indices, "item_indices": item_indices, "user_table": user_table, "item_table": item_table}

def reference(user_indices, item_indices, user_table, item_table):
    user_embedding = jnp.take(user_table, user_indices, axis=0)
    item_embedding = jnp.take(item_table, item_indices, axis=0)
    dot_product = (user_embedding * item_embedding).sum(axis=1)
    return dot_product

if __name__ == "__main__":
    import jax
    _d = setup_inputs()
    print(jax.jit(kernel)(*tuple(_d.values())))

</pallas_src>

<mosaic_0001>
#map = affine_map<(d0, d1) -> (0)>
#map1 = affine_map<(d0, d1) -> (0, 0)>
module attributes {stable_mosaic.version = 14 : i64} {
  func.func @_sc_dot_kernel(%arg0: i32, %arg1: i32, %arg2: memref<16384xi32, #tpu.memory_space<hbm>>, %arg3: memref<16384xi32, #tpu.memory_space<hbm>>, %arg4: memref<16384xi32, #tpu.memory_space<hbm>>, %arg5: memref<16384xi32, #tpu.memory_space<hbm>>, %arg6: memref<251904x128xf32, #tpu.memory_space<hbm>>, %arg7: memref<251904x128xf32, #tpu.memory_space<hbm>>, %arg8: memref<16384xf32, #tpu.memory_space<hbm>>, %arg9: memref<512xi32, #tpu.memory_space<vmem>>, %arg10: memref<512xi32, #tpu.memory_space<vmem>>, %arg11: memref<512xi32, #tpu.memory_space<vmem>>, %arg12: memref<512xi32, #tpu.memory_space<vmem>>, %arg13: memref<128x128xf32, #tpu.memory_space<vmem>>, %arg14: memref<128x128xf32, #tpu.memory_space<vmem>>, %arg15: memref<128x128xf32, #tpu.memory_space<vmem>>, %arg16: memref<128x128xf32, #tpu.memory_space<vmem>>, %arg17: memref<512xf32, #tpu.memory_space<vmem>>, %arg18: memref<!tpu.dma_semaphore, #tpu.memory_space<semaphore_mem>>, %arg19: memref<!tpu.dma_semaphore, #tpu.memory_space<semaphore_mem>>) attributes {dimension_semantics = [#tpu.dimension_semantics<core_parallel>, #tpu.dimension_semantics<subcore_parallel>], iteration_bounds = array<i64: 2, 16>, scalar_prefetch = 0 : i64, scratch_operands = 11 : i64, tpu.core_type = #tpu.core_type<sc_vector_subcore>, window_params = [{transform_indices = #map}, {transform_indices = #map}, {transform_indices = #map}, {transform_indices = #map}, {transform_indices = #map1}, {transform_indices = #map1}, {transform_indices = #map}]} {
    %mul3A = arith.constant 2 : i32
    %mul3A_0 = arith.muli %arg1, %mul3A : i32
    %add3A = arith.addi %mul3A_0, %arg0 : i32
    %mul3A_1 = arith.constant 512 : i32
    %mul3A_2 = arith.muli %add3A, %mul3A_1 : i32
    "tpu.region"() ({
      %run_scoped3A = tpu.sem_alloc : memref<!tpu.dma_semaphore, #tpu.memory_space<semaphore_mem>>
      %dma_start3A_100 = tpu.memref_slice %arg2[%mul3A_2] : memref<16384xi32, #tpu.memory_space<hbm>> -> memref<512xi32, #tpu.memory_space<hbm>>
      %dma_start3A_101 = tpu.memref_slice %arg2[%mul3A_2] : memref<16384xi32, #tpu.memory_space<hbm>> -> memref<512xi32, #tpu.memory_space<hbm>>
      tpu.enqueue_dma source(%dma_start3A_101 : memref<512xi32, #tpu.memory_space<hbm>>) target(%arg9 : memref<512xi32, #tpu.memory_space<vmem>>) target_semaphore(%run_scoped3A : memref<!tpu.dma_semaphore, #tpu.memory_space<semaphore_mem>>)
      %dma_wait3A_102 = tpu.memref_slice %arg2[%mul3A_2] : memref<16384xi32, #tpu.memory_space<hbm>> -> memref<512xi32, #tpu.memory_space<hbm>>
      %dma_wait3A_103 = tpu.memref_slice %arg2[%mul3A_2] : memref<16384xi32, #tpu.memory_space<hbm>> -> memref<512xi32, #tpu.memory_space<hbm>>
      tpu.wait_dma2 semaphore(%run_scoped3A : memref<!tpu.dma_semaphore, #tpu.memory_space<semaphore_mem>>) src(%dma_wait3A_103 : memref<512xi32, #tpu.memory_space<hbm>>) dst(%arg9 : memref<512xi32, #tpu.memory_space<vmem>>)
      tpu.yield
    }) : () -> ()
    "tpu.region"() ({
      %run_scoped3A = tpu.sem_alloc : memref<!tpu.dma_semaphore, #tpu.memory_space<semaphore_mem>>
      %dma_start3A_100 = tpu.memref_slice %arg3[%mul3A_2] : memref<16384xi32, #tpu.memory_space<hbm>> -> memref<512xi32, #tpu.memory_space<hbm>>
      %dma_start3A_101 = tpu.memref_slice %arg3[%mul3A_2] : memref<16384xi32, #tpu.memory_space<hbm>> -> memref<512xi32, #tpu.memory_space<hbm>>
      tpu.enqueue_dma source(%dma_start3A_101 : memref<512xi32, #tpu.memory_space<hbm>>) target(%arg10 : memref<512xi32, #tpu.memory_space<vmem>>) target_semaphore(%run_scoped3A : memref<!tpu.dma_semaphore, #tpu.memory_space<semaphore_mem>>)
      %dma_wait3A_102 = tpu.memref_slice %arg3[%mul3A_2] : memref<16384xi32, #tpu.memory_space<hbm>> -> memref<512xi32, #tpu.memory_space<hbm>>
      %dma_wait3A_103 = tpu.memref_slice %arg3[%mul3A_2] : memref<16384xi32, #tpu.memory_space<hbm>> -> memref<512xi32, #tpu.memory_space<hbm>>
      tpu.wait_dma2 semaphore(%run_scoped3A : memref<!tpu.dma_semaphore, #tpu.memory_space<semaphore_mem>>) src(%dma_wait3A_103 : memref<512xi32, #tpu.memory_space<hbm>>) dst(%arg10 : memref<512xi32, #tpu.memory_space<vmem>>)
      tpu.yield
    }) : () -> ()
    "tpu.region"() ({
      %run_scoped3A = tpu.sem_alloc : memref<!tpu.dma_semaphore, #tpu.memory_space<semaphore_mem>>
      %dma_start3A_100 = tpu.memref_slice %arg4[%mul3A_2] : memref<16384xi32, #tpu.memory_space<hbm>> -> memref<512xi32, #tpu.memory_space<hbm>>
      %dma_start3A_101 = tpu.memref_slice %arg4[%mul3A_2] : memref<16384xi32, #tpu.memory_space<hbm>> -> memref<512xi32, #tpu.memory_space<hbm>>
      tpu.enqueue_dma source(%dma_start3A_101 : memref<512xi32, #tpu.memory_space<hbm>>) target(%arg11 : memref<512xi32, #tpu.memory_space<vmem>>) target_semaphore(%run_scoped3A : memref<!tpu.dma_semaphore, #tpu.memory_space<semaphore_mem>>)
      %dma_wait3A_102 = tpu.memref_slice %arg4[%mul3A_2] : memref<16384xi32, #tpu.memory_space<hbm>> -> memref<512xi32, #tpu.memory_space<hbm>>
      %dma_wait3A_103 = tpu.memref_slice %arg4[%mul3A_2] : memref<16384xi32, #tpu.memory_space<hbm>> -> memref<512xi32, #tpu.memory_space<hbm>>
      tpu.wait_dma2 semaphore(%run_scoped3A : memref<!tpu.dma_semaphore, #tpu.memory_space<semaphore_mem>>) src(%dma_wait3A_103 : memref<512xi32, #tpu.memory_space<hbm>>) dst(%arg11 : memref<512xi32, #tpu.memory_space<vmem>>)
      tpu.yield
    }) : () -> ()
    "tpu.region"() ({
      %run_scoped3A = tpu.sem_alloc : memref<!tpu.dma_semaphore, #tpu.memory_space<semaphore_mem>>
      %dma_start3A_100 = tpu.memref_slice %arg5[%mul3A_2] : memref<16384xi32, #tpu.memory_space<hbm>> -> memref<512xi32, #tpu.memory_space<hbm>>
      %dma_start3A_101 = tpu.memref_slice %arg5[%mul3A_2] : memref<16384xi32, #tpu.memory_space<hbm>> -> memref<512xi32, #tpu.memory_space<hbm>>
      tpu.enqueue_dma source(%dma_start3A_101 : memref<512xi32, #tpu.memory_space<hbm>>) target(%arg12 : memref<512xi32, #tpu.memory_space<vmem>>) target_semaphore(%run_scoped3A : memref<!tpu.dma_semaphore, #tpu.memory_space<semaphore_mem>>)
      %dma_wait3A_102 = tpu.memref_slice %arg5[%mul3A_2] : memref<16384xi32, #tpu.memory_space<hbm>> -> memref<512xi32, #tpu.memory_space<hbm>>
      %dma_wait3A_103 = tpu.memref_slice %arg5[%mul3A_2] : memref<16384xi32, #tpu.memory_space<hbm>> -> memref<512xi32, #tpu.memory_space<hbm>>
      tpu.wait_dma2 semaphore(%run_scoped3A : memref<!tpu.dma_semaphore, #tpu.memory_space<semaphore_mem>>) src(%dma_wait3A_103 : memref<512xi32, #tpu.memory_space<hbm>>) dst(%arg12 : memref<512xi32, #tpu.memory_space<vmem>>)
      tpu.yield
    }) : () -> ()
    %iota3A = tpu.iota {dimensions = array<i32: 0>} : vector<16xi32>
    %dma_start3A = arith.constant 0 : i32
    %dma_start3A_3 = tpu.memref_slice %arg9[%dma_start3A] : memref<512xi32, #tpu.memory_space<vmem>> -> memref<128xi32, #tpu.memory_space<vmem>>
    %dma_start3A_4 = arith.constant 0 : i32
    %dma_start3A_5 = arith.constant 0 : i32
    %dma_start3A_6 = tpu.memref_slice %arg6[%dma_start3A_4, %dma_start3A_5] : memref<251904x128xf32, #tpu.memory_space<hbm>> -> memref<251904x128xf32, #tpu.memory_space<hbm>>
    tpu.enqueue_indirect_dma source(%dma_start3A_6 : memref<251904x128xf32, #tpu.memory_space<hbm>>) target(%arg13 : memref<128x128xf32, #tpu.memory_space<vmem>>) offsets(%dma_start3A_3 : memref<128xi32, #tpu.memory_space<vmem>>) semaphore(%arg18 : memref<!tpu.dma_semaphore, #tpu.memory_space<semaphore_mem>>)
    %dma_start3A_7 = arith.constant 0 : i32
    %dma_start3A_8 = tpu.memref_slice %arg11[%dma_start3A_7] : memref<512xi32, #tpu.memory_space<vmem>> -> memref<128xi32, #tpu.memory_space<vmem>>
    %dma_start3A_9 = arith.constant 0 : i32
    %dma_start3A_10 = arith.constant 0 : i32
    %dma_start3A_11 = tpu.memref_slice %arg7[%dma_start3A_9, %dma_start3A_10] : memref<251904x128xf32, #tpu.memory_space<hbm>> -> memref<251904x128xf32, #tpu.memory_space<hbm>>
    tpu.enqueue_indirect_dma source(%dma_start3A_11 : memref<251904x128xf32, #tpu.memory_space<hbm>>) target(%arg15 : memref<128x128xf32, #tpu.memory_space<vmem>>) offsets(%dma_start3A_8 : memref<128xi32, #tpu.memory_space<vmem>>) semaphore(%arg19 : memref<!tpu.dma_semaphore, #tpu.memory_space<semaphore_mem>>)
    %dma_start3A_12 = arith.constant 128 : i32
    %dma_start3A_13 = tpu.memref_slice %arg9[%dma_start3A_12] : memref<512xi32, #tpu.memory_space<vmem>> -> memref<128xi32, #tpu.memory_space<vmem>>
    %dma_start3A_14 = arith.constant 0 : i32
    %dma_start3A_15 = arith.constant 0 : i32
    %dma_start3A_16 = tpu.memref_slice %arg6[%dma_start3A_14, %dma_start3A_15] : memref<251904x128xf32, #tpu.memory_space<hbm>> -> memref<251904x128xf32, #tpu.memory_space<hbm>>
    tpu.enqueue_indirect_dma source(%dma_start3A_16 : memref<251904x128xf32, #tpu.memory_space<hbm>>) target(%arg14 : memref<128x128xf32, #tpu.memory_space<vmem>>) offsets(%dma_start3A_13 : memref<128xi32, #tpu.memory_space<vmem>>) semaphore(%arg18 : memref<!tpu.dma_semaphore, #tpu.memory_space<semaphore_mem>>)
    %dma_start3A_17 = arith.constant 128 : i32
    %dma_start3A_18 = tpu.memref_slice %arg11[%dma_start3A_17] : memref<512xi32, #tpu.memory_space<vmem>> -> memref<128xi32, #tpu.memory_space<vmem>>
    %dma_start3A_19 = arith.constant 0 : i32
    %dma_start3A_20 = arith.constant 0 : i32
    %dma_start3A_21 = tpu.memref_slice %arg7[%dma_start3A_19, %dma_start3A_20] : memref<251904x128xf32, #tpu.memory_space<hbm>> -> memref<251904x128xf32, #tpu.memory_space<hbm>>
    tpu.enqueue_indirect_dma source(%dma_start3A_21 : memref<251904x128xf32, #tpu.memory_space<hbm>>) target(%arg16 : memref<128x128xf32, #tpu.memory_space<vmem>>) offsets(%dma_start3A_18 : memref<128xi32, #tpu.memory_space<vmem>>) semaphore(%arg19 : memref<!tpu.dma_semaphore, #tpu.memory_space<semaphore_mem>>)
    %dma_wait3A = arith.constant 0 : i32
    %dma_wait3A_22 = tpu.memref_slice %arg9[%dma_wait3A] : memref<512xi32, #tpu.memory_space<vmem>> -> memref<128xi32, #tpu.memory_space<vmem>>
    %dma_wait3A_23 = arith.constant 0 : i32
    %dma_wait3A_24 = arith.constant 0 : i32
    %dma_wait3A_25 = tpu.memref_slice %arg6[%dma_wait3A_23, %dma_wait3A_24] : memref<251904x128xf32, #tpu.memory_space<hbm>> -> memref<251904x128xf32, #tpu.memory_space<hbm>>
    tpu.wait_indirect_dma semaphore(%arg18 : memref<!tpu.dma_semaphore, #tpu.memory_space<semaphore_mem>>) src(%dma_wait3A_25 : memref<251904x128xf32, #tpu.memory_space<hbm>>) dst(%arg13 : memref<128x128xf32, #tpu.memory_space<vmem>>)
    %dma_wait3A_26 = arith.constant 0 : i32
    %dma_wait3A_27 = tpu.memref_slice %arg11[%dma_wait3A_26] : memref<512xi32, #tpu.memory_space<vmem>> -> memref<128xi32, #tpu.memory_space<vmem>>
    %dma_wait3A_28 = arith.constant 0 : i32
    %dma_wait3A_29 = arith.constant 0 : i32
    %dma_wait3A_30 = tpu.memref_slice %arg7[%dma_wait3A_28, %dma_wait3A_29] : memref<251904x128xf32, #tpu.memory_space<hbm>> -> memref<251904x128xf32, #tpu.memory_space<hbm>>
    tpu.wait_indirect_dma semaphore(%arg19 : memref<!tpu.dma_semaphore, #tpu.memory_space<semaphore_mem>>) src(%dma_wait3A_30 : memref<251904x128xf32, #tpu.memory_space<hbm>>) dst(%arg15 : memref<128x128xf32, #tpu.memory_space<vmem>>)
    %scan3A = arith.constant 0 : i32
    %scan3A_31 = arith.constant 8 : i32
    %scan3A_32 = arith.addi %scan3A, %scan3A_31 : i32
    %scan3A_33 = arith.constant 1 : i32
    scf.for %scan3A_100 = %scan3A to %scan3A_32 step %scan3A_33  : i32 {
      %mul3A_101 = arith.constant 1 : i32
      %mul3A_102 = arith.muli %scan3A_100, %mul3A_101 : i32
      %add3A_103 = arith.constant 0 : i32
      %add3A_104 = arith.addi %add3A_103, %mul3A_102 : i32
      %mul3A_105 = arith.constant 16 : i32
      %mul3A_106 = arith.muli %add3A_104, %mul3A_105 : i32
      %add3A_107 = vector.broadcast %mul3A_106 : i32 to vector<16xi32>
      %add3A_108 = arith.addi %add3A_107, %iota3A : vector<16xi32>
      %mul3A_109 = arith.constant 16 : i32
      %mul3A_110 = arith.muli %add3A_104, %mul3A_109 : i32
      %add3A_111 = arith.constant 0 : i32
      %add3A_112 = arith.addi %add3A_111, %mul3A_110 : i32
      %get3A = arith.index_cast %add3A_112 : i32 to index
      %get3A_113 = tpu.vector_load %arg10[%get3A] {strides = array<i32>} : memref<512xi32, #tpu.memory_space<vmem>>, vector<16xi32>,
      %mul3A_114 = arith.constant 32 : i32
      %mul3A_115 = vector.broadcast %mul3A_114 : i32 to vector<16xi32>
      %mul3A_116 = arith.muli %get3A_113, %mul3A_115 : vector<16xi32>
      %mul3A_117 = arith.constant 16 : i32
      %mul3A_118 = arith.muli %add3A_104, %mul3A_117 : i32
      %add3A_119 = arith.constant 0 : i32
      %add3A_120 = arith.addi %add3A_119, %mul3A_118 : i32
      %get3A_121 = arith.index_cast %add3A_120 : i32 to index
      %get3A_122 = tpu.vector_load %arg12[%get3A_121] {strides = array<i32>} : memref<512xi32, #tpu.memory_space<vmem>>, vector<16xi32>,
      %mul3A_123 = arith.constant 32 : i32
      %mul3A_124 = vector.broadcast %mul3A_123 : i32 to vector<16xi32>
      %mul3A_125 = arith.muli %get3A_122, %mul3A_124 : vector<16xi32>
      %broadcast_in_dim3A = arith.constant 0.000000e+00 : f32
      %broadcast_in_dim3A_126 = vector.broadcast %broadcast_in_dim3A : f32 to vector<16xf32>
      %add3A_127 = arith.constant 0 : i32
      %add3A_128 = vector.broadcast %add3A_127 : i32 to vector<16xi32>
      %add3A_129 = arith.addi %mul3A_116, %add3A_128 : vector<16xi32>
      %gather3A = tpu.vector_load_idx %arg13[%add3A_108, %add3A_129] : memref<128x128xf32, #tpu.memory_space<vmem>>[vector<16xi32>, vector<16xi32>], vector<16xf32>,
      %add3A_130 = arith.constant 0 : i32
      %add3A_131 = vector.broadcast %add3A_130 : i32 to vector<16xi32>
      %add3A_132 = arith.addi %mul3A_125, %add3A_131 : vector<16xi32>
      %gather3A_133 = tpu.vector_load_idx %arg15[%add3A_108, %add3A_132] : memref<128x128xf32, #tpu.memory_space<vmem>>[vector<16xi32>, vector<16xi32>], vector<16xf32>,
      %mul3A_134 = arith.mulf %gather3A, %gather3A_133 : vector<16xf32>
      %add3A_135 = arith.addf %broadcast_in_dim3A_126, %mul3A_134 : vector<16xf32>
      %add3A_136 = arith.constant 1 : i32
      %add3A_137 = vector.broadcast %add3A_136 : i32 to vector<16xi32>
      %add3A_138 = arith.addi %mul3A_116, %add3A_137 : vector<16xi32>
      %gather3A_139 = tpu.vector_load_idx %arg13[%add3A_108, %add3A_138] : memref<128x128xf32, #tpu.memory_space<vmem>>[vector<16xi32>, vector<16xi32>], vector<16xf32>,
      %add3A_140 = arith.constant 1 : i32
      %add3A_141 = vector.broadcast %add3A_140 : i32 to vector<16xi32>
      %add3A_142 = arith.addi %mul3A_125, %add3A_141 : vector<16xi32>
      %gather3A_143 = tpu.vector_load_idx %arg15[%add3A_108, %add3A_142] : memref<128x128xf32, #tpu.memory_space<vmem>>[vector<16xi32>, vector<16xi32>], vector<16xf32>,
      %mul3A_144 = arith.mulf %gather3A_139, %gather3A_143 : vector<16xf32>
      %add3A_145 = arith.addf %add3A_135, %mul3A_144 : vector<16xf32>
      %add3A_146 = arith.constant 2 : i32
      %add3A_147 = vector.broadcast %add3A_146 : i32 to vector<16xi32>
      %add3A_148 = arith.addi %mul3A_116, %add3A_147 : vector<16xi32>
      %gather3A_149 = tpu.vector_load_idx %arg13[%add3A_108, %add3A_148] : memref<128x128xf32, #tpu.memory_space<vmem>>[vector<16xi32>, vector<16xi32>], vector<16xf32>,
      %add3A_150 = arith.constant 2 : i32
      %add3A_151 = vector.broadcast %add3A_150 : i32 to vector<16xi32>
      %add3A_152 = arith.addi %mul3A_125, %add3A_151 : vector<16xi32>
      %gather3A_153 = tpu.vector_load_idx %arg15[%add3A_108, %add3A_152] : memref<128x128xf32, #tpu.memory_space<vmem>>[vector<16xi32>, vector<16xi32>], vector<16xf32>,
      %mul3A_154 = arith.mulf %gather3A_149, %gather3A_153 : vector<16xf32>
      %add3A_155 = arith.addf %add3A_145, %mul3A_154 : vector<16xf32>
      %add3A_156 = arith.constant 3 : i32
      %add3A_157 = vector.broadcast %add3A_156 : i32 to vector<16xi32>
      %add3A_158 = arith.addi %mul3A_116, %add3A_157 : vector<16xi32>
      %gather3A_159 = tpu.vector_load_idx %arg13[%add3A_108, %add3A_158] : memref<128x128xf32, #tpu.memory_space<vmem>>[vector<16xi32>, vector<16xi32>], vector<16xf32>,
      %add3A_160 = arith.constant 3 : i32
      %add3A_161 = vector.broadcast %add3A_160 : i32 to vector<16xi32>
      %add3A_162 = arith.addi %mul3A_125, %add3A_161 : vector<16xi32>
      %gather3A_163 = tpu.vector_load_idx %arg15[%add3A_108, %add3A_162] : memref<128x128xf32, #tpu.memory_space<vmem>>[vector<16xi32>, vector<16xi32>], vector<16xf32>,
      %mul3A_164 = arith.mulf %gather3A_159, %gather3A_163 : vector<16xf32>
      %add3A_165 = arith.addf %add3A_155, %mul3A_164 : vector<16xf32>
      %add3A_166 = arith.constant 4 : i32
      %add3A_167 = vector.broadcast %add3A_166 : i32 to vector<16xi32>
      %add3A_168 = arith.addi %mul3A_116, %add3A_167 : vector<16xi32>
      %gather3A_169 = tpu.vector_load_idx %arg13[%add3A_108, %add3A_168] : memref<128x128xf32, #tpu.memory_space<vmem>>[vector<16xi32>, vector<16xi32>], vector<16xf32>,
      %add3A_170 = arith.constant 4 : i32
      %add3A_171 = vector.broadcast %add3A_170 : i32 to vector<16xi32>
      %add3A_172 = arith.addi %mul3A_125, %add3A_171 : vector<16xi32>
      %gather3A_173 = tpu.vector_load_idx %arg15[%add3A_108, %add3A_172] : memref<128x128xf32, #tpu.memory_space<vmem>>[vector<16xi32>, vector<16xi32>], vector<16xf32>,
      %mul3A_174 = arith.mulf %gather3A_169, %gather3A_173 : vector<16xf32>
      %add3A_175 = arith.addf %add3A_165, %mul3A_174 : vector<16xf32>
      %add3A_176 = arith.constant 5 : i32
      %add3A_177 = vector.broadcast %add3A_176 : i32 to vector<16xi32>
      %add3A_178 = arith.addi %mul3A_116, %add3A_177 : vector<16xi32>
      %gather3A_179 = tpu.vector_load_idx %arg13[%add3A_108, %add3A_178] : memref<128x128xf32, #tpu.memory_space<vmem>>[vector<16xi32>, vector<16xi32>], vector<16xf32>,
      %add3A_180 = arith.constant 5 : i32
      %add3A_181 = vector.broadcast %add3A_180 : i32 to vector<16xi32>
      %add3A_182 = arith.addi %mul3A_125, %add3A_181 : vector<16xi32>
      %gather3A_183 = tpu.vector_load_idx %arg15[%add3A_108, %add3A_182] : memref<128x128xf32, #tpu.memory_space<vmem>>[vector<16xi32>, vector<16xi32>], vector<16xf32>,
      %mul3A_184 = arith.mulf %gather3A_179, %gather3A_183 : vector<16xf32>
      %add3A_185 = arith.addf %add3A_175, %mul3A_184 : vector<16xf32>
      %add3A_186 = arith.constant 6 : i32
      %add3A_187 = vector.broadcast %add3A_186 : i32 to vector<16xi32>
      %add3A_188 = arith.addi %mul3A_116, %add3A_187 : vector<16xi32>
      %gather3A_189 = tpu.vector_load_idx %arg13[%add3A_108, %add3A_188] : memref<128x128xf32, #tpu.memory_space<vmem>>[vector<16xi32>, vector<16xi32>], vector<16xf32>,
      %add3A_190 = arith.constant 6 : i32
      %add3A_191 = vector.broadcast %add3A_190 : i32 to vector<16xi32>
      %add3A_192 = arith.addi %mul3A_125, %add3A_191 : vector<16xi32>
      %gather3A_193 = tpu.vector_load_idx %arg15[%add3A_108, %add3A_192] : memref<128x128xf32, #tpu.memory_space<vmem>>[vector<16xi32>, vector<16xi32>], vector<16xf32>,
      %mul3A_194 = arith.mulf %gather3A_189, %gather3A_193 : vector<16xf32>
      %add3A_195 = arith.addf %add3A_185, %mul3A_194 : vector<16xf32>
      %add3A_196 = arith.constant 7 : i32
      %add3A_197 = vector.broadcast %add3A_196 : i32 to vector<16xi32>
      %add3A_198 = arith.addi %mul3A_116, %add3A_197 : vector<16xi32>
      %gather3A_199 = tpu.vector_load_idx %arg13[%add3A_108, %add3A_198] : memref<128x128xf32, #tpu.memory_space<vmem>>[vector<16xi32>, vector<16xi32>], vector<16xf32>,
      %add3A_200 = arith.constant 7 : i32
      %add3A_201 = vector.broadcast %add3A_200 : i32 to vector<16xi32>
      %add3A_202 = arith.addi %mul3A_125, %add3A_201 : vector<16xi32>
      %gather3A_203 = tpu.vector_load_idx %arg15[%add3A_108, %add3A_202] : memref<128x128xf32, #tpu.memory_space<vmem>>[vector<16xi32>, vector<16xi32>], vector<16xf32>,
      %mul3A_204 = arith.mulf %gather3A_199, %gather3A_203 : vector<16xf32>
      %add3A_205 = arith.addf %add3A_195, %mul3A_204 : vector<16xf32>
      %add3A_206 = arith.constant 8 : i32
      %add3A_207 = vector.broadcast %add3A_206 : i32 to vector<16xi32>
      %add3A_208 = arith.addi %mul3A_116, %add3A_207 : vector<16xi32>
      %gather3A_209 = tpu.vector_load_idx %arg13[%add3A_108, %add3A_208] : memref<128x128xf32, #tpu.memory_space<vmem>>[vector<16xi32>, vector<16xi32>], vector<16xf32>,
      %add3A_210 = arith.constant 8 : i32
      %add3A_211 = vector.broadcast %add3A_210 : i32 to vector<16xi32>
      %add3A_212 = arith.addi %mul3A_125, %add3A_211 : vector<16xi32>
      %gather3A_213 = tpu.vector_load_idx %arg15[%add3A_108, %add3A_212] : memref<128x128xf32, #tpu.memory_space<vmem>>[vector<16xi32>, vector<16xi32>], vector<16xf32>,
      %mul3A_214 = arith.mulf %gather3A_209, %gather3A_213 : vector<16xf32>
      %add3A_215 = arith.addf %add3A_205, %mul3A_214 : vector<16xf32>
      %add3A_216 = arith.constant 9 : i32
      %add3A_217 = vector.broadcast %add3A_216 : i32 to vector<16xi32>
      %add3A_218 = arith.addi %mul3A_116, %add3A_217 : vector<16xi32>
      %gather3A_219 = tpu.vector_load_idx %arg13[%add3A_108, %add3A_218] : memref<128x128xf32, #tpu.memory_space<vmem>>[vector<16xi32>, vector<16xi32>], vector<16xf32>,
      %add3A_220 = arith.constant 9 : i32
      %add3A_221 = vector.broadcast %add3A_220 : i32 to vector<16xi32>
      %add3A_222 = arith.addi %mul3A_125, %add3A_221 : vector<16xi32>
      %gather3A_223 = tpu.vector_load_idx %arg15[%add3A_108, %add3A_222] : memref<128x128xf32, #tpu.memory_space<vmem>>[vector<16xi32>, vector<16xi32>], vector<16xf32>,
      %mul3A_224 = arith.mulf %gather3A_219, %gather3A_223 : vector<16xf32>
      %add3A_225 = arith.addf %add3A_215, %mul3A_224 : vector<16xf32>
      %add3A_226 = arith.constant 10 : i32
      %add3A_227 = vector.broadcast %add3A_226 : i32 to vector<16xi32>
      %add3A_228 = arith.addi %mul3A_116, %add3A_227 : vector<16xi32>
      %gather3A_229 = tpu.vector_load_idx %arg13[%add3A_108, %add3A_228] : memref<128x128xf32, #tpu.memory_space<vmem>>[vector<16xi32>, vector<16xi32>], vector<16xf32>,
      %add3A_230 = arith.constant 10 : i32
      %add3A_231 = vector.broadcast %add3A_230 : i32 to vector<16xi32>
      %add3A_232 = arith.addi %mul3A_125, %add3A_231 : vector<16xi32>
      %gather3A_233 = tpu.vector_load_idx %arg15[%add3A_108, %add3A_232] : memref<128x128xf32, #tpu.memory_space<vmem>>[vector<16xi32>, vector<16xi32>], vector<16xf32>,
      %mul3A_234 = arith.mulf %gather3A_229, %gather3A_233 : vector<16xf32>
      %add3A_235 = arith.addf %add3A_225, %mul3A_234 : vector<16xf32>
      %add3A_236 = arith.constant 11 : i32
      %add3A_237 = vector.broadcast %add3A_236 : i32 to vector<16xi32>
      %add3A_238 = arith.addi %mul3A_116, %add3A_237 : vector<16xi32>
      %gather3A_239 = tpu.vector_load_idx %arg13[%add3A_108, %add3A_238] : memref<128x128xf32, #tpu.memory_space<vmem>>[vector<16xi32>, vector<16xi32>], vector<16xf32>,
      %add3A_240 = arith.constant 11 : i32
      %add3A_241 = vector.broadcast %add3A_240 : i32 to vector<16xi32>
      %add3A_242 = arith.addi %mul3A_125, %add3A_241 : vector<16xi32>
      %gather3A_243 = tpu.vector_load_idx %arg15[%add3A_108, %add3A_242] : memref<128x128xf32, #tpu.memory_space<vmem>>[vector<16xi32>, vector<16xi32>], vector<16xf32>,
      %mul3A_244 = arith.mulf %gather3A_239, %gather3A_243 : vector<16xf32>
      %add3A_245 = arith.addf %add3A_235, %mul3A_244 : vector<16xf32>
      %add3A_246 = arith.constant 12 : i32
      %add3A_247 = vector.broadcast %add3A_246 : i32 to vector<16xi32>
      %add3A_248 = arith.addi %mul3A_116, %add3A_247 : vector<16xi32>
      %gather3A_249 = tpu.vector_load_idx %arg13[%add3A_108, %add3A_248] : memref<128x128xf32, #tpu.memory_space<vmem>>[vector<16xi32>, vector<16xi32>], vector<16xf32>,
      %add3A_250 = arith.constant 12 : i32
      %add3A_251 = vector.broadcast %add3A_250 : i32 to vector<16xi32>
      %add3A_252 = arith.addi %mul3A_125, %add3A_251 : vector<16xi32>
      %gather3A_253 = tpu.vector_load_idx %arg15[%add3A_108, %add3A_252] : memref<128x128xf32, #tpu.memory_space<vmem>>[vector<16xi32>, vector<16xi32>], vector<16xf32>,
      %mul3A_254 = arith.mulf %gather3A_249, %gather3A_253 : vector<16xf32>
      %add3A_255 = arith.addf %add3A_245, %mul3A_254 : vector<16xf32>
      %add3A_256 = arith.constant 13 : i32
      %add3A_257 = vector.broadcast %add3A_256 : i32 to vector<16xi32>
      %add3A_258 = arith.addi %mul3A_116, %add3A_257 : vector<16xi32>
      %gather3A_259 = tpu.vector_load_idx %arg13[%add3A_108, %add3A_258] : memref<128x128xf32, #tpu.memory_space<vmem>>[vector<16xi32>, vector<16xi32>], vector<16xf32>,
      %add3A_260 = arith.constant 13 : i32
      %add3A_261 = vector.broadcast %add3A_260 : i32 to vector<16xi32>
      %add3A_262 = arith.addi %mul3A_125, %add3A_261 : vector<16xi32>
      %gather3A_263 = tpu.vector_load_idx %arg15[%add3A_108, %add3A_262] : memref<128x128xf32, #tpu.memory_space<vmem>>[vector<16xi32>, vector<16xi32>], vector<16xf32>,
      %mul3A_264 = arith.mulf %gather3A_259, %gather3A_263 : vector<16xf32>
      %add3A_265 = arith.addf %add3A_255, %mul3A_264 : vector<16xf32>
      %add3A_266 = arith.constant 14 : i32
      %add3A_267 = vector.broadcast %add3A_266 : i32 to vector<16xi32>
      %add3A_268 = arith.addi %mul3A_116, %add3A_267 : vector<16xi32>
      %gather3A_269 = tpu.vector_load_idx %arg13[%add3A_108, %add3A_268] : memref<128x128xf32, #tpu.memory_space<vmem>>[vector<16xi32>, vector<16xi32>], vector<16xf32>,
      %add3A_270 = arith.constant 14 : i32
      %add3A_271 = vector.broadcast %add3A_270 : i32 to vector<16xi32>
      %add3A_272 = arith.addi %mul3A_125, %add3A_271 : vector<16xi32>
      %gather3A_273 = tpu.vector_load_idx %arg15[%add3A_108, %add3A_272] : memref<128x128xf32, #tpu.memory_space<vmem>>[vector<16xi32>, vector<16xi32>], vector<16xf32>,
      %mul3A_274 = arith.mulf %gather3A_269, %gather3A_273 : vector<16xf32>
      %add3A_275 = arith.addf %add3A_265, %mul3A_274 : vector<16xf32>
      %add3A_276 = arith.constant 15 : i32
      %add3A_277 = vector.broadcast %add3A_276 : i32 to vector<16xi32>
      %add3A_278 = arith.addi %mul3A_116, %add3A_277 : vector<16xi32>
      %gather3A_279 = tpu.vector_load_idx %arg13[%add3A_108, %add3A_278] : memref<128x128xf32, #tpu.memory_space<vmem>>[vector<16xi32>, vector<16xi32>], vector<16xf32>,
      %add3A_280 = arith.constant 15 : i32
      %add3A_281 = vector.broadcast %add3A_280 : i32 to vector<16xi32>
      %add3A_282 = arith.addi %mul3A_125, %add3A_281 : vector<16xi32>
      %gather3A_283 = tpu.vector_load_idx %arg15[%add3A_108, %add3A_282] : memref<128x128xf32, #tpu.memory_space<vmem>>[vector<16xi32>, vector<16xi32>], vector<16xf32>,
      %mul3A_284 = arith.mulf %gather3A_279, %gather3A_283 : vector<16xf32>
      %add3A_285 = arith.addf %add3A_275, %mul3A_284 : vector<16xf32>
      %add3A_286 = arith.constant 16 : i32
      %add3A_287 = vector.broadcast %add3A_286 : i32 to vector<16xi32>
      %add3A_288 = arith.addi %mul3A_116, %add3A_287 : vector<16xi32>
      %gather3A_289 = tpu.vector_load_idx %arg13[%add3A_108, %add3A_288] : memref<128x128xf32, #tpu.memory_space<vmem>>[vector<16xi32>, vector<16xi32>], vector<16xf32>,
      %add3A_290 = arith.constant 16 : i32
      %add3A_291 = vector.broadcast %add3A_290 : i32 to vector<16xi32>
      %add3A_292 = arith.addi %mul3A_125, %add3A_291 : vector<16xi32>
      %gather3A_293 = tpu.vector_load_idx %arg15[%add3A_108, %add3A_292] : memref<128x128xf32, #tpu.memory_space<vmem>>[vector<16xi32>, vector<16xi32>], vector<16xf32>,
      %mul3A_294 = arith.mulf %gather3A_289, %gather3A_293 : vector<16xf32>
      %add3A_295 = arith.addf %add3A_285, %mul3A_294 : vector<16xf32>
      %add3A_296 = arith.constant 17 : i32
      %add3A_297 = vector.broadcast %add3A_296 : i32 to vector<16xi32>
      %add3A_298 = arith.addi %mul3A_116, %add3A_297 : vector<16xi32>
      %gather3A_299 = tpu.vector_load_idx %arg13[%add3A_108, %add3A_298] : memref<128x128xf32, #tpu.memory_space<vmem>>[vector<16xi32>, vector<16xi32>], vector<16xf32>,
      %add3A_300 = arith.constant 17 : i32
      %add3A_301 = vector.broadcast %add3A_300 : i32 to vector<16xi32>
      %add3A_302 = arith.addi %mul3A_125, %add3A_301 : vector<16xi32>
      %gather3A_303 = tpu.vector_load_idx %arg15[%add3A_108, %add3A_302] : memref<128x128xf32, #tpu.memory_space<vmem>>[vector<16xi32>, vector<16xi32>], vector<16xf32>,
      %mul3A_304 = arith.mulf %gather3A_299, %gather3A_303 : vector<16xf32>
      %add3A_305 = arith.addf %add3A_295, %mul3A_304 : vector<16xf32>
      %add3A_306 = arith.constant 18 : i32
      %add3A_307 = vector.broadcast %add3A_306 : i32 to vector<16xi32>
      %add3A_308 = arith.addi %mul3A_116, %add3A_307 : vector<16xi32>
      %gather3A_309 = tpu.vector_load_idx %arg13[%add3A_108, %add3A_308] : memref<128x128xf32, #tpu.memory_space<vmem>>[vector<16xi32>, vector<16xi32>], vector<16xf32>,
      %add3A_310 = arith.constant 18 : i32
      %add3A_311 = vector.broadcast %add3A_310 : i32 to vector<16xi32>
      %add3A_312 = arith.addi %mul3A_125, %add3A_311 : vector<16xi32>
      %gather3A_313 = tpu.vector_load_idx %arg15[%add3A_108, %add3A_312] : memref<128x128xf32, #tpu.memory_space<vmem>>[vector<16xi32>, vector<16xi32>], vector<16xf32>,
      %mul3A_314 = arith.mulf %gather3A_309, %gather3A_313 : vector<16xf32>
      %add3A_315 = arith.addf %add3A_305, %mul3A_314 : vector<16xf32>
      %add3A_316 = arith.constant 19 : i32
      %add3A_317 = vector.broadcast %add3A_316 : i32 to vector<16xi32>
      %add3A_318 = arith.addi %mul3A_116, %add3A_317 : vector<16xi32>
      %gather3A_319 = tpu.vector_load_idx %arg13[%add3A_108, %add3A_318] : memref<128x128xf32, #tpu.memory_space<vmem>>[vector<16xi32>, vector<16xi32>], vector<16xf32>,
      %add3A_320 = arith.constant 19 : i32
      %add3A_321 = vector.broadcast %add3A_320 : i32 to vector<16xi32>
      %add3A_322 = arith.addi %mul3A_125, %add3A_321 : vector<16xi32>
      %gather3A_323 = tpu.vector_load_idx %arg15[%add3A_108, %add3A_322] : memref<128x128xf32, #tpu.memory_space<vmem>>[vector<16xi32>, vector<16xi32>], vector<16xf32>,
      %mul3A_324 = arith.mulf %gather3A_319, %gather3A_323 : vector<16xf32>
      %add3A_325 = arith.addf %add3A_315, %mul3A_324 : vector<16xf32>
      %add3A_326 = arith.constant 20 : i32
      %add3A_327 = vector.broadcast %add3A_326 : i32 to vector<16xi32>
      %add3A_328 = arith.addi %mul3A_116, %add3A_327 : vector<16xi32>
      %gather3A_329 = tpu.vector_load_idx %arg13[%add3A_108, %add3A_328] : memref<128x128xf32, #tpu.memory_space<vmem>>[vector<16xi32>, vector<16xi32>], vector<16xf32>,
      %add3A_330 = arith.constant 20 : i32
      %add3A_331 = vector.broadcast %add3A_330 : i32 to vector<16xi32>
      %add3A_332 = arith.addi %mul3A_125, %add3A_331 : vector<16xi32>
      %gather3A_333 = tpu.vector_load_idx %arg15[%add3A_108, %add3A_332] : memref<128x128xf32, #tpu.memory_space<vmem>>[vector<16xi32>, vector<16xi32>], vector<16xf32>,
      %mul3A_334 = arith.mulf %gather3A_329, %gather3A_333 : vector<16xf32>
      %add3A_335 = arith.addf %add3A_325, %mul3A_334 : vector<16xf32>
      %add3A_336 = arith.constant 21 : i32
      %add3A_337 = vector.broadcast %add3A_336 : i32 to vector<16xi32>
      %add3A_338 = arith.addi %mul3A_116, %add3A_337 : vector<16xi32>
      %gather3A_339 = tpu.vector_load_idx %arg13[%add3A_108, %add3A_338] : memref<128x128xf32, #tpu.memory_space<vmem>>[vector<16xi32>, vector<16xi32>], vector<16xf32>,
      %add3A_340 = arith.constant 21 : i32
      %add3A_341 = vector.broadcast %add3A_340 : i32 to vector<16xi32>
      %add3A_342 = arith.addi %mul3A_125, %add3A_341 : vector<16xi32>
      %gather3A_343 = tpu.vector_load_idx %arg15[%add3A_108, %add3A_342] : memref<128x128xf32, #tpu.memory_space<vmem>>[vector<16xi32>, vector<16xi32>], vector<16xf32>,
      %mul3A_344 = arith.mulf %gather3A_339, %gather3A_343 : vector<16xf32>
      %add3A_345 = arith.addf %add3A_335, %mul3A_344 : vector<16xf32>
      %add3A_346 = arith.constant 22 : i32
      %add3A_347 = vector.broadcast %add3A_346 : i32 to vector<16xi32>
      %add3A_348 = arith.addi %mul3A_116, %add3A_347 : vector<16xi32>
      %gather3A_349 = tpu.vector_load_idx %arg13[%add3A_108, %add3A_348] : memref<128x128xf32, #tpu.memory_space<vmem>>[vector<16xi32>, vector<16xi32>], vector<16xf32>,
      %add3A_350 = arith.constant 22 : i32
      %add3A_351 = vector.broadcast %add3A_350 : i32 to vector<16xi32>
      %add3A_352 = arith.addi %mul3A_125, %add3A_351 : vector<16xi32>
      %gather3A_353 = tpu.vector_load_idx %arg15[%add3A_108, %add3A_352] : memref<128x128xf32, #tpu.memory_space<vmem>>[vector<16xi32>, vector<16xi32>], vector<16xf32>,
      %mul3A_354 = arith.mulf %gather3A_349, %gather3A_353 : vector<16xf32>
      %add3A_355 = arith.addf %add3A_345, %mul3A_354 : vector<16xf32>
      %add3A_356 = arith.constant 23 : i32
      %add3A_357 = vector.broadcast %add3A_356 : i32 to vector<16xi32>
      %add3A_358 = arith.addi %mul3A_116, %add3A_357 : vector<16xi32>
      %gather3A_359 = tpu.vector_load_idx %arg13[%add3A_108, %add3A_358] : memref<128x128xf32, #tpu.memory_space<vmem>>[vector<16xi32>, vector<16xi32>], vector<16xf32>,
      %add3A_360 = arith.constant 23 : i32
      %add3A_361 = vector.broadcast %add3A_360 : i32 to vector<16xi32>
      %add3A_362 = arith.addi %mul3A_125, %add3A_361 : vector<16xi32>
      %gather3A_363 = tpu.vector_load_idx %arg15[%add3A_108, %add3A_362] : memref<128x128xf32, #tpu.memory_space<vmem>>[vector<16xi32>, vector<16xi32>], vector<16xf32>,
      %mul3A_364 = arith.mulf %gather3A_359, %gather3A_363 : vector<16xf32>
      %add3A_365 = arith.addf %add3A_355, %mul3A_364 : vector<16xf32>
      %add3A_366 = arith.constant 24 : i32
      %add3A_367 = vector.broadcast %add3A_366 : i32 to vector<16xi32>
      %add3A_368 = arith.addi %mul3A_116, %add3A_367 : vector<16xi32>
      %gather3A_369 = tpu.vector_load_idx %arg13[%add3A_108, %add3A_368] : memref<128x128xf32, #tpu.memory_space<vmem>>[vector<16xi32>, vector<16xi32>], vector<16xf32>,
      %add3A_370 = arith.constant 24 : i32
      %add3A_371 = vector.broadcast %add3A_370 : i32 to vector<16xi32>
      %add3A_372 = arith.addi %mul3A_125, %add3A_371 : vector<16xi32>
      %gather3A_373 = tpu.vector_load_idx %arg15[%add3A_108, %add3A_372] : memref<128x128xf32, #tpu.memory_space<vmem>>[vector<16xi32>, vector<16xi32>], vector<16xf32>,
      %mul3A_374 = arith.mulf %gather3A_369, %gather3A_373 : vector<16xf32>
      %add3A_375 = arith.addf %add3A_365, %mul3A_374 : vector<16xf32>
      %add3A_376 = arith.constant 25 : i32
      %add3A_377 = vector.broadcast %add3A_376 : i32 to vector<16xi32>
      %add3A_378 = arith.addi %mul3A_116, %add3A_377 : vector<16xi32>
      %gather3A_379 = tpu.vector_load_idx %arg13[%add3A_108, %add3A_378] : memref<128x128xf32, #tpu.memory_space<vmem>>[vector<16xi32>, vector<16xi32>], vector<16xf32>,
      %add3A_380 = arith.constant 25 : i32
      %add3A_381 = vector.broadcast %add3A_380 : i32 to vector<16xi32>
      %add3A_382 = arith.addi %mul3A_125, %add3A_381 : vector<16xi32>
      %gather3A_383 = tpu.vector_load_idx %arg15[%add3A_108, %add3A_382] : memref<128x128xf32, #tpu.memory_space<vmem>>[vector<16xi32>, vector<16xi32>], vector<16xf32>,
      %mul3A_384 = arith.mulf %gather3A_379, %gather3A_383 : vector<16xf32>
      %add3A_385 = arith.addf %add3A_375, %mul3A_384 : vector<16xf32>
      %add3A_386 = arith.constant 26 : i32
      %add3A_387 = vector.broadcast %add3A_386 : i32 to vector<16xi32>
      %add3A_388 = arith.addi %mul3A_116, %add3A_387 : vector<16xi32>
      %gather3A_389 = tpu.vector_load_idx %arg13[%add3A_108, %add3A_388] : memref<128x128xf32, #tpu.memory_space<vmem>>[vector<16xi32>, vector<16xi32>], vector<16xf32>,
      %add3A_390 = arith.constant 26 : i32
      %add3A_391 = vector.broadcast %add3A_390 : i32 to vector<16xi32>
      %add3A_392 = arith.addi %mul3A_125, %add3A_391 : vector<16xi32>
      %gather3A_393 = tpu.vector_load_idx %arg15[%add3A_108, %add3A_392] : memref<128x128xf32, #tpu.memory_space<vmem>>[vector<16xi32>, vector<16xi32>], vector<16xf32>,
      %mul3A_394 = arith.mulf %gather3A_389, %gather3A_393 : vector<16xf32>
      %add3A_395 = arith.addf %add3A_385, %mul3A_394 : vector<16xf32>
      %add3A_396 = arith.constant 27 : i32
      %add3A_397 = vector.broadcast %add3A_396 : i32 to vector<16xi32>
      %add3A_398 = arith.addi %mul3A_116, %add3A_397 : vector<16xi32>
      %gather3A_399 = tpu.vector_load_idx %arg13[%add3A_108, %add3A_398] : memref<128x128xf32, #tpu.memory_space<vmem>>[vector<16xi32>, vector<16xi32>], vector<16xf32>,
      %add3A_400 = arith.constant 27 : i32
      %add3A_401 = vector.broadcast %add3A_400 : i32 to vector<16xi32>
      %add3A_402 = arith.addi %mul3A_125, %add3A_401 : vector<16xi32>
      %gather3A_403 = tpu.vector_load_idx %arg15[%add3A_108, %add3A_402] : memref<128x128xf32, #tpu.memory_space<vmem>>[vector<16xi32>, vector<16xi32>], vector<16xf32>,
      %mul3A_404 = arith.mulf %gather3A_399, %gather3A_403 : vector<16xf32>
      %add3A_405 = arith.addf %add3A_395, %mul3A_404 : vector<16xf32>
      %add3A_406 = arith.constant 28 : i32
      %add3A_407 = vector.broadcast %add3A_406 : i32 to vector<16xi32>
      %add3A_408 = arith.addi %mul3A_116, %add3A_407 : vector<16xi32>
      %gather3A_409 = tpu.vector_load_idx %arg13[%add3A_108, %add3A_408] : memref<128x128xf32, #tpu.memory_space<vmem>>[vector<16xi32>, vector<16xi32>], vector<16xf32>,
      %add3A_410 = arith.constant 28 : i32
      %add3A_411 = vector.broadcast %add3A_410 : i32 to vector<16xi32>
      %add3A_412 = arith.addi %mul3A_125, %add3A_411 : vector<16xi32>
      %gather3A_413 = tpu.vector_load_idx %arg15[%add3A_108, %add3A_412] : memref<128x128xf32, #tpu.memory_space<vmem>>[vector<16xi32>, vector<16xi32>], vector<16xf32>,
      %mul3A_414 = arith.mulf %gather3A_409, %gather3A_413 : vector<16xf32>
      %add3A_415 = arith.addf %add3A_405, %mul3A_414 : vector<16xf32>
      %add3A_416 = arith.constant 29 : i32
      %add3A_417 = vector.broadcast %add3A_416 : i32 to vector<16xi32>
      %add3A_418 = arith.addi %mul3A_116, %add3A_417 : vector<16xi32>
      %gather3A_419 = tpu.vector_load_idx %arg13[%add3A_108, %add3A_418] : memref<128x128xf32, #tpu.memory_space<vmem>>[vector<16xi32>, vector<16xi32>], vector<16xf32>,
      %add3A_420 = arith.constant 29 : i32
      %add3A_421 = vector.broadcast %add3A_420 : i32 to vector<16xi32>
      %add3A_422 = arith.addi %mul3A_125, %add3A_421 : vector<16xi32>
      %gather3A_423 = tpu.vector_load_idx %arg15[%add3A_108, %add3A_422] : memref<128x128xf32, #tpu.memory_space<vmem>>[vector<16xi32>, vector<16xi32>], vector<16xf32>,
      %mul3A_424 = arith.mulf %gather3A_419, %gather3A_423 : vector<16xf32>
      %add3A_425 = arith.addf %add3A_415, %mul3A_424 : vector<16xf32>
      %add3A_426 = arith.constant 30 : i32
      %add3A_427 = vector.broadcast %add3A_426 : i32 to vector<16xi32>
      %add3A_428 = arith.addi %mul3A_116, %add3A_427 : vector<16xi32>
      %gather3A_429 = tpu.vector_load_idx %arg13[%add3A_108, %add3A_428] : memref<128x128xf32, #tpu.memory_space<vmem>>[vector<16xi32>, vector<16xi32>], vector<16xf32>,
      %add3A_430 = arith.constant 30 : i32
      %add3A_431 = vector.broadcast %add3A_430 : i32 to vector<16xi32>
      %add3A_432 = arith.addi %mul3A_125, %add3A_431 : vector<16xi32>
      %gather3A_433 = tpu.vector_load_idx %arg15[%add3A_108, %add3A_432] : memref<128x128xf32, #tpu.memory_space<vmem>>[vector<16xi32>, vector<16xi32>], vector<16xf32>,
      %mul3A_434 = arith.mulf %gather3A_429, %gather3A_433 : vector<16xf32>
      %add3A_435 = arith.addf %add3A_425, %mul3A_434 : vector<16xf32>
      %add3A_436 = arith.constant 31 : i32
      %add3A_437 = vector.broadcast %add3A_436 : i32 to vector<16xi32>
      %add3A_438 = arith.addi %mul3A_116, %add3A_437 : vector<16xi32>
      %gather3A_439 = tpu.vector_load_idx %arg13[%add3A_108, %add3A_438] : memref<128x128xf32, #tpu.memory_space<vmem>>[vector<16xi32>, vector<16xi32>], vector<16xf32>,
      %add3A_440 = arith.constant 31 : i32
      %add3A_441 = vector.broadcast %add3A_440 : i32 to vector<16xi32>
      %add3A_442 = arith.addi %mul3A_125, %add3A_441 : vector<16xi32>
      %gather3A_443 = tpu.vector_load_idx %arg15[%add3A_108, %add3A_442] : memref<128x128xf32, #tpu.memory_space<vmem>>[vector<16xi32>, vector<16xi32>], vector<16xf32>,
      %mul3A_444 = arith.mulf %gather3A_439, %gather3A_443 : vector<16xf32>
      %add3A_445 = arith.addf %add3A_435, %mul3A_444 : vector<16xf32>
      %mul3A_446 = arith.constant 16 : i32
      %mul3A_447 = arith.muli %add3A_104, %mul3A_446 : i32
      %add3A_448 = arith.constant 0 : i32
      %add3A_449 = arith.addi %add3A_448, %mul3A_447 : i32
      %swap3A = arith.index_cast %add3A_449 : i32 to index
      %swap3A_450 = tpu.vector_load %arg17[%swap3A] {strides = array<i32>} : memref<512xf32, #tpu.memory_space<vmem>>, vector<16xf32>,
      tpu.vector_store %arg17[%swap3A], %add3A_445 {strides = array<i32>} : memref<512xf32, #tpu.memory_space<vmem>>, vector<16xf32>,
    }
    %scan3A_34 = arith.constant 8 : i32
    %dma_start3A_35 = arith.constant 256 : i32
    %dma_start3A_36 = tpu.memref_slice %arg9[%dma_start3A_35] : memref<512xi32, #tpu.memory_space<vmem>> -> memref<128xi32, #tpu.memory_space<vmem>>
    %dma_start3A_37 = arith.constant 0 : i32
    %dma_start3A_38 = arith.constant 0 : i32
    %dma_start3A_39 = tpu.memref_slice %arg6[%dma_start3A_37, %dma_start3A_38] : memref<251904x128xf32, #tpu.memory_space<hbm>> -> memref<251904x128xf32, #tpu.memory_space<hbm>>
    tpu.enqueue_indirect_dma source(%dma_start3A_39 : memref<251904x128xf32, #tpu.memory_space<hbm>>) target(%arg13 : memref<128x128xf32, #tpu.memory_space<vmem>>) offsets(%dma_start3A_36 : memref<128xi32, #tpu.memory_space<vmem>>) semaphore(%arg18 : memref<!tpu.dma_semaphore, #tpu.memory_space<semaphore_mem>>)
    %dma_start3A_40 = arith.constant 256 : i32
    %dma_start3A_41 = tpu.memref_slice %arg11[%dma_start3A_40] : memref<512xi32, #tpu.memory_space<vmem>> -> memref<128xi32, #tpu.memory_space<vmem>>
    %dma_start3A_42 = arith.constant 0 : i32
    %dma_start3A_43 = arith.constant 0 : i32
    %dma_start3A_44 = tpu.memref_slice %arg7[%dma_start3A_42, %dma_start3A_43] : memref<251904x128xf32, #tpu.memory_space<hbm>> -> memref<251904x128xf32, #tpu.memory_space<hbm>>
    tpu.enqueue_indirect_dma source(%dma_start3A_44 : memref<251904x128xf32, #tpu.memory_space<hbm>>) target(%arg15 : memref<128x128xf32, #tpu.memory_space<vmem>>) offsets(%dma_start3A_41 : memref<128xi32, #tpu.memory_space<vmem>>) semaphore(%arg19 : memref<!tpu.dma_semaphore, #tpu.memory_space<semaphore_mem>>)
    %dma_wait3A_45 = arith.constant 128 : i32
    %dma_wait3A_46 = tpu.memref_slice %arg9[%dma_wait3A_45] : memref<512xi32, #tpu.memory_space<vmem>> -> memref<128xi32, #tpu.memory_space<vmem>>
    %dma_wait3A_47 = arith.constant 0 : i32
    %dma_wait3A_48 = arith.constant 0 : i32
    %dma_wait3A_49 = tpu.memref_slice %arg6[%dma_wait3A_47, %dma_wait3A_48] : memref<251904x128xf32, #tpu.memory_space<hbm>> -> memref<251904x128xf32, #tpu.memory_space<hbm>>
    tpu.wait_indirect_dma semaphore(%arg18 : memref<!tpu.dma_semaphore, #tpu.memory_space<semaphore_mem>>) src(%dma_wait3A_49 : memref<251904x128xf32, #tpu.memory_space<hbm>>) dst(%arg14 : memref<128x128xf32, #tpu.memory_space<vmem>>)
    %dma_wait3A_50 = arith.constant 128 : i32
    %dma_wait3A_51 = tpu.memref_slice %arg11[%dma_wait3A_50] : memref<512xi32, #tpu.memory_space<vmem>> -> memref<128xi32, #tpu.memory_space<vmem>>
    %dma_wait3A_52 = arith.constant 0 : i32
    %dma_wait3A_53 = arith.constant 0 : i32
    %dma_wait3A_54 = tpu.memref_slice %arg7[%dma_wait3A_52, %dma_wait3A_53] : memref<251904x128xf32, #tpu.memory_space<hbm>> -> memref<251904x128xf32, #tpu.memory_space<hbm>>
    tpu.wait_indirect_dma semaphore(%arg19 : memref<!tpu.dma_semaphore, #tpu.memory_space<semaphore_mem>>) src(%dma_wait3A_54 : memref<251904x128xf32, #tpu.memory_space<hbm>>) dst(%arg16 : memref<128x128xf32, #tpu.memory_space<vmem>>)
    %scan3A_55 = arith.constant 0 : i32
    %scan3A_56 = arith.constant 8 : i32
    %scan3A_57 = arith.addi %scan3A_55, %scan3A_56 : i32
    %scan3A_58 = arith.constant 1 : i32
    scf.for %scan3A_100 = %scan3A_55 to %scan3A_57 step %scan3A_58  : i32 {
      %mul3A_101 = arith.constant 1 : i32
      %mul3A_102 = arith.muli %scan3A_100, %mul3A_101 : i32
      %add3A_103 = arith.constant 0 : i32
      %add3A_104 = arith.addi %add3A_103, %mul3A_102 : i32
      %mul3A_105 = arith.constant 16 : i32
      %mul3A_106 = arith.muli %add3A_104, %mul3A_105 : i32
      %add3A_107 = vector.broadcast %mul3A_106 : i32 to vector<16xi32>
      %add3A_108 = arith.addi %add3A_107, %iota3A : vector<16xi32>
      %mul3A_109 = arith.constant 16 : i32
      %mul3A_110 = arith.muli %add3A_104, %mul3A_109 : i32
      %add3A_111 = arith.constant 128 : i32
      %add3A_112 = arith.addi %add3A_111, %mul3A_110 : i32
      %get3A = arith.index_cast %add3A_112 : i32 to index
      %get3A_113 = tpu.vector_load %arg10[%get3A] {strides = array<i32>} : memref<512xi32, #tpu.memory_space<vmem>>, vector<16xi32>,
      %mul3A_114 = arith.constant 32 : i32
      %mul3A_115 = vector.broadcast %mul3A_114 : i32 to vector<16xi32>
      %mul3A_116 = arith.muli %get3A_113, %mul3A_115 : vector<16xi32>
      %mul3A_117 = arith.constant 16 : i32
      %mul3A_118 = arith.muli %add3A_104, %mul3A_117 : i32
      %add3A_119 = arith.constant 128 : i32
      %add3A_120 = arith.addi %add3A_119, %mul3A_118 : i32
      %get3A_121 = arith.index_cast %add3A_120 : i32 to index
      %get3A_122 = tpu.vector_load %arg12[%get3A_121] {strides = array<i32>} : memref<512xi32, #tpu.memory_space<vmem>>, vector<16xi32>,
      %mul3A_123 = arith.constant 32 : i32
      %mul3A_124 = vector.broadcast %mul3A_123 : i32 to vector<16xi32>
      %mul3A_125 = arith.muli %get3A_122, %mul3A_124 : vector<16xi32>
      %broadcast_in_dim3A = arith.constant 0.000000e+00 : f32
      %broadcast_in_dim3A_126 = vector.broadcast %broadcast_in_dim3A : f32 to vector<16xf32>
      %add3A_127 = arith.constant 0 : i32
      %add3A_128 = vector.broadcast %add3A_127 : i32 to vector<16xi32>
      %add3A_129 = arith.addi %mul3A_116, %add3A_128 : vector<16xi32>
      %gather3A = tpu.vector_load_idx %arg14[%add3A_108, %add3A_129] : memref<128x128xf32, #tpu.memory_space<vmem>>[vector<16xi32>, vector<16xi32>], vector<16xf32>,
      %add3A_130 = arith.constant 0 : i32
      %add3A_131 = vector.broadcast %add3A_130 : i32 to vector<16xi32>
      %add3A_132 = arith.addi %mul3A_125, %add3A_131 : vector<16xi32>
      %gather3A_133 = tpu.vector_load_idx %arg16[%add3A_108, %add3A_132] : memref<128x128xf32, #tpu.memory_space<vmem>>[vector<16xi32>, vector<16xi32>], vector<16xf32>,
      %mul3A_134 = arith.mulf %gather3A, %gather3A_133 : vector<16xf32>
      %add3A_135 = arith.addf %broadcast_in_dim3A_126, %mul3A_134 : vector<16xf32>
      %add3A_136 = arith.constant 1 : i32
      %add3A_137 = vector.broadcast %add3A_136 : i32 to vector<16xi32>
      %add3A_138 = arith.addi %mul3A_116, %add3A_137 : vector<16xi32>
      %gather3A_139 = tpu.vector_load_idx %arg14[%add3A_108, %add3A_138] : memref<128x128xf32, #tpu.memory_space<vmem>>[vector<16xi32>, vector<16xi32>], vector<16xf32>,
      %add3A_140 = arith.constant 1 : i32
      %add3A_141 = vector.broadcast %add3A_140 : i32 to vector<16xi32>
      %add3A_142 = arith.addi %mul3A_125, %add3A_141 : vector<16xi32>
      %gather3A_143 = tpu.vector_load_idx %arg16[%add3A_108, %add3A_142] : memref<128x128xf32, #tpu.memory_space<vmem>>[vector<16xi32>, vector<16xi32>], vector<16xf32>,
      %mul3A_144 = arith.mulf %gather3A_139, %gather3A_143 : vector<16xf32>
      %add3A_145 = arith.addf %add3A_135, %mul3A_144 : vector<16xf32>
      %add3A_146 = arith.constant 2 : i32
      %add3A_147 = vector.broadcast %add3A_146 : i32 to vector<16xi32>
      %add3A_148 = arith.addi %mul3A_116, %add3A_147 : vector<16xi32>
      %gather3A_149 = tpu.vector_load_idx %arg14[%add3A_108, %add3A_148] : memref<128x128xf32, #tpu.memory_space<vmem>>[vector<16xi32>, vector<16xi32>], vector<16xf32>,
      %add3A_150 = arith.constant 2 : i32
      %add3A_151 = vector.broadcast %add3A_150 : i32 to vector<16xi32>
      %add3A_152 = arith.addi %mul3A_125, %add3A_151 : vector<16xi32>
      %gather3A_153 = tpu.vector_load_idx %arg16[%add3A_108, %add3A_152] : memref<128x128xf32, #tpu.memory_space<vmem>>[vector<16xi32>, vector<16xi32>], vector<16xf32>,
      %mul3A_154 = arith.mulf %gather3A_149, %gather3A_153 : vector<16xf32>
      %add3A_155 = arith.addf %add3A_145, %mul3A_154 : vector<16xf32>
      %add3A_156 = arith.constant 3 : i32
      %add3A_157 = vector.broadcast %add3A_156 : i32 to vector<16xi32>
      %add3A_158 = arith.addi %mul3A_116, %add3A_157 : vector<16xi32>
      %gather3A_159 = tpu.vector_load_idx %arg14[%add3A_108, %add3A_158] : memref<128x128xf32, #tpu.memory_space<vmem>>[vector<16xi32>, vector<16xi32>], vector<16xf32>,
      %add3A_160 = arith.constant 3 : i32
      %add3A_161 = vector.broadcast %add3A_160 : i32 to vector<16xi32>
      %add3A_162 = arith.addi %mul3A_125, %add3A_161 : vector<16xi32>
      %gather3A_163 = tpu.vector_load_idx %arg16[%add3A_108, %add3A_162] : memref<128x128xf32, #tpu.memory_space<vmem>>[vector<16xi32>, vector<16xi32>], vector<16xf32>,
      %mul3A_164 = arith.mulf %gather3A_159, %gather3A_163 : vector<16xf32>
      %add3A_165 = arith.addf %add3A_155, %mul3A_164 : vector<16xf32>
      %add3A_166 = arith.constant 4 : i32
      %add3A_167 = vector.broadcast %add3A_166 : i32 to vector<16xi32>
      %add3A_168 = arith.addi %mul3A_116, %add3A_167 : vector<16xi32>
      %gather3A_169 = tpu.vector_load_idx %arg14[%add3A_108, %add3A_168] : memref<128x128xf32, #tpu.memory_space<vmem>>[vector<16xi32>, vector<16xi32>], vector<16xf32>,
      %add3A_170 = arith.constant 4 : i32
      %add3A_171 = vector.broadcast %add3A_170 : i32 to vector<16xi32>
      %add3A_172 = arith.addi %mul3A_125, %add3A_171 : vector<16xi32>
      %gather3A_173 = tpu.vector_load_idx %arg16[%add3A_108, %add3A_172] : memref<128x128xf32, #tpu.memory_space<vmem>>[vector<16xi32>, vector<16xi32>], vector<16xf32>,
      %mul3A_174 = arith.mulf %gather3A_169, %gather3A_173 : vector<16xf32>
      %add3A_175 = arith.addf %add3A_165, %mul3A_174 : vector<16xf32>
      %add3A_176 = arith.constant 5 : i32
      %add3A_177 = vector.broadcast %add3A_176 : i32 to vector<16xi32>
      %add3A_178 = arith.addi %mul3A_116, %add3A_177 : vector<16xi32>
      %gather3A_179 = tpu.vector_load_idx %arg14[%add3A_108, %add3A_178] : memref<128x128xf32, #tpu.memory_space<vmem>>[vector<16xi32>, vector<16xi32>], vector<16xf32>,
      %add3A_180 = arith.constant 5 : i32
      %add3A_181 = vector.broadcast %add3A_180 : i32 to vector<16xi32>
      %add3A_182 = arith.addi %mul3A_125, %add3A_181 : vector<16xi32>
      %gather3A_183 = tpu.vector_load_idx %arg16[%add3A_108, %add3A_182] : memref<128x128xf32, #tpu.memory_space<vmem>>[vector<16xi32>, vector<16xi32>], vector<16xf32>,
      %mul3A_184 = arith.mulf %gather3A_179, %gather3A_183 : vector<16xf32>
      %add3A_185 = arith.addf %add3A_175, %mul3A_184 : vector<16xf32>
      %add3A_186 = arith.constant 6 : i32
      %add3A_187 = vector.broadcast %add3A_186 : i32 to vector<16xi32>
      %add3A_188 = arith.addi %mul3A_116, %add3A_187 : vector<16xi32>
      %gather3A_189 = tpu.vector_load_idx %arg14[%add3A_108, %add3A_188] : memref<128x128xf32, #tpu.memory_space<vmem>>[vector<16xi32>, vector<16xi32>], vector<16xf32>,
      %add3A_190 = arith.constant 6 : i32
      %add3A_191 = vector.broadcast %add3A_190 : i32 to vector<16xi32>
      %add3A_192 = arith.addi %mul3A_125, %add3A_191 : vector<16xi32>
      %gather3A_193 = tpu.vector_load_idx %arg16[%add3A_108, %add3A_192] : memref<128x128xf32, #tpu.memory_space<vmem>>[vector<16xi32>, vector<16xi32>], vector<16xf32>,
      %mul3A_194 = arith.mulf %gather3A_189, %gather3A_193 : vector<16xf32>
      %add3A_195 = arith.addf %add3A_185, %mul3A_194 : vector<16xf32>
      %add3A_196 = arith.constant 7 : i32
      %add3A_197 = vector.broadcast %add3A_196 : i32 to vector<16xi32>
      %add3A_198 = arith.addi %mul3A_116, %add3A_197 : vector<16xi32>
      %gather3A_199 = tpu.vector_load_idx %arg14[%add3A_108, %add3A_198] : memref<128x128xf32, #tpu.memory_space<vmem>>[vector<16xi32>, vector<16xi32>], vector<16xf32>,
      %add3A_200 = arith.constant 7 : i32
      %add3A_201 = vector.broadcast %add3A_200 : i32 to vector<16xi32>
      %add3A_202 = arith.addi %mul3A_125, %add3A_201 : vector<16xi32>
      %gather3A_203 = tpu.vector_load_idx %arg16[%add3A_108, %add3A_202] : memref<128x128xf32, #tpu.memory_space<vmem>>[vector<16xi32>, vector<16xi32>], vector<16xf32>,
      %mul3A_204 = arith.mulf %gather3A_199, %gather3A_203 : vector<16xf32>
      %add3A_205 = arith.addf %add3A_195, %mul3A_204 : vector<16xf32>
      %add3A_206 = arith.constant 8 : i32
      %add3A_207 = vector.broadcast %add3A_206 : i32 to vector<16xi32>
      %add3A_208 = arith.addi %mul3A_116, %add3A_207 : vector<16xi32>
      %gather3A_209 = tpu.vector_load_idx %arg14[%add3A_108, %add3A_208] : memref<128x128xf32, #tpu.memory_space<vmem>>[vector<16xi32>, vector<16xi32>], vector<16xf32>,
      %add3A_210 = arith.constant 8 : i32
      %add3A_211 = vector.broadcast %add3A_210 : i32 to vector<16xi32>
      %add3A_212 = arith.addi %mul3A_125, %add3A_211 : vector<16xi32>
      %gather3A_213 = tpu.vector_load_idx %arg16[%add3A_108, %add3A_212] : memref<128x128xf32, #tpu.memory_space<vmem>>[vector<16xi32>, vector<16xi32>], vector<16xf32>,
      %mul3A_214 = arith.mulf %gather3A_209, %gather3A_213 : vector<16xf32>
      %add3A_215 = arith.addf %add3A_205, %mul3A_214 : vector<16xf32>
      %add3A_216 = arith.constant 9 : i32
      %add3A_217 = vector.broadcast %add3A_216 : i32 to vector<16xi32>
      %add3A_218 = arith.addi %mul3A_116, %add3A_217 : vector<16xi32>
      %gather3A_219 = tpu.vector_load_idx %arg14[%add3A_108, %add3A_218] : memref<128x128xf32, #tpu.memory_space<vmem>>[vector<16xi32>, vector<16xi32>], vector<16xf32>,
      %add3A_220 = arith.constant 9 : i32
      %add3A_221 = vector.broadcast %add3A_220 : i32 to vector<16xi32>
      %add3A_222 = arith.addi %mul3A_125, %add3A_221 : vector<16xi32>
      %gather3A_223 = tpu.vector_load_idx %arg16[%add3A_108, %add3A_222] : memref<128x128xf32, #tpu.memory_space<vmem>>[vector<16xi32>, vector<16xi32>], vector<16xf32>,
      %mul3A_224 = arith.mulf %gather3A_219, %gather3A_223 : vector<16xf32>
      %add3A_225 = arith.addf %add3A_215, %mul3A_224 : vector<16xf32>
      %add3A_226 = arith.constant 10 : i32
      %add3A_227 = vector.broadcast %add3A_226 : i32 to vector<16xi32>
      %add3A_228 = arith.addi %mul3A_116, %add3A_227 : vector<16xi32>
      %gather3A_229 = tpu.vector_load_idx %arg14[%add3A_108, %add3A_228] : memref<128x128xf32, #tpu.memory_space<vmem>>[vector<16xi32>, vector<16xi32>], vector<16xf32>,
      %add3A_230 = arith.constant 10 : i32
      %add3A_231 = vector.broadcast %add3A_230 : i32 to vector<16xi32>
      %add3A_232 = arith.addi %mul3A_125, %add3A_231 : vector<16xi32>
      %gather3A_233 = tpu.vector_load_idx %arg16[%add3A_108, %add3A_232] : memref<128x128xf32, #tpu.memory_space<vmem>>[vector<16xi32>, vector<16xi32>], vector<16xf32>,
      %mul3A_234 = arith.mulf %gather3A_229, %gather3A_233 : vector<16xf32>
      %add3A_235 = arith.addf %add3A_225, %mul3A_234 : vector<16xf32>
      %add3A_236 = arith.constant 11 : i32
      %add3A_237 = vector.broadcast %add3A_236 : i32 to vector<16xi32>
      %add3A_238 = arith.addi %mul3A_116, %add3A_237 : vector<16xi32>
      %gather3A_239 = tpu.vector_load_idx %arg14[%add3A_108, %add3A_238] : memref<128x128xf32, #tpu.memory_space<vmem>>[vector<16xi32>, vector<16xi32>], vector<16xf32>,
      %add3A_240 = arith.constant 11 : i32
      %add3A_241 = vector.broadcast %add3A_240 : i32 to vector<16xi32>
      %add3A_242 = arith.addi %mul3A_125, %add3A_241 : vector<16xi32>
      %gather3A_243 = tpu.vector_load_idx %arg16[%add3A_108, %add3A_242] : memref<128x128xf32, #tpu.memory_space<vmem>>[vector<16xi32>, vector<16xi32>], vector<16xf32>,
      %mul3A_244 = arith.mulf %gather3A_239, %gather3A_243 : vector<16xf32>
      %add3A_245 = arith.addf %add3A_235, %mul3A_244 : vector<16xf32>
      %add3A_246 = arith.constant 12 : i32
      %add3A_247 = vector.broadcast %add3A_246 : i32 to vector<16xi32>
      %add3A_248 = arith.addi %mul3A_116, %add3A_247 : vector<16xi32>
      %gather3A_249 = tpu.vector_load_idx %arg14[%add3A_108, %add3A_248] : memref<128x128xf32, #tpu.memory_space<vmem>>[vector<16xi32>, vector<16xi32>], vector<16xf32>,
      %add3A_250 = arith.constant 12 : i32
      %add3A_251 = vector.broadcast %add3A_250 : i32 to vector<16xi32>
      %add3A_252 = arith.addi %mul3A_125, %add3A_251 : vector<16xi32>
      %gather3A_253 = tpu.vector_load_idx %arg16[%add3A_108, %add3A_252] : memref<128x128xf32, #tpu.memory_space<vmem>>[vector<16xi32>, vector<16xi32>], vector<16xf32>,
      %mul3A_254 = arith.mulf %gather3A_249, %gather3A_253 : vector<16xf32>
      %add3A_255 = arith.addf %add3A_245, %mul3A_254 : vector<16xf32>
      %add3A_256 = arith.constant 13 : i32
      %add3A_257 = vector.broadcast %add3A_256 : i32 to vector<16xi32>
      %add3A_258 = arith.addi %mul3A_116, %add3A_257 : vector<16xi32>
      %gather3A_259 = tpu.vector_load_idx %arg14[%add3A_108, %add3A_258] : memref<128x128xf32, #tpu.memory_space<vmem>>[vector<16xi32>, vector<16xi32>], vector<16xf32>,
      %add3A_260 = arith.constant 13 : i32
      %add3A_261 = vector.broadcast %add3A_260 : i32 to vector<16xi32>
      %add3A_262 = arith.addi %mul3A_125, %add3A_261 : vector<16xi32>
      %gather3A_263 = tpu.vector_load_idx %arg16[%add3A_108, %add3A_262] : memref<128x128xf32, #tpu.memory_space<vmem>>[vector<16xi32>, vector<16xi32>], vector<16xf32>,
      %mul3A_264 = arith.mulf %gather3A_259, %gather3A_263 : vector<16xf32>
      %add3A_265 = arith.addf %add3A_255, %mul3A_264 : vector<16xf32>
      %add3A_266 = arith.constant 14 : i32
      %add3A_267 = vector.broadcast %add3A_266 : i32 to vector<16xi32>
      %add3A_268 = arith.addi %mul3A_116, %add3A_267 : vector<16xi32>
      %gather3A_269 = tpu.vector_load_idx %arg14[%add3A_108, %add3A_268] : memref<128x128xf32, #tpu.memory_space<vmem>>[vector<16xi32>, vector<16xi32>], vector<16xf32>,
      %add3A_270 = arith.constant 14 : i32
      %add3A_271 = vector.broadcast %add3A_270 : i32 to vector<16xi32>
      %add3A_272 = arith.addi %mul3A_125, %add3A_271 : vector<16xi32>
      %gather3A_273 = tpu.vector_load_idx %arg16[%add3A_108, %add3A_272] : memref<128x128xf32, #tpu.memory_space<vmem>>[vector<16xi32>, vector<16xi32>], vector<16xf32>,
      %mul3A_274 = arith.mulf %gather3A_269, %gather3A_273 : vector<16xf32>
      %add3A_275 = arith.addf %add3A_265, %mul3A_274 : vector<16xf32>
      %add3A_276 = arith.constant 15 : i32
      %add3A_277 = vector.broadcast %add3A_276 : i32 to vector<16xi32>
      %add3A_278 = arith.addi %mul3A_116, %add3A_277 : vector<16xi32>
      %gather3A_279 = tpu.vector_load_idx %arg14[%add3A_108, %add3A_278] : memref<128x128xf32, #tpu.memory_space<vmem>>[vector<16xi32>, vector<16xi32>], vector<16xf32>,
      %add3A_280 = arith.constant 15 : i32
      %add3A_281 = vector.broadcast %add3A_280 : i32 to vector<16xi32>
      %add3A_282 = arith.addi %mul3A_125, %add3A_281 : vector<16xi32>
      %gather3A_283 = tpu.vector_load_idx %arg16[%add3A_108, %add3A_282] : memref<128x128xf32, #tpu.memory_space<vmem>>[vector<16xi32>, vector<16xi32>], vector<16xf32>,
      %mul3A_284 = arith.mulf %gather3A_279, %gather3A_283 : vector<16xf32>
      %add3A_285 = arith.addf %add3A_275, %mul3A_284 : vector<16xf32>
      %add3A_286 = arith.constant 16 : i32
      %add3A_287 = vector.broadcast %add3A_286 : i32 to vector<16xi32>
      %add3A_288 = arith.addi %mul3A_116, %add3A_287 : vector<16xi32>
      %gather3A_289 = tpu.vector_load_idx %arg14[%add3A_108, %add3A_288] : memref<128x128xf32, #tpu.memory_space<vmem>>[vector<16xi32>, vector<16xi32>], vector<16xf32>,
      %add3A_290 = arith.constant 16 : i32
      %add3A_291 = vector.broadcast %add3A_290 : i32 to vector<16xi32>
      %add3A_292 = arith.addi %mul3A_125, %add3A_291 : vector<16xi32>
      %gather3A_293 = tpu.vector_load_idx %arg16[%add3A_108, %add3A_292] : memref<128x128xf32, #tpu.memory_space<vmem>>[vector<16xi32>, vector<16xi32>], vector<16xf32>,
      %mul3A_294 = arith.mulf %gather3A_289, %gather3A_293 : vector<16xf32>
      %add3A_295 = arith.addf %add3A_285, %mul3A_294 : vector<16xf32>
      %add3A_296 = arith.constant 17 : i32
      %add3A_297 = vector.broadcast %add3A_296 : i32 to vector<16xi32>
      %add3A_298 = arith.addi %mul3A_116, %add3A_297 : vector<16xi32>
      %gather3A_299 = tpu.vector_load_idx %arg14[%add3A_108, %add3A_298] : memref<128x128xf32, #tpu.memory_space<vmem>>[vector<16xi32>, vector<16xi32>], vector<16xf32>,
      %add3A_300 = arith.constant 17 : i32
      %add3A_301 = vector.broadcast %add3A_300 : i32 to vector<16xi32>
      %add3A_302 = arith.addi %mul3A_125, %add3A_301 : vector<16xi32>
      %gather3A_303 = tpu.vector_load_idx %arg16[%add3A_108, %add3A_302] : memref<128x128xf32, #tpu.memory_space<vmem>>[vector<16xi32>, vector<16xi32>], vector<16xf32>,
      %mul3A_304 = arith.mulf %gather3A_299, %gather3A_303 : vector<16xf32>
      %add3A_305 = arith.addf %add3A_295, %mul3A_304 : vector<16xf32>
      %add3A_306 = arith.constant 18 : i32
      %add3A_307 = vector.broadcast %add3A_306 : i32 to vector<16xi32>
      %add3A_308 = arith.addi %mul3A_116, %add3A_307 : vector<16xi32>
      %gather3A_309 = tpu.vector_load_idx %arg14[%add3A_108, %add3A_308] : memref<128x128xf32, #tpu.memory_space<vmem>>[vector<16xi32>, vector<16xi32>], vector<16xf32>,
      %add3A_310 = arith.constant 18 : i32
      %add3A_311 = vector.broadcast %add3A_310 : i32 to vector<16xi32>
      %add3A_312 = arith.addi %mul3A_125, %add3A_311 : vector<16xi32>
      %gather3A_313 = tpu.vector_load_idx %arg16[%add3A_108, %add3A_312] : memref<128x128xf32, #tpu.memory_space<vmem>>[vector<16xi32>, vector<16xi32>], vector<16xf32>,
      %mul3A_314 = arith.mulf %gather3A_309, %gather3A_313 : vector<16xf32>
      %add3A_315 = arith.addf %add3A_305, %mul3A_314 : vector<16xf32>
      %add3A_316 = arith.constant 19 : i32
      %add3A_317 = vector.broadcast %add3A_316 : i32 to vector<16xi32>
      %add3A_318 = arith.addi %mul3A_116, %add3A_317 : vector<16xi32>
      %gather3A_319 = tpu.vector_load_idx %arg14[%add3A_108, %add3A_318] : memref<128x128xf32, #tpu.memory_space<vmem>>[vector<16xi32>, vector<16xi32>], vector<16xf32>,
      %add3A_320 = arith.constant 19 : i32
      %add3A_321 = vector.broadcast %add3A_320 : i32 to vector<16xi32>
      %add3A_322 = arith.addi %mul3A_125, %add3A_321 : vector<16xi32>
      %gather3A_323 = tpu.vector_load_idx %arg16[%add3A_108, %add3A_322] : memref<128x128xf32, #tpu.memory_space<vmem>>[vector<16xi32>, vector<16xi32>], vector<16xf32>,
      %mul3A_324 = arith.mulf %gather3A_319, %gather3A_323 : vector<16xf32>
      %add3A_325 = arith.addf %add3A_315, %mul3A_324 : vector<16xf32>
      %add3A_326 = arith.constant 20 : i32
      %add3A_327 = vector.broadcast %add3A_326 : i32 to vector<16xi32>
      %add3A_328 = arith.addi %mul3A_116, %add3A_327 : vector<16xi32>
      %gather3A_329 = tpu.vector_load_idx %arg14[%add3A_108, %add3A_328] : memref<128x128xf32, #tpu.memory_space<vmem>>[vector<16xi32>, vector<16xi32>], vector<16xf32>,
      %add3A_330 = arith.constant 20 : i32
      %add3A_331 = vector.broadcast %add3A_330 : i32 to vector<16xi32>
      %add3A_332 = arith.addi %mul3A_125, %add3A_331 : vector<16xi32>
      %gather3A_333 = tpu.vector_load_idx %arg16[%add3A_108, %add3A_332] : memref<128x128xf32, #tpu.memory_space<vmem>>[vector<16xi32>, vector<16xi32>], vector<16xf32>,
      %mul3A_334 = arith.mulf %gather3A_329, %gather3A_333 : vector<16xf32>
      %add3A_335 = arith.addf %add3A_325, %mul3A_334 : vector<16xf32>
      %add3A_336 = arith.constant 21 : i32
      %add3A_337 = vector.broadcast %add3A_336 : i32 to vector<16xi32>
      %add3A_338 = arith.addi %mul3A_116, %add3A_337 : vector<16xi32>
      %gather3A_339 = tpu.vector_load_idx %arg14[%add3A_108, %add3A_338] : memref<128x128xf32, #tpu.memory_space<vmem>>[vector<16xi32>, vector<16xi32>], vector<16xf32>,
      %add3A_340 = arith.constant 21 : i32
      %add3A_341 = vector.broadcast %add3A_340 : i32 to vector<16xi32>
      %add3A_342 = arith.addi %mul3A_125, %add3A_341 : vector<16xi32>
      %gather3A_343 = tpu.vector_load_idx %arg16[%add3A_108, %add3A_342] : memref<128x128xf32, #tpu.memory_space<vmem>>[vector<16xi32>, vector<16xi32>], vector<16xf32>,
      %mul3A_344 = arith.mulf %gather3A_339, %gather3A_343 : vector<16xf32>
      %add3A_345 = arith.addf %add3A_335, %mul3A_344 : vector<16xf32>
      %add3A_346 = arith.constant 22 : i32
      %add3A_347 = vector.broadcast %add3A_346 : i32 to vector<16xi32>
      %add3A_348 = arith.addi %mul3A_116, %add3A_347 : vector<16xi32>
      %gather3A_349 = tpu.vector_load_idx %arg14[%add3A_108, %add3A_348] : memref<128x128xf32, #tpu.memory_space<vmem>>[vector<16xi32>, vector<16xi32>], vector<16xf32>,
      %add3A_350 = arith.constant 22 : i32
      %add3A_351 = vector.broadcast %add3A_350 : i32 to vector<16xi32>
      %add3A_352 = arith.addi %mul3A_125, %add3A_351 : vector<16xi32>
      %gather3A_353 = tpu.vector_load_idx %arg16[%add3A_108, %add3A_352] : memref<128x128xf32, #tpu.memory_space<vmem>>[vector<16xi32>, vector<16xi32>], vector<16xf32>,
      %mul3A_354 = arith.mulf %gather3A_349, %gather3A_353 : vector<16xf32>
      %add3A_355 = arith.addf %add3A_345, %mul3A_354 : vector<16xf32>
      %add3A_356 = arith.constant 23 : i32
      %add3A_357 = vector.broadcast %add3A_356 : i32 to vector<16xi32>
      %add3A_358 = arith.addi %mul3A_116, %add3A_357 : vector<16xi32>
      %gather3A_359 = tpu.vector_load_idx %arg14[%add3A_108, %add3A_358] : memref<128x128xf32, #tpu.memory_space<vmem>>[vector<16xi32>, vector<16xi32>], vector<16xf32>,
      %add3A_360 = arith.constant 23 : i32
      %add3A_361 = vector.broadcast %add3A_360 : i32 to vector<16xi32>
      %add3A_362 = arith.addi %mul3A_125, %add3A_361 : vector<16xi32>
      %gather3A_363 = tpu.vector_load_idx %arg16[%add3A_108, %add3A_362] : memref<128x128xf32, #tpu.memory_space<vmem>>[vector<16xi32>, vector<16xi32>], vector<16xf32>,
      %mul3A_364 = arith.mulf %gather3A_359, %gather3A_363 : vector<16xf32>
      %add3A_365 = arith.addf %add3A_355, %mul3A_364 : vector<16xf32>
      %add3A_366 = arith.constant 24 : i32
      %add3A_367 = vector.broadcast %add3A_366 : i32 to vector<16xi32>
      %add3A_368 = arith.addi %mul3A_116, %add3A_367 : vector<16xi32>
      %gather3A_369 = tpu.vector_load_idx %arg14[%add3A_108, %add3A_368] : memref<128x128xf32, #tpu.memory_space<vmem>>[vector<16xi32>, vector<16xi32>], vector<16xf32>,
      %add3A_370 = arith.constant 24 : i32
      %add3A_371 = vector.broadcast %add3A_370 : i32 to vector<16xi32>
      %add3A_372 = arith.addi %mul3A_125, %add3A_371 : vector<16xi32>
      %gather3A_373 = tpu.vector_load_idx %arg16[%add3A_108, %add3A_372] : memref<128x128xf32, #tpu.memory_space<vmem>>[vector<16xi32>, vector<16xi32>], vector<16xf32>,
      %mul3A_374 = arith.mulf %gather3A_369, %gather3A_373 : vector<16xf32>
      %add3A_375 = arith.addf %add3A_365, %mul3A_374 : vector<16xf32>
      %add3A_376 = arith.constant 25 : i32
      %add3A_377 = vector.broadcast %add3A_376 : i32 to vector<16xi32>
      %add3A_378 = arith.addi %mul3A_116, %add3A_377 : vector<16xi32>
      %gather3A_379 = tpu.vector_load_idx %arg14[%add3A_108, %add3A_378] : memref<128x128xf32, #tpu.memory_space<vmem>>[vector<16xi32>, vector<16xi32>], vector<16xf32>,
      %add3A_380 = arith.constant 25 : i32
      %add3A_381 = vector.broadcast %add3A_380 : i32 to vector<16xi32>
      %add3A_382 = arith.addi %mul3A_125, %add3A_381 : vector<16xi32>
      %gather3A_383 = tpu.vector_load_idx %arg16[%add3A_108, %add3A_382] : memref<128x128xf32, #tpu.memory_space<vmem>>[vector<16xi32>, vector<16xi32>], vector<16xf32>,
      %mul3A_384 = arith.mulf %gather3A_379, %gather3A_383 : vector<16xf32>
      %add3A_385 = arith.addf %add3A_375, %mul3A_384 : vector<16xf32>
      %add3A_386 = arith.constant 26 : i32
      %add3A_387 = vector.broadcast %add3A_386 : i32 to vector<16xi32>
      %add3A_388 = arith.addi %mul3A_116, %add3A_387 : vector<16xi32>
      %gather3A_389 = tpu.vector_load_idx %arg14[%add3A_108, %add3A_388] : memref<128x128xf32, #tpu.memory_space<vmem>>[vector<16xi32>, vector<16xi32>], vector<16xf32>,
      %add3A_390 = arith.constant 26 : i32
      %add3A_391 = vector.broadcast %add3A_390 : i32 to vector<16xi32>
      %add3A_392 = arith.addi %mul3A_125, %add3A_391 : vector<16xi32>
      %gather3A_393 = tpu.vector_load_idx %arg16[%add3A_108, %add3A_392] : memref<128x128xf32, #tpu.memory_space<vmem>>[vector<16xi32>, vector<16xi32>], vector<16xf32>,
      %mul3A_394 = arith.mulf %gather3A_389, %gather3A_393 : vector<16xf32>
      %add3A_395 = arith.addf %add3A_385, %mul3A_394 : vector<16xf32>
      %add3A_396 = arith.constant 27 : i32
      %add3A_397 = vector.broadcast %add3A_396 : i32 to vector<16xi32>
      %add3A_398 = arith.addi %mul3A_116, %add3A_397 : vector<16xi32>
      %gather3A_399 = tpu.vector_load_idx %arg14[%add3A_108, %add3A_398] : memref<128x128xf32, #tpu.memory_space<vmem>>[vector<16xi32>, vector<16xi32>], vector<16xf32>,
      %add3A_400 = arith.constant 27 : i32
      %add3A_401 = vector.broadcast %add3A_400 : i32 to vector<16xi32>
      %add3A_402 = arith.addi %mul3A_125, %add3A_401 : vector<16xi32>
      %gather3A_403 = tpu.vector_load_idx %arg16[%add3A_108, %add3A_402] : memref<128x128xf32, #tpu.memory_space<vmem>>[vector<16xi32>, vector<16xi32>], vector<16xf32>,
      %mul3A_404 = arith.mulf %gather3A_399, %gather3A_403 : vector<16xf32>
      %add3A_405 = arith.addf %add3A_395, %mul3A_404 : vector<16xf32>
      %add3A_406 = arith.constant 28 : i32
      %add3A_407 = vector.broadcast %add3A_406 : i32 to vector<16xi32>
      %add3A_408 = arith.addi %mul3A_116, %add3A_407 : vector<16xi32>
      %gather3A_409 = tpu.vector_load_idx %arg14[%add3A_108, %add3A_408] : memref<128x128xf32, #tpu.memory_space<vmem>>[vector<16xi32>, vector<16xi32>], vector<16xf32>,
      %add3A_410 = arith.constant 28 : i32
      %add3A_411 = vector.broadcast %add3A_410 : i32 to vector<16xi32>
      %add3A_412 = arith.addi %mul3A_125, %add3A_411 : vector<16xi32>
      %gather3A_413 = tpu.vector_load_idx %arg16[%add3A_108, %add3A_412] : memref<128x128xf32, #tpu.memory_space<vmem>>[vector<16xi32>, vector<16xi32>], vector<16xf32>,
      %mul3A_414 = arith.mulf %gather3A_409, %gather3A_413 : vector<16xf32>
      %add3A_415 = arith.addf %add3A_405, %mul3A_414 : vector<16xf32>
      %add3A_416 = arith.constant 29 : i32
      %add3A_417 = vector.broadcast %add3A_416 : i32 to vector<16xi32>
      %add3A_418 = arith.addi %mul3A_116, %add3A_417 : vector<16xi32>
      %gather3A_419 = tpu.vector_load_idx %arg14[%add3A_108, %add3A_418] : memref<128x128xf32, #tpu.memory_space<vmem>>[vector<16xi32>, vector<16xi32>], vector<16xf32>,
      %add3A_420 = arith.constant 29 : i32
      %add3A_421 = vector.broadcast %add3A_420 : i32 to vector<16xi32>
      %add3A_422 = arith.addi %mul3A_125, %add3A_421 : vector<16xi32>
      %gather3A_423 = tpu.vector_load_idx %arg16[%add3A_108, %add3A_422] : memref<128x128xf32, #tpu.memory_space<vmem>>[vector<16xi32>, vector<16xi32>], vector<16xf32>,
      %mul3A_424 = arith.mulf %gather3A_419, %gather3A_423 : vector<16xf32>
      %add3A_425 = arith.addf %add3A_415, %mul3A_424 : vector<16xf32>
      %add3A_426 = arith.constant 30 : i32
      %add3A_427 = vector.broadcast %add3A_426 : i32 to vector<16xi32>
      %add3A_428 = arith.addi %mul3A_116, %add3A_427 : vector<16xi32>
      %gather3A_429 = tpu.vector_load_idx %arg14[%add3A_108, %add3A_428] : memref<128x128xf32, #tpu.memory_space<vmem>>[vector<16xi32>, vector<16xi32>], vector<16xf32>,
      %add3A_430 = arith.constant 30 : i32
      %add3A_431 = vector.broadcast %add3A_430 : i32 to vector<16xi32>
      %add3A_432 = arith.addi %mul3A_125, %add3A_431 : vector<16xi32>
      %gather3A_433 = tpu.vector_load_idx %arg16[%add3A_108, %add3A_432] : memref<128x128xf32, #tpu.memory_space<vmem>>[vector<16xi32>, vector<16xi32>], vector<16xf32>,
      %mul3A_434 = arith.mulf %gather3A_429, %gather3A_433 : vector<16xf32>
      %add3A_435 = arith.addf %add3A_425, %mul3A_434 : vector<16xf32>
      %add3A_436 = arith.constant 31 : i32
      %add3A_437 = vector.broadcast %add3A_436 : i32 to vector<16xi32>
      %add3A_438 = arith.addi %mul3A_116, %add3A_437 : vector<16xi32>
      %gather3A_439 = tpu.vector_load_idx %arg14[%add3A_108, %add3A_438] : memref<128x128xf32, #tpu.memory_space<vmem>>[vector<16xi32>, vector<16xi32>], vector<16xf32>,
      %add3A_440 = arith.constant 31 : i32
      %add3A_441 = vector.broadcast %add3A_440 : i32 to vector<16xi32>
      %add3A_442 = arith.addi %mul3A_125, %add3A_441 : vector<16xi32>
      %gather3A_443 = tpu.vector_load_idx %arg16[%add3A_108, %add3A_442] : memref<128x128xf32, #tpu.memory_space<vmem>>[vector<16xi32>, vector<16xi32>], vector<16xf32>,
      %mul3A_444 = arith.mulf %gather3A_439, %gather3A_443 : vector<16xf32>
      %add3A_445 = arith.addf %add3A_435, %mul3A_444 : vector<16xf32>
      %mul3A_446 = arith.constant 16 : i32
      %mul3A_447 = arith.muli %add3A_104, %mul3A_446 : i32
      %add3A_448 = arith.constant 128 : i32
      %add3A_449 = arith.addi %add3A_448, %mul3A_447 : i32
      %swap3A = arith.index_cast %add3A_449 : i32 to index
      %swap3A_450 = tpu.vector_load %arg17[%swap3A] {strides = array<i32>} : memref<512xf32, #tpu.memory_space<vmem>>, vector<16xf32>,
      tpu.vector_store %arg17[%swap3A], %add3A_445 {strides = array<i32>} : memref<512xf32, #tpu.memory_space<vmem>>, vector<16xf32>,
    }
    %scan3A_59 = arith.constant 8 : i32
    %dma_start3A_60 = arith.constant 384 : i32
    %dma_start3A_61 = tpu.memref_slice %arg9[%dma_start3A_60] : memref<512xi32, #tpu.memory_space<vmem>> -> memref<128xi32, #tpu.memory_space<vmem>>
    %dma_start3A_62 = arith.constant 0 : i32
    %dma_start3A_63 = arith.constant 0 : i32
    %dma_start3A_64 = tpu.memref_slice %arg6[%dma_start3A_62, %dma_start3A_63] : memref<251904x128xf32, #tpu.memory_space<hbm>> -> memref<251904x128xf32, #tpu.memory_space<hbm>>
    tpu.enqueue_indirect_dma source(%dma_start3A_64 : memref<251904x128xf32, #tpu.memory_space<hbm>>) target(%arg14 : memref<128x128xf32, #tpu.memory_space<vmem>>) offsets(%dma_start3A_61 : memref<128xi32, #tpu.memory_space<vmem>>) semaphore(%arg18 : memref<!tpu.dma_semaphore, #tpu.memory_space<semaphore_mem>>)
    %dma_start3A_65 = arith.constant 384 : i32
    %dma_start3A_66 = tpu.memref_slice %arg11[%dma_start3A_65] : memref<512xi32, #tpu.memory_space<vmem>> -> memref<128xi32, #tpu.memory_space<vmem>>
    %dma_start3A_67 = arith.constant 0 : i32
    %dma_start3A_68 = arith.constant 0 : i32
    %dma_start3A_69 = tpu.memref_slice %arg7[%dma_start3A_67, %dma_start3A_68] : memref<251904x128xf32, #tpu.memory_space<hbm>> -> memref<251904x128xf32, #tpu.memory_space<hbm>>
    tpu.enqueue_indirect_dma source(%dma_start3A_69 : memref<251904x128xf32, #tpu.memory_space<hbm>>) target(%arg16 : memref<128x128xf32, #tpu.memory_space<vmem>>) offsets(%dma_start3A_66 : memref<128xi32, #tpu.memory_space<vmem>>) semaphore(%arg19 : memref<!tpu.dma_semaphore, #tpu.memory_space<semaphore_mem>>)
    %dma_wait3A_70 = arith.constant 256 : i32
    %dma_wait3A_71 = tpu.memref_slice %arg9[%dma_wait3A_70] : memref<512xi32, #tpu.memory_space<vmem>> -> memref<128xi32, #tpu.memory_space<vmem>>
    %dma_wait3A_72 = arith.constant 0 : i32
    %dma_wait3A_73 = arith.constant 0 : i32
    %dma_wait3A_74 = tpu.memref_slice %arg6[%dma_wait3A_72, %dma_wait3A_73] : memref<251904x128xf32, #tpu.memory_space<hbm>> -> memref<251904x128xf32, #tpu.memory_space<hbm>>
    tpu.wait_indirect_dma semaphore(%arg18 : memref<!tpu.dma_semaphore, #tpu.memory_space<semaphore_mem>>) src(%dma_wait3A_74 : memref<251904x128xf32, #tpu.memory_space<hbm>>) dst(%arg13 : memref<128x128xf32, #tpu.memory_space<vmem>>)
    %dma_wait3A_75 = arith.constant 256 : i32
    %dma_wait3A_76 = tpu.memref_slice %arg11[%dma_wait3A_75] : memref<512xi32, #tpu.memory_space<vmem>> -> memref<128xi32, #tpu.memory_space<vmem>>
    %dma_wait3A_77 = arith.constant 0 : i32
    %dma_wait3A_78 = arith.constant 0 : i32
    %dma_wait3A_79 = tpu.memref_slice %arg7[%dma_wait3A_77, %dma_wait3A_78] : memref<251904x128xf32, #tpu.memory_space<hbm>> -> memref<251904x128xf32, #tpu.memory_space<hbm>>
    tpu.wait_indirect_dma semaphore(%arg19 : memref<!tpu.dma_semaphore, #tpu.memory_space<semaphore_mem>>) src(%dma_wait3A_79 : memref<251904x128xf32, #tpu.memory_space<hbm>>) dst(%arg15 : memref<128x128xf32, #tpu.memory_space<vmem>>)
    %scan3A_80 = arith.constant 0 : i32
    %scan3A_81 = arith.constant 8 : i32
    %scan3A_82 = arith.addi %scan3A_80, %scan3A_81 : i32
    %scan3A_83 = arith.constant 1 : i32
    scf.for %scan3A_100 = %scan3A_80 to %scan3A_82 step %scan3A_83  : i32 {
      %mul3A_101 = arith.constant 1 : i32
      %mul3A_102 = arith.muli %scan3A_100, %mul3A_101 : i32
      %add3A_103 = arith.constant 0 : i32
      %add3A_104 = arith.addi %add3A_103, %mul3A_102 : i32
      %mul3A_105 = arith.constant 16 : i32
      %mul3A_106 = arith.muli %add3A_104, %mul3A_105 : i32
      %add3A_107 = vector.broadcast %mul3A_106 : i32 to vector<16xi32>
      %add3A_108 = arith.addi %add3A_107, %iota3A : vector<16xi32>
      %mul3A_109 = arith.constant 16 : i32
      %mul3A_110 = arith.muli %add3A_104, %mul3A_109 : i32
      %add3A_111 = arith.constant 256 : i32
      %add3A_112 = arith.addi %add3A_111, %mul3A_110 : i32
      %get3A = arith.index_cast %add3A_112 : i32 to index
      %get3A_113 = tpu.vector_load %arg10[%get3A] {strides = array<i32>} : memref<512xi32, #tpu.memory_space<vmem>>, vector<16xi32>,
      %mul3A_114 = arith.constant 32 : i32
      %mul3A_115 = vector.broadcast %mul3A_114 : i32 to vector<16xi32>
      %mul3A_116 = arith.muli %get3A_113, %mul3A_115 : vector<16xi32>
      %mul3A_117 = arith.constant 16 : i32
      %mul3A_118 = arith.muli %add3A_104, %mul3A_117 : i32
      %add3A_119 = arith.constant 256 : i32
      %add3A_120 = arith.addi %add3A_119, %mul3A_118 : i32
      %get3A_121 = arith.index_cast %add3A_120 : i32 to index
      %get3A_122 = tpu.vector_load %arg12[%get3A_121] {strides = array<i32>} : memref<512xi32, #tpu.memory_space<vmem>>, vector<16xi32>,
      %mul3A_123 = arith.constant 32 : i32
      %mul3A_124 = vector.broadcast %mul3A_123 : i32 to vector<16xi32>
      %mul3A_125 = arith.muli %get3A_122, %mul3A_124 : vector<16xi32>
      %broadcast_in_dim3A = arith.constant 0.000000e+00 : f32
      %broadcast_in_dim3A_126 = vector.broadcast %broadcast_in_dim3A : f32 to vector<16xf32>
      %add3A_127 = arith.constant 0 : i32
      %add3A_128 = vector.broadcast %add3A_127 : i32 to vector<16xi32>
      %add3A_129 = arith.addi %mul3A_116, %add3A_128 : vector<16xi32>
      %gather3A = tpu.vector_load_idx %arg13[%add3A_108, %add3A_129] : memref<128x128xf32, #tpu.memory_space<vmem>>[vector<16xi32>, vector<16xi32>], vector<16xf32>,
      %add3A_130 = arith.constant 0 : i32
      %add3A_131 = vector.broadcast %add3A_130 : i32 to vector<16xi32>
      %add3A_132 = arith.addi %mul3A_125, %add3A_131 : vector<16xi32>
      %gather3A_133 = tpu.vector_load_idx %arg15[%add3A_108, %add3A_132] : memref<128x128xf32, #tpu.memory_space<vmem>>[vector<16xi32>, vector<16xi32>], vector<16xf32>,
      %mul3A_134 = arith.mulf %gather3A, %gather3A_133 : vector<16xf32>
      %add3A_135 = arith.addf %broadcast_in_dim3A_126, %mul3A_134 : vector<16xf32>
      %add3A_136 = arith.constant 1 : i32
      %add3A_137 = vector.broadcast %add3A_136 : i32 to vector<16xi32>
      %add3A_138 = arith.addi %mul3A_116, %add3A_137 : vector<16xi32>
      %gather3A_139 = tpu.vector_load_idx %arg13[%add3A_108, %add3A_138] : memref<128x128xf32, #tpu.memory_space<vmem>>[vector<16xi32>, vector<16xi32>], vector<16xf32>,
      %add3A_140 = arith.constant 1 : i32
      %add3A_141 = vector.broadcast %add3A_140 : i32 to vector<16xi32>
      %add3A_142 = arith.addi %mul3A_125, %add3A_141 : vector<16xi32>
      %gather3A_143 = tpu.vector_load_idx %arg15[%add3A_108, %add3A_142] : memref<128x128xf32, #tpu.memory_space<vmem>>[vector<16xi32>, vector<16xi32>], vector<16xf32>,
      %mul3A_144 = arith.mulf %gather3A_139, %gather3A_143 : vector<16xf32>
      %add3A_145 = arith.addf %add3A_135, %mul3A_144 : vector<16xf32>
      %add3A_146 = arith.constant 2 : i32
      %add3A_147 = vector.broadcast %add3A_146 : i32 to vector<16xi32>
      %add3A_148 = arith.addi %mul3A_116, %add3A_147 : vector<16xi32>
      %gather3A_149 = tpu.vector_load_idx %arg13[%add3A_108, %add3A_148] : memref<128x128xf32, #tpu.memory_space<vmem>>[vector<16xi32>, vector<16xi32>], vector<16xf32>,
      %add3A_150 = arith.constant 2 : i32
      %add3A_151 = vector.broadcast %add3A_150 : i32 to vector<16xi32>
      %add3A_152 = arith.addi %mul3A_125, %add3A_151 : vector<16xi32>
      %gather3A_153 = tpu.vector_load_idx %arg15[%add3A_108, %add3A_152] : memref<128x128xf32, #tpu.memory_space<vmem>>[vector<16xi32>, vector<16xi32>], vector<16xf32>,
      %mul3A_154 = arith.mulf %gather3A_149, %gather3A_153 : vector<16xf32>
      %add3A_155 = arith.addf %add3A_145, %mul3A_154 : vector<16xf32>
      %add3A_156 = arith.constant 3 : i32
      %add3A_157 = vector.broadcast %add3A_156 : i32 to vector<16xi32>
      %add3A_158 = arith.addi %mul3A_116, %add3A_157 : vector<16xi32>
      %gather3A_159 = tpu.vector_load_idx %arg13[%add3A_108, %add3A_158] : memref<128x128xf32, #tpu.memory_space<vmem>>[vector<16xi32>, vector<16xi32>], vector<16xf32>,
      %add3A_160 = arith.constant 3 : i32
      %add3A_161 = vector.broadcast %add3A_160 : i32 to vector<16xi32>
      %add3A_162 = arith.addi %mul3A_125, %add3A_161 : vector<16xi32>
      %gather3A_163 = tpu.vector_load_idx %arg15[%add3A_108, %add3A_162] : memref<128x128xf32, #tpu.memory_space<vmem>>[vector<16xi32>, vector<16xi32>], vector<16xf32>,
      %mul3A_164 = arith.mulf %gather3A_159, %gather3A_163 : vector<16xf32>
      %add3A_165 = arith.addf %add3A_155, %mul3A_164 : vector<16xf32>
      %add3A_166 = arith.constant 4 : i32
      %add3A_167 = vector.broadcast %add3A_166 : i32 to vector<16xi32>
      %add3A_168 = arith.addi %mul3A_116, %add3A_167 : vector<16xi32>
      %gather3A_169 = tpu.vector_load_idx %arg13[%add3A_108, %add3A_168] : memref<128x128xf32, #tpu.memory_space<vmem>>[vector<16xi32>, vector<16xi32>], vector<16xf32>,
      %add3A_170 = arith.constant 4 : i32
      %add3A_171 = vector.broadcast %add3A_170 : i32 to vector<16xi32>
      %add3A_172 = arith.addi %mul3A_125, %add3A_171 : vector<16xi32>
      %gather3A_173 = tpu.vector_load_idx %arg15[%add3A_108, %add3A_172] : memref<128x128xf32, #tpu.memory_space<vmem>>[vector<16xi32>, vector<16xi32>], vector<16xf32>,
      %mul3A_174 = arith.mulf %gather3A_169, %gather3A_173 : vector<16xf32>
      %add3A_175 = arith.addf %add3A_165, %mul3A_174 : vector<16xf32>
      %add3A_176 = arith.constant 5 : i32
      %add3A_177 = vector.broadcast %add3A_176 : i32 to vector<16xi32>
      %add3A_178 = arith.addi %mul3A_116, %add3A_177 : vector<16xi32>
      %gather3A_179 = tpu.vector_load_idx %arg13[%add3A_108, %add3A_178] : memref<128x128xf32, #tpu.memory_space<vmem>>[vector<16xi32>, vector<16xi32>], vector<16xf32>,
      %add3A_180 = arith.constant 5 : i32
      %add3A_181 = vector.broadcast %add3A_180 : i32 to vector<16xi32>
      %add3A_182 = arith.addi %mul3A_125, %add3A_181 : vector<16xi32>
      %gather3A_183 = tpu.vector_load_idx %arg15[%add3A_108, %add3A_182] : memref<128x128xf32, #tpu.memory_space<vmem>>[vector<16xi32>, vector<16xi32>], vector<16xf32>,
      %mul3A_184 = arith.mulf %gather3A_179, %gather3A_183 : vector<16xf32>
      %add3A_185 = arith.addf %add3A_175, %mul3A_184 : vector<16xf32>
      %add3A_186 = arith.constant 6 : i32
      %add3A_187 = vector.broadcast %add3A_186 : i32 to vector<16xi32>
      %add3A_188 = arith.addi %mul3A_116, %add3A_187 : vector<16xi32>
      %gather3A_189 = tpu.vector_load_idx %arg13[%add3A_108, %add3A_188] : memref<128x128xf32, #tpu.memory_space<vmem>>[vector<16xi32>, vector<16xi32>], vector<16xf32>,
      %add3A_190 = arith.constant 6 : i32
      %add3A_191 = vector.broadcast %add3A_190 : i32 to vector<16xi32>
      %add3A_192 = arith.addi %mul3A_125, %add3A_191 : vector<16xi32>
      %gather3A_193 = tpu.vector_load_idx %arg15[%add3A_108, %add3A_192] : memref<128x128xf32, #tpu.memory_space<vmem>>[vector<16xi32>, vector<16xi32>], vector<16xf32>,
      %mul3A_194 = arith.mulf %gather3A_189, %gather3A_193 : vector<16xf32>
      %add3A_195 = arith.addf %add3A_185, %mul3A_194 : vector<16xf32>
      %add3A_196 = arith.constant 7 : i32
      %add3A_197 = vector.broadcast %add3A_196 : i32 to vector<16xi32>
      %add3A_198 = arith.addi %mul3A_116, %add3A_197 : vector<16xi32>
      %gather3A_199 = tpu.vector_load_idx %arg13[%add3A_108, %add3A_198] : memref<128x128xf32, #tpu.memory_space<vmem>>[vector<16xi32>, vector<16xi32>], vector<16xf32>,
      %add3A_200 = arith.constant 7 : i32
      %add3A_201 = vector.broadcast %add3A_200 : i32 to vector<16xi32>
      %add3A_202 = arith.addi %mul3A_125, %add3A_201 : vector<16xi32>
      %gather3A_203 = tpu.vector_load_idx %arg15[%add3A_108, %add3A_202] : memref<128x128xf32, #tpu.memory_space<vmem>>[vector<16xi32>, vector<16xi32>], vector<16xf32>,
      %mul3A_204 = arith.mulf %gather3A_199, %gather3A_203 : vector<16xf32>
      %add3A_205 = arith.addf %add3A_195, %mul3A_204 : vector<16xf32>
      %add3A_206 = arith.constant 8 : i32
      %add3A_207 = vector.broadcast %add3A_206 : i32 to vector<16xi32>
      %add3A_208 = arith.addi %mul3A_116, %add3A_207 : vector<16xi32>
      %gather3A_209 = tpu.vector_load_idx %arg13[%add3A_108, %add3A_208] : memref<128x128xf32, #tpu.memory_space<vmem>>[vector<16xi32>, vector<16xi32>], vector<16xf32>,
      %add3A_210 = arith.constant 8 : i32
      %add3A_211 = vector.broadcast %add3A_210 : i32 to vector<16xi32>
      %add3A_212 = arith.addi %mul3A_125, %add3A_211 : vector<16xi32>
      %gather3A_213 = tpu.vector_load_idx %arg15[%add3A_108, %add3A_212] : memref<128x128xf32, #tpu.memory_space<vmem>>[vector<16xi32>, vector<16xi32>], vector<16xf32>,
      %mul3A_214 = arith.mulf %gather3A_209, %gather3A_213 : vector<16xf32>
      %add3A_215 = arith.addf %add3A_205, %mul3A_214 : vector<16xf32>
      %add3A_216 = arith.constant 9 : i32
      %add3A_217 = vector.broadcast %add3A_216 : i32 to vector<16xi32>
      %add3A_218 = arith.addi %mul3A_116, %add3A_217 : vector<16xi32>
      %gather3A_219 = tpu.vector_load_idx %arg13[%add3A_108, %add3A_218] : memref<128x128xf32, #tpu.memory_space<vmem>>[vector<16xi32>, vector<16xi32>], vector<16xf32>,
      %add3A_220 = arith.constant 9 : i32
      %add3A_221 = vector.broadcast %add3A_220 : i32 to vector<16xi32>
      %add3A_222 = arith.addi %mul3A_125, %add3A_221 : vector<16xi32>
      %gather3A_223 = tpu.vector_load_idx %arg15[%add3A_108, %add3A_222] : memref<128x128xf32, #tpu.memory_space<vmem>>[vector<16xi32>, vector<16xi32>], vector<16xf32>,
      %mul3A_224 = arith.mulf %gather3A_219, %gather3A_223 : vector<16xf32>
      %add3A_225 = arith.addf %add3A_215, %mul3A_224 : vector<16xf32>
      %add3A_226 = arith.constant 10 : i32
      %add3A_227 = vector.broadcast %add3A_226 : i32 to vector<16xi32>
      %add3A_228 = arith.addi %mul3A_116, %add3A_227 : vector<16xi32>
      %gather3A_229 = tpu.vector_load_idx %arg13[%add3A_108, %add3A_228] : memref<128x128xf32, #tpu.memory_space<vmem>>[vector<16xi32>, vector<16xi32>], vector<16xf32>,
      %add3A_230 = arith.constant 10 : i32
      %add3A_231 = vector.broadcast %add3A_230 : i32 to vector<16xi32>
      %add3A_232 = arith.addi %mul3A_125, %add3A_231 : vector<16xi32>
      %gather3A_233 = tpu.vector_load_idx %arg15[%add3A_108, %add3A_232] : memref<128x128xf32, #tpu.memory_space<vmem>>[vector<16xi32>, vector<16xi32>], vector<16xf32>,
      %mul3A_234 = arith.mulf %gather3A_229, %gather3A_233 : vector<16xf32>
      %add3A_235 = arith.addf %add3A_225, %mul3A_234 : vector<16xf32>
      %add3A_236 = arith.constant 11 : i32
      %add3A_237 = vector.broadcast %add3A_236 : i32 to vector<16xi32>
      %add3A_238 = arith.addi %mul3A_116, %add3A_237 : vector<16xi32>
      %gather3A_239 = tpu.vector_load_idx %arg13[%add3A_108, %add3A_238] : memref<128x128xf32, #tpu.memory_space<vmem>>[vector<16xi32>, vector<16xi32>], vector<16xf32>,
      %add3A_240 = arith.constant 11 : i32
      %add3A_241 = vector.broadcast %add3A_240 : i32 to vector<16xi32>
      %add3A_242 = arith.addi %mul3A_125, %add3A_241 : vector<16xi32>
      %gather3A_243 = tpu.vector_load_idx %arg15[%add3A_108, %add3A_242] : memref<128x128xf32, #tpu.memory_space<vmem>>[vector<16xi32>, vector<16xi32>], vector<16xf32>,
      %mul3A_244 = arith.mulf %gather3A_239, %gather3A_243 : vector<16xf32>
      %add3A_245 = arith.addf %add3A_235, %mul3A_244 : vector<16xf32>
      %add3A_246 = arith.constant 12 : i32
      %add3A_247 = vector.broadcast %add3A_246 : i32 to vector<16xi32>
      %add3A_248 = arith.addi %mul3A_116, %add3A_247 : vector<16xi32>
      %gather3A_249 = tpu.vector_load_idx %arg13[%add3A_108, %add3A_248] : memref<128x128xf32, #tpu.memory_space<vmem>>[vector<16xi32>, vector<16xi32>], vector<16xf32>,
      %add3A_250 = arith.constant 12 : i32
      %add3A_251 = vector.broadcast %add3A_250 : i32 to vector<16xi32>
      %add3A_252 = arith.addi %mul3A_125, %add3A_251 : vector<16xi32>
      %gather3A_253 = tpu.vector_load_idx %arg15[%add3A_108, %add3A_252] : memref<128x128xf32, #tpu.memory_space<vmem>>[vector<16xi32>, vector<16xi32>], vector<16xf32>,
      %mul3A_254 = arith.mulf %gather3A_249, %gather3A_253 : vector<16xf32>
      %add3A_255 = arith.addf %add3A_245, %mul3A_254 : vector<16xf32>
      %add3A_256 = arith.constant 13 : i32
      %add3A_257 = vector.broadcast %add3A_256 : i32 to vector<16xi32>
      %add3A_258 = arith.addi %mul3A_116, %add3A_257 : vector<16xi32>
      %gather3A_259 = tpu.vector_load_idx %arg13[%add3A_108, %add3A_258] : memref<128x128xf32, #tpu.memory_space<vmem>>[vector<16xi32>, vector<16xi32>], vector<16xf32>,
      %add3A_260 = arith.constant 13 : i32
      %add3A_261 = vector.broadcast %add3A_260 : i32 to vector<16xi32>
      %add3A_262 = arith.addi %mul3A_125, %add3A_261 : vector<16xi32>
      %gather3A_263 = tpu.vector_load_idx %arg15[%add3A_108, %add3A_262] : memref<128x128xf32, #tpu.memory_space<vmem>>[vector<16xi32>, vector<16xi32>], vector<16xf32>,
      %mul3A_264 = arith.mulf %gather3A_259, %gather3A_263 : vector<16xf32>
      %add3A_265 = arith.addf %add3A_255, %mul3A_264 : vector<16xf32>
      %add3A_266 = arith.constant 14 : i32
      %add3A_267 = vector.broadcast %add3A_266 : i32 to vector<16xi32>
      %add3A_268 = arith.addi %mul3A_116, %add3A_267 : vector<16xi32>
      %gather3A_269 = tpu.vector_load_idx %arg13[%add3A_108, %add3A_268] : memref<128x128xf32, #tpu.memory_space<vmem>>[vector<16xi32>, vector<16xi32>], vector<16xf32>,
      %add3A_270 = arith.constant 14 : i32
      %add3A_271 = vector.broadcast %add3A_270 : i32 to vector<16xi32>
      %add3A_272 = arith.addi %mul3A_125, %add3A_271 : vector<16xi32>
      %gather3A_273 = tpu.vector_load_idx %arg15[%add3A_108, %add3A_272] : memref<128x128xf32, #tpu.memory_space<vmem>>[vector<16xi32>, vector<16xi32>], vector<16xf32>,
      %mul3A_274 = arith.mulf %gather3A_269, %gather3A_273 : vector<16xf32>
      %add3A_275 = arith.addf %add3A_265, %mul3A_274 : vector<16xf32>
      %add3A_276 = arith.constant 15 : i32
      %add3A_277 = vector.broadcast %add3A_276 : i32 to vector<16xi32>
      %add3A_278 = arith.addi %mul3A_116, %add3A_277 : vector<16xi32>
      %gather3A_279 = tpu.vector_load_idx %arg13[%add3A_108, %add3A_278] : memref<128x128xf32, #tpu.memory_space<vmem>>[vector<16xi32>, vector<16xi32>], vector<16xf32>,
      %add3A_280 = arith.constant 15 : i32
      %add3A_281 = vector.broadcast %add3A_280 : i32 to vector<16xi32>
      %add3A_282 = arith.addi %mul3A_125, %add3A_281 : vector<16xi32>
      %gather3A_283 = tpu.vector_load_idx %arg15[%add3A_108, %add3A_282] : memref<128x128xf32, #tpu.memory_space<vmem>>[vector<16xi32>, vector<16xi32>], vector<16xf32>,
      %mul3A_284 = arith.mulf %gather3A_279, %gather3A_283 : vector<16xf32>
      %add3A_285 = arith.addf %add3A_275, %mul3A_284 : vector<16xf32>
      %add3A_286 = arith.constant 16 : i32
      %add3A_287 = vector.broadcast %add3A_286 : i32 to vector<16xi32>
      %add3A_288 = arith.addi %mul3A_116, %add3A_287 : vector<16xi32>
      %gather3A_289 = tpu.vector_load_idx %arg13[%add3A_108, %add3A_288] : memref<128x128xf32, #tpu.memory_space<vmem>>[vector<16xi32>, vector<16xi32>], vector<16xf32>,
      %add3A_290 = arith.constant 16 : i32
      %add3A_291 = vector.broadcast %add3A_290 : i32 to vector<16xi32>
      %add3A_292 = arith.addi %mul3A_125, %add3A_291 : vector<16xi32>
      %gather3A_293 = tpu.vector_load_idx %arg15[%add3A_108, %add3A_292] : memref<128x128xf32, #tpu.memory_space<vmem>>[vector<16xi32>, vector<16xi32>], vector<16xf32>,
      %mul3A_294 = arith.mulf %gather3A_289, %gather3A_293 : vector<16xf32>
      %add3A_295 = arith.addf %add3A_285, %mul3A_294 : vector<16xf32>
      %add3A_296 = arith.constant 17 : i32
      %add3A_297 = vector.broadcast %add3A_296 : i32 to vector<16xi32>
      %add3A_298 = arith.addi %mul3A_116, %add3A_297 : vector<16xi32>
      %gather3A_299 = tpu.vector_load_idx %arg13[%add3A_108, %add3A_298] : memref<128x128xf32, #tpu.memory_space<vmem>>[vector<16xi32>, vector<16xi32>], vector<16xf32>,
      %add3A_300 = arith.constant 17 : i32
      %add3A_301 = vector.broadcast %add3A_300 : i32 to vector<16xi32>
      %add3A_302 = arith.addi %mul3A_125, %add3A_301 : vector<16xi32>
      %gather3A_303 = tpu.vector_load_idx %arg15[%add3A_108, %add3A_302] : memref<128x128xf32, #tpu.memory_space<vmem>>[vector<16xi32>, vector<16xi32>], vector<16xf32>,
      %mul3A_304 = arith.mulf %gather3A_299, %gather3A_303 : vector<16xf32>
      %add3A_305 = arith.addf %add3A_295, %mul3A_304 : vector<16xf32>
      %add3A_306 = arith.constant 18 : i32
      %add3A_307 = vector.broadcast %add3A_306 : i32 to vector<16xi32>
      %add3A_308 = arith.addi %mul3A_116, %add3A_307 : vector<16xi32>
      %gather3A_309 = tpu.vector_load_idx %arg13[%add3A_108, %add3A_308] : memref<128x128xf32, #tpu.memory_space<vmem>>[vector<16xi32>, vector<16xi32>], vector<16xf32>,
      %add3A_310 = arith.constant 18 : i32
      %add3A_311 = vector.broadcast %add3A_310 : i32 to vector<16xi32>
      %add3A_312 = arith.addi %mul3A_125, %add3A_311 : vector<16xi32>
      %gather3A_313 = tpu.vector_load_idx %arg15[%add3A_108, %add3A_312] : memref<128x128xf32, #tpu.memory_space<vmem>>[vector<16xi32>, vector<16xi32>], vector<16xf32>,
      %mul3A_314 = arith.mulf %gather3A_309, %gather3A_313 : vector<16xf32>
      %add3A_315 = arith.addf %add3A_305, %mul3A_314 : vector<16xf32>
      %add3A_316 = arith.constant 19 : i32
      %add3A_317 = vector.broadcast %add3A_316 : i32 to vector<16xi32>
      %add3A_318 = arith.addi %mul3A_116, %add3A_317 : vector<16xi32>
      %gather3A_319 = tpu.vector_load_idx %arg13[%add3A_108, %add3A_318] : memref<128x128xf32, #tpu.memory_space<vmem>>[vector<16xi32>, vector<16xi32>], vector<16xf32>,
      %add3A_320 = arith.constant 19 : i32
      %add3A_321 = vector.broadcast %add3A_320 : i32 to vector<16xi32>
      %add3A_322 = arith.addi %mul3A_125, %add3A_321 : vector<16xi32>
      %gather3A_323 = tpu.vector_load_idx %arg15[%add3A_108, %add3A_322] : memref<128x128xf32, #tpu.memory_space<vmem>>[vector<16xi32>, vector<16xi32>], vector<16xf32>,
      %mul3A_324 = arith.mulf %gather3A_319, %gather3A_323 : vector<16xf32>
      %add3A_325 = arith.addf %add3A_315, %mul3A_324 : vector<16xf32>
      %add3A_326 = arith.constant 20 : i32
      %add3A_327 = vector.broadcast %add3A_326 : i32 to vector<16xi32>
      %add3A_328 = arith.addi %mul3A_116, %add3A_327 : vector<16xi32>
      %gather3A_329 = tpu.vector_load_idx %arg13[%add3A_108, %add3A_328] : memref<128x128xf32, #tpu.memory_space<vmem>>[vector<16xi32>, vector<16xi32>], vector<16xf32>,
      %add3A_330 = arith.constant 20 : i32
      %add3A_331 = vector.broadcast %add3A_330 : i32 to vector<16xi32>
      %add3A_332 = arith.addi %mul3A_125, %add3A_331 : vector<16xi32>
      %gather3A_333 = tpu.vector_load_idx %arg15[%add3A_108, %add3A_332] : memref<128x128xf32, #tpu.memory_space<vmem>>[vector<16xi32>, vector<16xi32>], vector<16xf32>,
      %mul3A_334 = arith.mulf %gather3A_329, %gather3A_333 : vector<16xf32>
      %add3A_335 = arith.addf %add3A_325, %mul3A_334 : vector<16xf32>
      %add3A_336 = arith.constant 21 : i32
      %add3A_337 = vector.broadcast %add3A_336 : i32 to vector<16xi32>
      %add3A_338 = arith.addi %mul3A_116, %add3A_337 : vector<16xi32>
      %gather3A_339 = tpu.vector_load_idx %arg13[%add3A_108, %add3A_338] : memref<128x128xf32, #tpu.memory_space<vmem>>[vector<16xi32>, vector<16xi32>], vector<16xf32>,
      %add3A_340 = arith.constant 21 : i32
      %add3A_341 = vector.broadcast %add3A_340 : i32 to vector<16xi32>
      %add3A_342 = arith.addi %mul3A_125, %add3A_341 : vector<16xi32>
      %gather3A_343 = tpu.vector_load_idx %arg15[%add3A_108, %add3A_342] : memref<128x128xf32, #tpu.memory_space<vmem>>[vector<16xi32>, vector<16xi32>], vector<16xf32>,
      %mul3A_344 = arith.mulf %gather3A_339, %gather3A_343 : vector<16xf32>
      %add3A_345 = arith.addf %add3A_335, %mul3A_344 : vector<16xf32>
      %add3A_346 = arith.constant 22 : i32
      %add3A_347 = vector.broadcast %add3A_346 : i32 to vector<16xi32>
      %add3A_348 = arith.addi %mul3A_116, %add3A_347 : vector<16xi32>
      %gather3A_349 = tpu.vector_load_idx %arg13[%add3A_108, %add3A_348] : memref<128x128xf32, #tpu.memory_space<vmem>>[vector<16xi32>, vector<16xi32>], vector<16xf32>,
      %add3A_350 = arith.constant 22 : i32
      %add3A_351 = vector.broadcast %add3A_350 : i32 to vector<16xi32>
      %add3A_352 = arith.addi %mul3A_125, %add3A_351 : vector<16xi32>
      %gather3A_353 = tpu.vector_load_idx %arg15[%add3A_108, %add3A_352] : memref<128x128xf32, #tpu.memory_space<vmem>>[vector<16xi32>, vector<16xi32>], vector<16xf32>,
      %mul3A_354 = arith.mulf %gather3A_349, %gather3A_353 : vector<16xf32>
      %add3A_355 = arith.addf %add3A_345, %mul3A_354 : vector<16xf32>
      %add3A_356 = arith.constant 23 : i32
      %add3A_357 = vector.broadcast %add3A_356 : i32 to vector<16xi32>
      %add3A_358 = arith.addi %mul3A_116, %add3A_357 : vector<16xi32>
      %gather3A_359 = tpu.vector_load_idx %arg13[%add3A_108, %add3A_358] : memref<128x128xf32, #tpu.memory_space<vmem>>[vector<16xi32>, vector<16xi32>], vector<16xf32>,
      %add3A_360 = arith.constant 23 : i32
      %add3A_361 = vector.broadcast %add3A_360 : i32 to vector<16xi32>
      %add3A_362 = arith.addi %mul3A_125, %add3A_361 : vector<16xi32>
      %gather3A_363 = tpu.vector_load_idx %arg15[%add3A_108, %add3A_362] : memref<128x128xf32, #tpu.memory_space<vmem>>[vector<16xi32>, vector<16xi32>], vector<16xf32>,
      %mul3A_364 = arith.mulf %gather3A_359, %gather3A_363 : vector<16xf32>
      %add3A_365 = arith.addf %add3A_355, %mul3A_364 : vector<16xf32>
      %add3A_366 = arith.constant 24 : i32
      %add3A_367 = vector.broadcast %add3A_366 : i32 to vector<16xi32>
      %add3A_368 = arith.addi %mul3A_116, %add3A_367 : vector<16xi32>
      %gather3A_369 = tpu.vector_load_idx %arg13[%add3A_108, %add3A_368] : memref<128x128xf32, #tpu.memory_space<vmem>>[vector<16xi32>, vector<16xi32>], vector<16xf32>,
      %add3A_370 = arith.constant 24 : i32
      %add3A_371 = vector.broadcast %add3A_370 : i32 to vector<16xi32>
      %add3A_372 = arith.addi %mul3A_125, %add3A_371 : vector<16xi32>
      %gather3A_373 = tpu.vector_load_idx %arg15[%add3A_108, %add3A_372] : memref<128x128xf32, #tpu.memory_space<vmem>>[vector<16xi32>, vector<16xi32>], vector<16xf32>,
      %mul3A_374 = arith.mulf %gather3A_369, %gather3A_373 : vector<16xf32>
      %add3A_375 = arith.addf %add3A_365, %mul3A_374 : vector<16xf32>
      %add3A_376 = arith.constant 25 : i32
      %add3A_377 = vector.broadcast %add3A_376 : i32 to vector<16xi32>
      %add3A_378 = arith.addi %mul3A_116, %add3A_377 : vector<16xi32>
      %gather3A_379 = tpu.vector_load_idx %arg13[%add3A_108, %add3A_378] : memref<128x128xf32, #tpu.memory_space<vmem>>[vector<16xi32>, vector<16xi32>], vector<16xf32>,
      %add3A_380 = arith.constant 25 : i32
      %add3A_381 = vector.broadcast %add3A_380 : i32 to vector<16xi32>
      %add3A_382 = arith.addi %mul3A_125, %add3A_381 : vector<16xi32>
      %gather3A_383 = tpu.vector_load_idx %arg15[%add3A_108, %add3A_382] : memref<128x128xf32, #tpu.memory_space<vmem>>[vector<16xi32>, vector<16xi32>], vector<16xf32>,
      %mul3A_384 = arith.mulf %gather3A_379, %gather3A_383 : vector<16xf32>
      %add3A_385 = arith.addf %add3A_375, %mul3A_384 : vector<16xf32>
      %add3A_386 = arith.constant 26 : i32
      %add3A_387 = vector.broadcast %add3A_386 : i32 to vector<16xi32>
      %add3A_388 = arith.addi %mul3A_116, %add3A_387 : vector<16xi32>
      %gather3A_389 = tpu.vector_load_idx %arg13[%add3A_108, %add3A_388] : memref<128x128xf32, #tpu.memory_space<vmem>>[vector<16xi32>, vector<16xi32>], vector<16xf32>,
      %add3A_390 = arith.constant 26 : i32
      %add3A_391 = vector.broadcast %add3A_390 : i32 to vector<16xi32>
      %add3A_392 = arith.addi %mul3A_125, %add3A_391 : vector<16xi32>
      %gather3A_393 = tpu.vector_load_idx %arg15[%add3A_108, %add3A_392] : memref<128x128xf32, #tpu.memory_space<vmem>>[vector<16xi32>, vector<16xi32>], vector<16xf32>,
      %mul3A_394 = arith.mulf %gather3A_389, %gather3A_393 : vector<16xf32>
      %add3A_395 = arith.addf %add3A_385, %mul3A_394 : vector<16xf32>
      %add3A_396 = arith.constant 27 : i32
      %add3A_397 = vector.broadcast %add3A_396 : i32 to vector<16xi32>
      %add3A_398 = arith.addi %mul3A_116, %add3A_397 : vector<16xi32>
      %gather3A_399 = tpu.vector_load_idx %arg13[%add3A_108, %add3A_398] : memref<128x128xf32, #tpu.memory_space<vmem>>[vector<16xi32>, vector<16xi32>], vector<16xf32>,
      %add3A_400 = arith.constant 27 : i32
      %add3A_401 = vector.broadcast %add3A_400 : i32 to vector<16xi32>
      %add3A_402 = arith.addi %mul3A_125, %add3A_401 : vector<16xi32>
      %gather3A_403 = tpu.vector_load_idx %arg15[%add3A_108, %add3A_402] : memref<128x128xf32, #tpu.memory_space<vmem>>[vector<16xi32>, vector<16xi32>], vector<16xf32>,
      %mul3A_404 = arith.mulf %gather3A_399, %gather3A_403 : vector<16xf32>
      %add3A_405 = arith.addf %add3A_395, %mul3A_404 : vector<16xf32>
      %add3A_406 = arith.constant 28 : i32
      %add3A_407 = vector.broadcast %add3A_406 : i32 to vector<16xi32>
      %add3A_408 = arith.addi %mul3A_116, %add3A_407 : vector<16xi32>
      %gather3A_409 = tpu.vector_load_idx %arg13[%add3A_108, %add3A_408] : memref<128x128xf32, #tpu.memory_space<vmem>>[vector<16xi32>, vector<16xi32>], vector<16xf32>,
      %add3A_410 = arith.constant 28 : i32
      %add3A_411 = vector.broadcast %add3A_410 : i32 to vector<16xi32>
      %add3A_412 = arith.addi %mul3A_125, %add3A_411 : vector<16xi32>
      %gather3A_413 = tpu.vector_load_idx %arg15[%add3A_108, %add3A_412] : memref<128x128xf32, #tpu.memory_space<vmem>>[vector<16xi32>, vector<16xi32>], vector<16xf32>,
      %mul3A_414 = arith.mulf %gather3A_409, %gather3A_413 : vector<16xf32>
      %add3A_415 = arith.addf %add3A_405, %mul3A_414 : vector<16xf32>
      %add3A_416 = arith.constant 29 : i32
      %add3A_417 = vector.broadcast %add3A_416 : i32 to vector<16xi32>
      %add3A_418 = arith.addi %mul3A_116, %add3A_417 : vector<16xi32>
      %gather3A_419 = tpu.vector_load_idx %arg13[%add3A_108, %add3A_418] : memref<128x128xf32, #tpu.memory_space<vmem>>[vector<16xi32>, vector<16xi32>], vector<16xf32>,
      %add3A_420 = arith.constant 29 : i32
      %add3A_421 = vector.broadcast %add3A_420 : i32 to vector<16xi32>
      %add3A_422 = arith.addi %mul3A_125, %add3A_421 : vector<16xi32>
      %gather3A_423 = tpu.vector_load_idx %arg15[%add3A_108, %add3A_422] : memref<128x128xf32, #tpu.memory_space<vmem>>[vector<16xi32>, vector<16xi32>], vector<16xf32>,
      %mul3A_424 = arith.mulf %gather3A_419, %gather3A_423 : vector<16xf32>
      %add3A_425 = arith.addf %add3A_415, %mul3A_424 : vector<16xf32>
      %add3A_426 = arith.constant 30 : i32
      %add3A_427 = vector.broadcast %add3A_426 : i32 to vector<16xi32>
      %add3A_428 = arith.addi %mul3A_116, %add3A_427 : vector<16xi32>
      %gather3A_429 = tpu.vector_load_idx %arg13[%add3A_108, %add3A_428] : memref<128x128xf32, #tpu.memory_space<vmem>>[vector<16xi32>, vector<16xi32>], vector<16xf32>,
      %add3A_430 = arith.constant 30 : i32
      %add3A_431 = vector.broadcast %add3A_430 : i32 to vector<16xi32>
      %add3A_432 = arith.addi %mul3A_125, %add3A_431 : vector<16xi32>
      %gather3A_433 = tpu.vector_load_idx %arg15[%add3A_108, %add3A_432] : memref<128x128xf32, #tpu.memory_space<vmem>>[vector<16xi32>, vector<16xi32>], vector<16xf32>,
      %mul3A_434 = arith.mulf %gather3A_429, %gather3A_433 : vector<16xf32>
      %add3A_435 = arith.addf %add3A_425, %mul3A_434 : vector<16xf32>
      %add3A_436 = arith.constant 31 : i32
      %add3A_437 = vector.broadcast %add3A_436 : i32 to vector<16xi32>
      %add3A_438 = arith.addi %mul3A_116, %add3A_437 : vector<16xi32>
      %gather3A_439 = tpu.vector_load_idx %arg13[%add3A_108, %add3A_438] : memref<128x128xf32, #tpu.memory_space<vmem>>[vector<16xi32>, vector<16xi32>], vector<16xf32>,
      %add3A_440 = arith.constant 31 : i32
      %add3A_441 = vector.broadcast %add3A_440 : i32 to vector<16xi32>
      %add3A_442 = arith.addi %mul3A_125, %add3A_441 : vector<16xi32>
      %gather3A_443 = tpu.vector_load_idx %arg15[%add3A_108, %add3A_442] : memref<128x128xf32, #tpu.memory_space<vmem>>[vector<16xi32>, vector<16xi32>], vector<16xf32>,
      %mul3A_444 = arith.mulf %gather3A_439, %gather3A_443 : vector<16xf32>
      %add3A_445 = arith.addf %add3A_435, %mul3A_444 : vector<16xf32>
      %mul3A_446 = arith.constant 16 : i32
      %mul3A_447 = arith.muli %add3A_104, %mul3A_446 : i32
      %add3A_448 = arith.constant 256 : i32
      %add3A_449 = arith.addi %add3A_448, %mul3A_447 : i32
      %swap3A = arith.index_cast %add3A_449 : i32 to index
      %swap3A_450 = tpu.vector_load %arg17[%swap3A] {strides = array<i32>} : memref<512xf32, #tpu.memory_space<vmem>>, vector<16xf32>,
      tpu.vector_store %arg17[%swap3A], %add3A_445 {strides = array<i32>} : memref<512xf32, #tpu.memory_space<vmem>>, vector<16xf32>,
    }
    %scan3A_84 = arith.constant 8 : i32
    %dma_wait3A_85 = arith.constant 384 : i32
    %dma_wait3A_86 = tpu.memref_slice %arg9[%dma_wait3A_85] : memref<512xi32, #tpu.memory_space<vmem>> -> memref<128xi32, #tpu.memory_space<vmem>>
    %dma_wait3A_87 = arith.constant 0 : i32
    %dma_wait3A_88 = arith.constant 0 : i32
    %dma_wait3A_89 = tpu.memref_slice %arg6[%dma_wait3A_87, %dma_wait3A_88] : memref<251904x128xf32, #tpu.memory_space<hbm>> -> memref<251904x128xf32, #tpu.memory_space<hbm>>
    tpu.wait_indirect_dma semaphore(%arg18 : memref<!tpu.dma_semaphore, #tpu.memory_space<semaphore_mem>>) src(%dma_wait3A_89 : memref<251904x128xf32, #tpu.memory_space<hbm>>) dst(%arg14 : memref<128x128xf32, #tpu.memory_space<vmem>>)
    %dma_wait3A_90 = arith.constant 384 : i32
    %dma_wait3A_91 = tpu.memref_slice %arg11[%dma_wait3A_90] : memref<512xi32, #tpu.memory_space<vmem>> -> memref<128xi32, #tpu.memory_space<vmem>>
    %dma_wait3A_92 = arith.constant 0 : i32
    %dma_wait3A_93 = arith.constant 0 : i32
    %dma_wait3A_94 = tpu.memref_slice %arg7[%dma_wait3A_92, %dma_wait3A_93] : memref<251904x128xf32, #tpu.memory_space<hbm>> -> memref<251904x128xf32, #tpu.memory_space<hbm>>
    tpu.wait_indirect_dma semaphore(%arg19 : memref<!tpu.dma_semaphore, #tpu.memory_space<semaphore_mem>>) src(%dma_wait3A_94 : memref<251904x128xf32, #tpu.memory_space<hbm>>) dst(%arg16 : memref<128x128xf32, #tpu.memory_space<vmem>>)
    %scan3A_95 = arith.constant 0 : i32
    %scan3A_96 = arith.constant 8 : i32
    %scan3A_97 = arith.addi %scan3A_95, %scan3A_96 : i32
    %scan3A_98 = arith.constant 1 : i32
    scf.for %scan3A_100 = %scan3A_95 to %scan3A_97 step %scan3A_98  : i32 {
      %mul3A_101 = arith.constant 1 : i32
      %mul3A_102 = arith.muli %scan3A_100, %mul3A_101 : i32
      %add3A_103 = arith.constant 0 : i32
      %add3A_104 = arith.addi %add3A_103, %mul3A_102 : i32
      %mul3A_105 = arith.constant 16 : i32
      %mul3A_106 = arith.muli %add3A_104, %mul3A_105 : i32
      %add3A_107 = vector.broadcast %mul3A_106 : i32 to vector<16xi32>
      %add3A_108 = arith.addi %add3A_107, %iota3A : vector<16xi32>
      %mul3A_109 = arith.constant 16 : i32
      %mul3A_110 = arith.muli %add3A_104, %mul3A_109 : i32
      %add3A_111 = arith.constant 384 : i32
      %add3A_112 = arith.addi %add3A_111, %mul3A_110 : i32
      %get3A = arith.index_cast %add3A_112 : i32 to index
      %get3A_113 = tpu.vector_load %arg10[%get3A] {strides = array<i32>} : memref<512xi32, #tpu.memory_space<vmem>>, vector<16xi32>,
      %mul3A_114 = arith.constant 32 : i32
      %mul3A_115 = vector.broadcast %mul3A_114 : i32 to vector<16xi32>
      %mul3A_116 = arith.muli %get3A_113, %mul3A_115 : vector<16xi32>
      %mul3A_117 = arith.constant 16 : i32
      %mul3A_118 = arith.muli %add3A_104, %mul3A_117 : i32
      %add3A_119 = arith.constant 384 : i32
      %add3A_120 = arith.addi %add3A_119, %mul3A_118 : i32
      %get3A_121 = arith.index_cast %add3A_120 : i32 to index
      %get3A_122 = tpu.vector_load %arg12[%get3A_121] {strides = array<i32>} : memref<512xi32, #tpu.memory_space<vmem>>, vector<16xi32>,
      %mul3A_123 = arith.constant 32 : i32
      %mul3A_124 = vector.broadcast %mul3A_123 : i32 to vector<16xi32>
      %mul3A_125 = arith.muli %get3A_122, %mul3A_124 : vector<16xi32>
      %broadcast_in_dim3A = arith.constant 0.000000e+00 : f32
      %broadcast_in_dim3A_126 = vector.broadcast %broadcast_in_dim3A : f32 to vector<16xf32>
      %add3A_127 = arith.constant 0 : i32
      %add3A_128 = vector.broadcast %add3A_127 : i32 to vector<16xi32>
      %add3A_129 = arith.addi %mul3A_116, %add3A_128 : vector<16xi32>
      %gather3A = tpu.vector_load_idx %arg14[%add3A_108, %add3A_129] : memref<128x128xf32, #tpu.memory_space<vmem>>[vector<16xi32>, vector<16xi32>], vector<16xf32>,
      %add3A_130 = arith.constant 0 : i32
      %add3A_131 = vector.broadcast %add3A_130 : i32 to vector<16xi32>
      %add3A_132 = arith.addi %mul3A_125, %add3A_131 : vector<16xi32>
      %gather3A_133 = tpu.vector_load_idx %arg16[%add3A_108, %add3A_132] : memref<128x128xf32, #tpu.memory_space<vmem>>[vector<16xi32>, vector<16xi32>], vector<16xf32>,
      %mul3A_134 = arith.mulf %gather3A, %gather3A_133 : vector<16xf32>
      %add3A_135 = arith.addf %broadcast_in_dim3A_126, %mul3A_134 : vector<16xf32>
      %add3A_136 = arith.constant 1 : i32
      %add3A_137 = vector.broadcast %add3A_136 : i32 to vector<16xi32>
      %add3A_138 = arith.addi %mul3A_116, %add3A_137 : vector<16xi32>
      %gather3A_139 = tpu.vector_load_idx %arg14[%add3A_108, %add3A_138] : memref<128x128xf32, #tpu.memory_space<vmem>>[vector<16xi32>, vector<16xi32>], vector<16xf32>,
      %add3A_140 = arith.constant 1 : i32
      %add3A_141 = vector.broadcast %add3A_140 : i32 to vector<16xi32>
      %add3A_142 = arith.addi %mul3A_125, %add3A_141 : vector<16xi32>
      %gather3A_143 = tpu.vector_load_idx %arg16[%add3A_108, %add3A_142] : memref<128x128xf32, #tpu.memory_space<vmem>>[vector<16xi32>, vector<16xi32>], vector<16xf32>,
      %mul3A_144 = arith.mulf %gather3A_139, %gather3A_143 : vector<16xf32>
      %add3A_145 = arith.addf %add3A_135, %mul3A_144 : vector<16xf32>
      %add3A_146 = arith.constant 2 : i32
      %add3A_147 = vector.broadcast %add3A_146 : i32 to vector<16xi32>
      %add3A_148 = arith.addi %mul3A_116, %add3A_147 : vector<16xi32>
      %gather3A_149 = tpu.vector_load_idx %arg14[%add3A_108, %add3A_148] : memref<128x128xf32, #tpu.memory_space<vmem>>[vector<16xi32>, vector<16xi32>], vector<16xf32>,
      %add3A_150 = arith.constant 2 : i32
      %add3A_151 = vector.broadcast %add3A_150 : i32 to vector<16xi32>
      %add3A_152 = arith.addi %mul3A_125, %add3A_151 : vector<16xi32>
      %gather3A_153 = tpu.vector_load_idx %arg16[%add3A_108, %add3A_152] : memref<128x128xf32, #tpu.memory_space<vmem>>[vector<16xi32>, vector<16xi32>], vector<16xf32>,
      %mul3A_154 = arith.mulf %gather3A_149, %gather3A_153 : vector<16xf32>
      %add3A_155 = arith.addf %add3A_145, %mul3A_154 : vector<16xf32>
      %add3A_156 = arith.constant 3 : i32
      %add3A_157 = vector.broadcast %add3A_156 : i32 to vector<16xi32>
      %add3A_158 = arith.addi %mul3A_116, %add3A_157 : vector<16xi32>
      %gather3A_159 = tpu.vector_load_idx %arg14[%add3A_108, %add3A_158] : memref<128x128xf32, #tpu.memory_space<vmem>>[vector<16xi32>, vector<16xi32>], vector<16xf32>,
      %add3A_160 = arith.constant 3 : i32
      %add3A_161 = vector.broadcast %add3A_160 : i32 to vector<16xi32>
      %add3A_162 = arith.addi %mul3A_125, %add3A_161 : vector<16xi32>
      %gather3A_163 = tpu.vector_load_idx %arg16[%add3A_108, %add3A_162] : memref<128x128xf32, #tpu.memory_space<vmem>>[vector<16xi32>, vector<16xi32>], vector<16xf32>,
      %mul3A_164 = arith.mulf %gather3A_159, %gather3A_163 : vector<16xf32>
      %add3A_165 = arith.addf %add3A_155, %mul3A_164 : vector<16xf32>
      %add3A_166 = arith.constant 4 : i32
      %add3A_167 = vector.broadcast %add3A_166 : i32 to vector<16xi32>
      %add3A_168 = arith.addi %mul3A_116, %add3A_167 : vector<16xi32>
      %gather3A_169 = tpu.vector_load_idx %arg14[%add3A_108, %add3A_168] : memref<128x128xf32, #tpu.memory_space<vmem>>[vector<16xi32>, vector<16xi32>], vector<16xf32>,
      %add3A_170 = arith.constant 4 : i32
      %add3A_171 = vector.broadcast %add3A_170 : i32 to vector<16xi32>
      %add3A_172 = arith.addi %mul3A_125, %add3A_171 : vector<16xi32>
      %gather3A_173 = tpu.vector_load_idx %arg16[%add3A_108, %add3A_172] : memref<128x128xf32, #tpu.memory_space<vmem>>[vector<16xi32>, vector<16xi32>], vector<16xf32>,
      %mul3A_174 = arith.mulf %gather3A_169, %gather3A_173 : vector<16xf32>
      %add3A_175 = arith.addf %add3A_165, %mul3A_174 : vector<16xf32>
      %add3A_176 = arith.constant 5 : i32
      %add3A_177 = vector.broadcast %add3A_176 : i32 to vector<16xi32>
      %add3A_178 = arith.addi %mul3A_116, %add3A_177 : vector<16xi32>
      %gather3A_179 = tpu.vector_load_idx %arg14[%add3A_108, %add3A_178] : memref<128x128xf32, #tpu.memory_space<vmem>>[vector<16xi32>, vector<16xi32>], vector<16xf32>,
      %add3A_180 = arith.constant 5 : i32
      %add3A_181 = vector.broadcast %add3A_180 : i32 to vector<16xi32>
      %add3A_182 = arith.addi %mul3A_125, %add3A_181 : vector<16xi32>
      %gather3A_183 = tpu.vector_load_idx %arg16[%add3A_108, %add3A_182] : memref<128x128xf32, #tpu.memory_space<vmem>>[vector<16xi32>, vector<16xi32>], vector<16xf32>,
      %mul3A_184 = arith.mulf %gather3A_179, %gather3A_183 : vector<16xf32>
      %add3A_185 = arith.addf %add3A_175, %mul3A_184 : vector<16xf32>
      %add3A_186 = arith.constant 6 : i32
      %add3A_187 = vector.broadcast %add3A_186 : i32 to vector<16xi32>
      %add3A_188 = arith.addi %mul3A_116, %add3A_187 : vector<16xi32>
      %gather3A_189 = tpu.vector_load_idx %arg14[%add3A_108, %add3A_188] : memref<128x128xf32, #tpu.memory_space<vmem>>[vector<16xi32>, vector<16xi32>], vector<16xf32>,
      %add3A_190 = arith.constant 6 : i32
      %add3A_191 = vector.broadcast %add3A_190 : i32 to vector<16xi32>
      %add3A_192 = arith.addi %mul3A_125, %add3A_191 : vector<16xi32>
      %gather3A_193 = tpu.vector_load_idx %arg16[%add3A_108, %add3A_192] : memref<128x128xf32, #tpu.memory_space<vmem>>[vector<16xi32>, vector<16xi32>], vector<16xf32>,
      %mul3A_194 = arith.mulf %gather3A_189, %gather3A_193 : vector<16xf32>
      %add3A_195 = arith.addf %add3A_185, %mul3A_194 : vector<16xf32>
      %add3A_196 = arith.constant 7 : i32
      %add3A_197 = vector.broadcast %add3A_196 : i32 to vector<16xi32>
      %add3A_198 = arith.addi %mul3A_116, %add3A_197 : vector<16xi32>
      %gather3A_199 = tpu.vector_load_idx %arg14[%add3A_108, %add3A_198] : memref<128x128xf32, #tpu.memory_space<vmem>>[vector<16xi32>, vector<16xi32>], vector<16xf32>,
      %add3A_200 = arith.constant 7 : i32
      %add3A_201 = vector.broadcast %add3A_200 : i32 to vector<16xi32>
      %add3A_202 = arith.addi %mul3A_125, %add3A_201 : vector<16xi32>
      %gather3A_203 = tpu.vector_load_idx %arg16[%add3A_108, %add3A_202] : memref<128x128xf32, #tpu.memory_space<vmem>>[vector<16xi32>, vector<16xi32>], vector<16xf32>,
      %mul3A_204 = arith.mulf %gather3A_199, %gather3A_203 : vector<16xf32>
      %add3A_205 = arith.addf %add3A_195, %mul3A_204 : vector<16xf32>
      %add3A_206 = arith.constant 8 : i32
      %add3A_207 = vector.broadcast %add3A_206 : i32 to vector<16xi32>
      %add3A_208 = arith.addi %mul3A_116, %add3A_207 : vector<16xi32>
      %gather3A_209 = tpu.vector_load_idx %arg14[%add3A_108, %add3A_208] : memref<128x128xf32, #tpu.memory_space<vmem>>[vector<16xi32>, vector<16xi32>], vector<16xf32>,
      %add3A_210 = arith.constant 8 : i32
      %add3A_211 = vector.broadcast %add3A_210 : i32 to vector<16xi32>
      %add3A_212 = arith.addi %mul3A_125, %add3A_211 : vector<16xi32>
      %gather3A_213 = tpu.vector_load_idx %arg16[%add3A_108, %add3A_212] : memref<128x128xf32, #tpu.memory_space<vmem>>[vector<16xi32>, vector<16xi32>], vector<16xf32>,
      %mul3A_214 = arith.mulf %gather3A_209, %gather3A_213 : vector<16xf32>
      %add3A_215 = arith.addf %add3A_205, %mul3A_214 : vector<16xf32>
      %add3A_216 = arith.constant 9 : i32
      %add3A_217 = vector.broadcast %add3A_216 : i32 to vector<16xi32>
      %add3A_218 = arith.addi %mul3A_116, %add3A_217 : vector<16xi32>
      %gather3A_219 = tpu.vector_load_idx %arg14[%add3A_108, %add3A_218] : memref<128x128xf32, #tpu.memory_space<vmem>>[vector<16xi32>, vector<16xi32>], vector<16xf32>,
      %add3A_220 = arith.constant 9 : i32
      %add3A_221 = vector.broadcast %add3A_220 : i32 to vector<16xi32>
      %add3A_222 = arith.addi %mul3A_125, %add3A_221 : vector<16xi32>
      %gather3A_223 = tpu.vector_load_idx %arg16[%add3A_108, %add3A_222] : memref<128x128xf32, #tpu.memory_space<vmem>>[vector<16xi32>, vector<16xi32>], vector<16xf32>,
      %mul3A_224 = arith.mulf %gather3A_219, %gather3A_223 : vector<16xf32>
      %add3A_225 = arith.addf %add3A_215, %mul3A_224 : vector<16xf32>
      %add3A_226 = arith.constant 10 : i32
      %add3A_227 = vector.broadcast %add3A_226 : i32 to vector<16xi32>
      %add3A_228 = arith.addi %mul3A_116, %add3A_227 : vector<16xi32>
      %gather3A_229 = tpu.vector_load_idx %arg14[%add3A_108, %add3A_228] : memref<128x128xf32, #tpu.memory_space<vmem>>[vector<16xi32>, vector<16xi32>], vector<16xf32>,
      %add3A_230 = arith.constant 10 : i32
      %add3A_231 = vector.broadcast %add3A_230 : i32 to vector<16xi32>
      %add3A_232 = arith.addi %mul3A_125, %add3A_231 : vector<16xi32>
      %gather3A_233 = tpu.vector_load_idx %arg16[%add3A_108, %add3A_232] : memref<128x128xf32, #tpu.memory_space<vmem>>[vector<16xi32>, vector<16xi32>], vector<16xf32>,
      %mul3A_234 = arith.mulf %gather3A_229, %gather3A_233 : vector<16xf32>
      %add3A_235 = arith.addf %add3A_225, %mul3A_234 : vector<16xf32>
      %add3A_236 = arith.constant 11 : i32
      %add3A_237 = vector.broadcast %add3A_236 : i32 to vector<16xi32>
      %add3A_238 = arith.addi %mul3A_116, %add3A_237 : vector<16xi32>
      %gather3A_239 = tpu.vector_load_idx %arg14[%add3A_108, %add3A_238] : memref<128x128xf32, #tpu.memory_space<vmem>>[vector<16xi32>, vector<16xi32>], vector<16xf32>,
      %add3A_240 = arith.constant 11 : i32
      %add3A_241 = vector.broadcast %add3A_240 : i32 to vector<16xi32>
      %add3A_242 = arith.addi %mul3A_125, %add3A_241 : vector<16xi32>
      %gather3A_243 = tpu.vector_load_idx %arg16[%add3A_108, %add3A_242] : memref<128x128xf32, #tpu.memory_space<vmem>>[vector<16xi32>, vector<16xi32>], vector<16xf32>,
      %mul3A_244 = arith.mulf %gather3A_239, %gather3A_243 : vector<16xf32>
      %add3A_245 = arith.addf %add3A_235, %mul3A_244 : vector<16xf32>
      %add3A_246 = arith.constant 12 : i32
      %add3A_247 = vector.broadcast %add3A_246 : i32 to vector<16xi32>
      %add3A_248 = arith.addi %mul3A_116, %add3A_247 : vector<16xi32>
      %gather3A_249 = tpu.vector_load_idx %arg14[%add3A_108, %add3A_248] : memref<128x128xf32, #tpu.memory_space<vmem>>[vector<16xi32>, vector<16xi32>], vector<16xf32>,
      %add3A_250 = arith.constant 12 : i32
      %add3A_251 = vector.broadcast %add3A_250 : i32 to vector<16xi32>
      %add3A_252 = arith.addi %mul3A_125, %add3A_251 : vector<16xi32>
      %gather3A_253 = tpu.vector_load_idx %arg16[%add3A_108, %add3A_252] : memref<128x128xf32, #tpu.memory_space<vmem>>[vector<16xi32>, vector<16xi32>], vector<16xf32>,
      %mul3A_254 = arith.mulf %gather3A_249, %gather3A_253 : vector<16xf32>
      %add3A_255 = arith.addf %add3A_245, %mul3A_254 : vector<16xf32>
      %add3A_256 = arith.constant 13 : i32
      %add3A_257 = vector.broadcast %add3A_256 : i32 to vector<16xi32>
      %add3A_258 = arith.addi %mul3A_116, %add3A_257 : vector<16xi32>
      %gather3A_259 = tpu.vector_load_idx %arg14[%add3A_108, %add3A_258] : memref<128x128xf32, #tpu.memory_space<vmem>>[vector<16xi32>, vector<16xi32>], vector<16xf32>,
      %add3A_260 = arith.constant 13 : i32
      %add3A_261 = vector.broadcast %add3A_260 : i32 to vector<16xi32>
      %add3A_262 = arith.addi %mul3A_125, %add3A_261 : vector<16xi32>
      %gather3A_263 = tpu.vector_load_idx %arg16[%add3A_108, %add3A_262] : memref<128x128xf32, #tpu.memory_space<vmem>>[vector<16xi32>, vector<16xi32>], vector<16xf32>,
      %mul3A_264 = arith.mulf %gather3A_259, %gather3A_263 : vector<16xf32>
      %add3A_265 = arith.addf %add3A_255, %mul3A_264 : vector<16xf32>
      %add3A_266 = arith.constant 14 : i32
      %add3A_267 = vector.broadcast %add3A_266 : i32 to vector<16xi32>
      %add3A_268 = arith.addi %mul3A_116, %add3A_267 : vector<16xi32>
      %gather3A_269 = tpu.vector_load_idx %arg14[%add3A_108, %add3A_268] : memref<128x128xf32, #tpu.memory_space<vmem>>[vector<16xi32>, vector<16xi32>], vector<16xf32>,
      %add3A_270 = arith.constant 14 : i32
      %add3A_271 = vector.broadcast %add3A_270 : i32 to vector<16xi32>
      %add3A_272 = arith.addi %mul3A_125, %add3A_271 : vector<16xi32>
      %gather3A_273 = tpu.vector_load_idx %arg16[%add3A_108, %add3A_272] : memref<128x128xf32, #tpu.memory_space<vmem>>[vector<16xi32>, vector<16xi32>], vector<16xf32>,
      %mul3A_274 = arith.mulf %gather3A_269, %gather3A_273 : vector<16xf32>
      %add3A_275 = arith.addf %add3A_265, %mul3A_274 : vector<16xf32>
      %add3A_276 = arith.constant 15 : i32
      %add3A_277 = vector.broadcast %add3A_276 : i32 to vector<16xi32>
      %add3A_278 = arith.addi %mul3A_116, %add3A_277 : vector<16xi32>
      %gather3A_279 = tpu.vector_load_idx %arg14[%add3A_108, %add3A_278] : memref<128x128xf32, #tpu.memory_space<vmem>>[vector<16xi32>, vector<16xi32>], vector<16xf32>,
      %add3A_280 = arith.constant 15 : i32
      %add3A_281 = vector.broadcast %add3A_280 : i32 to vector<16xi32>
      %add3A_282 = arith.addi %mul3A_125, %add3A_281 : vector<16xi32>
      %gather3A_283 = tpu.vector_load_idx %arg16[%add3A_108, %add3A_282] : memref<128x128xf32, #tpu.memory_space<vmem>>[vector<16xi32>, vector<16xi32>], vector<16xf32>,
      %mul3A_284 = arith.mulf %gather3A_279, %gather3A_283 : vector<16xf32>
      %add3A_285 = arith.addf %add3A_275, %mul3A_284 : vector<16xf32>
      %add3A_286 = arith.constant 16 : i32
      %add3A_287 = vector.broadcast %add3A_286 : i32 to vector<16xi32>
      %add3A_288 = arith.addi %mul3A_116, %add3A_287 : vector<16xi32>
      %gather3A_289 = tpu.vector_load_idx %arg14[%add3A_108, %add3A_288] : memref<128x128xf32, #tpu.memory_space<vmem>>[vector<16xi32>, vector<16xi32>], vector<16xf32>,
      %add3A_290 = arith.constant 16 : i32
      %add3A_291 = vector.broadcast %add3A_290 : i32 to vector<16xi32>
      %add3A_292 = arith.addi %mul3A_125, %add3A_291 : vector<16xi32>
      %gather3A_293 = tpu.vector_load_idx %arg16[%add3A_108, %add3A_292] : memref<128x128xf32, #tpu.memory_space<vmem>>[vector<16xi32>, vector<16xi32>], vector<16xf32>,
      %mul3A_294 = arith.mulf %gather3A_289, %gather3A_293 : vector<16xf32>
      %add3A_295 = arith.addf %add3A_285, %mul3A_294 : vector<16xf32>
      %add3A_296 = arith.constant 17 : i32
      %add3A_297 = vector.broadcast %add3A_296 : i32 to vector<16xi32>
      %add3A_298 = arith.addi %mul3A_116, %add3A_297 : vector<16xi32>
      %gather3A_299 = tpu.vector_load_idx %arg14[%add3A_108, %add3A_298] : memref<128x128xf32, #tpu.memory_space<vmem>>[vector<16xi32>, vector<16xi32>], vector<16xf32>,
      %add3A_300 = arith.constant 17 : i32
      %add3A_301 = vector.broadcast %add3A_300 : i32 to vector<16xi32>
      %add3A_302 = arith.addi %mul3A_125, %add3A_301 : vector<16xi32>
      %gather3A_303 = tpu.vector_load_idx %arg16[%add3A_108, %add3A_302] : memref<128x128xf32, #tpu.memory_space<vmem>>[vector<16xi32>, vector<16xi32>], vector<16xf32>,
      %mul3A_304 = arith.mulf %gather3A_299, %gather3A_303 : vector<16xf32>
      %add3A_305 = arith.addf %add3A_295, %mul3A_304 : vector<16xf32>
      %add3A_306 = arith.constant 18 : i32
      %add3A_307 = vector.broadcast %add3A_306 : i32 to vector<16xi32>
      %add3A_308 = arith.addi %mul3A_116, %add3A_307 : vector<16xi32>
      %gather3A_309 = tpu.vector_load_idx %arg14[%add3A_108, %add3A_308] : memref<128x128xf32, #tpu.memory_space<vmem>>[vector<16xi32>, vector<16xi32>], vector<16xf32>,
      %add3A_310 = arith.constant 18 : i32
      %add3A_311 = vector.broadcast %add3A_310 : i32 to vector<16xi32>
      %add3A_312 = arith.addi %mul3A_125, %add3A_311 : vector<16xi32>
      %gather3A_313 = tpu.vector_load_idx %arg16[%add3A_108, %add3A_312] : memref<128x128xf32, #tpu.memory_space<vmem>>[vector<16xi32>, vector<16xi32>], vector<16xf32>,
      %mul3A_314 = arith.mulf %gather3A_309, %gather3A_313 : vector<16xf32>
      %add3A_315 = arith.addf %add3A_305, %mul3A_314 : vector<16xf32>
      %add3A_316 = arith.constant 19 : i32
      %add3A_317 = vector.broadcast %add3A_316 : i32 to vector<16xi32>
      %add3A_318 = arith.addi %mul3A_116, %add3A_317 : vector<16xi32>
      %gather3A_319 = tpu.vector_load_idx %arg14[%add3A_108, %add3A_318] : memref<128x128xf32, #tpu.memory_space<vmem>>[vector<16xi32>, vector<16xi32>], vector<16xf32>,
      %add3A_320 = arith.constant 19 : i32
      %add3A_321 = vector.broadcast %add3A_320 : i32 to vector<16xi32>
      %add3A_322 = arith.addi %mul3A_125, %add3A_321 : vector<16xi32>
      %gather3A_323 = tpu.vector_load_idx %arg16[%add3A_108, %add3A_322] : memref<128x128xf32, #tpu.memory_space<vmem>>[vector<16xi32>, vector<16xi32>], vector<16xf32>,
      %mul3A_324 = arith.mulf %gather3A_319, %gather3A_323 : vector<16xf32>
      %add3A_325 = arith.addf %add3A_315, %mul3A_324 : vector<16xf32>
      %add3A_326 = arith.constant 20 : i32
      %add3A_327 = vector.broadcast %add3A_326 : i32 to vector<16xi32>
      %add3A_328 = arith.addi %mul3A_116, %add3A_327 : vector<16xi32>
      %gather3A_329 = tpu.vector_load_idx %arg14[%add3A_108, %add3A_328] : memref<128x128xf32, #tpu.memory_space<vmem>>[vector<16xi32>, vector<16xi32>], vector<16xf32>,
      %add3A_330 = arith.constant 20 : i32
      %add3A_331 = vector.broadcast %add3A_330 : i32 to vector<16xi32>
      %add3A_332 = arith.addi %mul3A_125, %add3A_331 : vector<16xi32>
      %gather3A_333 = tpu.vector_load_idx %arg16[%add3A_108, %add3A_332] : memref<128x128xf32, #tpu.memory_space<vmem>>[vector<16xi32>, vector<16xi32>], vector<16xf32>,
      %mul3A_334 = arith.mulf %gather3A_329, %gather3A_333 : vector<16xf32>
      %add3A_335 = arith.addf %add3A_325, %mul3A_334 : vector<16xf32>
      %add3A_336 = arith.constant 21 : i32
      %add3A_337 = vector.broadcast %add3A_336 : i32 to vector<16xi32>
      %add3A_338 = arith.addi %mul3A_116, %add3A_337 : vector<16xi32>
      %gather3A_339 = tpu.vector_load_idx %arg14[%add3A_108, %add3A_338] : memref<128x128xf32, #tpu.memory_space<vmem>>[vector<16xi32>, vector<16xi32>], vector<16xf32>,
      %add3A_340 = arith.constant 21 : i32
      %add3A_341 = vector.broadcast %add3A_340 : i32 to vector<16xi32>
      %add3A_342 = arith.addi %mul3A_125, %add3A_341 : vector<16xi32>
      %gather3A_343 = tpu.vector_load_idx %arg16[%add3A_108, %add3A_342] : memref<128x128xf32, #tpu.memory_space<vmem>>[vector<16xi32>, vector<16xi32>], vector<16xf32>,
      %mul3A_344 = arith.mulf %gather3A_339, %gather3A_343 : vector<16xf32>
      %add3A_345 = arith.addf %add3A_335, %mul3A_344 : vector<16xf32>
      %add3A_346 = arith.constant 22 : i32
      %add3A_347 = vector.broadcast %add3A_346 : i32 to vector<16xi32>
      %add3A_348 = arith.addi %mul3A_116, %add3A_347 : vector<16xi32>
      %gather3A_349 = tpu.vector_load_idx %arg14[%add3A_108, %add3A_348] : memref<128x128xf32, #tpu.memory_space<vmem>>[vector<16xi32>, vector<16xi32>], vector<16xf32>,
      %add3A_350 = arith.constant 22 : i32
      %add3A_351 = vector.broadcast %add3A_350 : i32 to vector<16xi32>
      %add3A_352 = arith.addi %mul3A_125, %add3A_351 : vector<16xi32>
      %gather3A_353 = tpu.vector_load_idx %arg16[%add3A_108, %add3A_352] : memref<128x128xf32, #tpu.memory_space<vmem>>[vector<16xi32>, vector<16xi32>], vector<16xf32>,
      %mul3A_354 = arith.mulf %gather3A_349, %gather3A_353 : vector<16xf32>
      %add3A_355 = arith.addf %add3A_345, %mul3A_354 : vector<16xf32>
      %add3A_356 = arith.constant 23 : i32
      %add3A_357 = vector.broadcast %add3A_356 : i32 to vector<16xi32>
      %add3A_358 = arith.addi %mul3A_116, %add3A_357 : vector<16xi32>
      %gather3A_359 = tpu.vector_load_idx %arg14[%add3A_108, %add3A_358] : memref<128x128xf32, #tpu.memory_space<vmem>>[vector<16xi32>, vector<16xi32>], vector<16xf32>,
      %add3A_360 = arith.constant 23 : i32
      %add3A_361 = vector.broadcast %add3A_360 : i32 to vector<16xi32>
      %add3A_362 = arith.addi %mul3A_125, %add3A_361 : vector<16xi32>
      %gather3A_363 = tpu.vector_load_idx %arg16[%add3A_108, %add3A_362] : memref<128x128xf32, #tpu.memory_space<vmem>>[vector<16xi32>, vector<16xi32>], vector<16xf32>,
      %mul3A_364 = arith.mulf %gather3A_359, %gather3A_363 : vector<16xf32>
      %add3A_365 = arith.addf %add3A_355, %mul3A_364 : vector<16xf32>
      %add3A_366 = arith.constant 24 : i32
      %add3A_367 = vector.broadcast %add3A_366 : i32 to vector<16xi32>
      %add3A_368 = arith.addi %mul3A_116, %add3A_367 : vector<16xi32>
      %gather3A_369 = tpu.vector_load_idx %arg14[%add3A_108, %add3A_368] : memref<128x128xf32, #tpu.memory_space<vmem>>[vector<16xi32>, vector<16xi32>], vector<16xf32>,
      %add3A_370 = arith.constant 24 : i32
      %add3A_371 = vector.broadcast %add3A_370 : i32 to vector<16xi32>
      %add3A_372 = arith.addi %mul3A_125, %add3A_371 : vector<16xi32>
      %gather3A_373 = tpu.vector_load_idx %arg16[%add3A_108, %add3A_372] : memref<128x128xf32, #tpu.memory_space<vmem>>[vector<16xi32>, vector<16xi32>], vector<16xf32>,
      %mul3A_374 = arith.mulf %gather3A_369, %gather3A_373 : vector<16xf32>
      %add3A_375 = arith.addf %add3A_365, %mul3A_374 : vector<16xf32>
      %add3A_376 = arith.constant 25 : i32
      %add3A_377 = vector.broadcast %add3A_376 : i32 to vector<16xi32>
      %add3A_378 = arith.addi %mul3A_116, %add3A_377 : vector<16xi32>
      %gather3A_379 = tpu.vector_load_idx %arg14[%add3A_108, %add3A_378] : memref<128x128xf32, #tpu.memory_space<vmem>>[vector<16xi32>, vector<16xi32>], vector<16xf32>,
      %add3A_380 = arith.constant 25 : i32
      %add3A_381 = vector.broadcast %add3A_380 : i32 to vector<16xi32>
      %add3A_382 = arith.addi %mul3A_125, %add3A_381 : vector<16xi32>
      %gather3A_383 = tpu.vector_load_idx %arg16[%add3A_108, %add3A_382] : memref<128x128xf32, #tpu.memory_space<vmem>>[vector<16xi32>, vector<16xi32>], vector<16xf32>,
      %mul3A_384 = arith.mulf %gather3A_379, %gather3A_383 : vector<16xf32>
      %add3A_385 = arith.addf %add3A_375, %mul3A_384 : vector<16xf32>
      %add3A_386 = arith.constant 26 : i32
      %add3A_387 = vector.broadcast %add3A_386 : i32 to vector<16xi32>
      %add3A_388 = arith.addi %mul3A_116, %add3A_387 : vector<16xi32>
      %gather3A_389 = tpu.vector_load_idx %arg14[%add3A_108, %add3A_388] : memref<128x128xf32, #tpu.memory_space<vmem>>[vector<16xi32>, vector<16xi32>], vector<16xf32>,
      %add3A_390 = arith.constant 26 : i32
      %add3A_391 = vector.broadcast %add3A_390 : i32 to vector<16xi32>
      %add3A_392 = arith.addi %mul3A_125, %add3A_391 : vector<16xi32>
      %gather3A_393 = tpu.vector_load_idx %arg16[%add3A_108, %add3A_392] : memref<128x128xf32, #tpu.memory_space<vmem>>[vector<16xi32>, vector<16xi32>], vector<16xf32>,
      %mul3A_394 = arith.mulf %gather3A_389, %gather3A_393 : vector<16xf32>
      %add3A_395 = arith.addf %add3A_385, %mul3A_394 : vector<16xf32>
      %add3A_396 = arith.constant 27 : i32
      %add3A_397 = vector.broadcast %add3A_396 : i32 to vector<16xi32>
      %add3A_398 = arith.addi %mul3A_116, %add3A_397 : vector<16xi32>
      %gather3A_399 = tpu.vector_load_idx %arg14[%add3A_108, %add3A_398] : memref<128x128xf32, #tpu.memory_space<vmem>>[vector<16xi32>, vector<16xi32>], vector<16xf32>,
      %add3A_400 = arith.constant 27 : i32
      %add3A_401 = vector.broadcast %add3A_400 : i32 to vector<16xi32>
      %add3A_402 = arith.addi %mul3A_125, %add3A_401 : vector<16xi32>
      %gather3A_403 = tpu.vector_load_idx %arg16[%add3A_108, %add3A_402] : memref<128x128xf32, #tpu.memory_space<vmem>>[vector<16xi32>, vector<16xi32>], vector<16xf32>,
      %mul3A_404 = arith.mulf %gather3A_399, %gather3A_403 : vector<16xf32>
      %add3A_405 = arith.addf %add3A_395, %mul3A_404 : vector<16xf32>
      %add3A_406 = arith.constant 28 : i32
      %add3A_407 = vector.broadcast %add3A_406 : i32 to vector<16xi32>
      %add3A_408 = arith.addi %mul3A_116, %add3A_407 : vector<16xi32>
      %gather3A_409 = tpu.vector_load_idx %arg14[%add3A_108, %add3A_408] : memref<128x128xf32, #tpu.memory_space<vmem>>[vector<16xi32>, vector<16xi32>], vector<16xf32>,
      %add3A_410 = arith.constant 28 : i32
      %add3A_411 = vector.broadcast %add3A_410 : i32 to vector<16xi32>
      %add3A_412 = arith.addi %mul3A_125, %add3A_411 : vector<16xi32>
      %gather3A_413 = tpu.vector_load_idx %arg16[%add3A_108, %add3A_412] : memref<128x128xf32, #tpu.memory_space<vmem>>[vector<16xi32>, vector<16xi32>], vector<16xf32>,
      %mul3A_414 = arith.mulf %gather3A_409, %gather3A_413 : vector<16xf32>
      %add3A_415 = arith.addf %add3A_405, %mul3A_414 : vector<16xf32>
      %add3A_416 = arith.constant 29 : i32
      %add3A_417 = vector.broadcast %add3A_416 : i32 to vector<16xi32>
      %add3A_418 = arith.addi %mul3A_116, %add3A_417 : vector<16xi32>
      %gather3A_419 = tpu.vector_load_idx %arg14[%add3A_108, %add3A_418] : memref<128x128xf32, #tpu.memory_space<vmem>>[vector<16xi32>, vector<16xi32>], vector<16xf32>,
      %add3A_420 = arith.constant 29 : i32
      %add3A_421 = vector.broadcast %add3A_420 : i32 to vector<16xi32>
      %add3A_422 = arith.addi %mul3A_125, %add3A_421 : vector<16xi32>
      %gather3A_423 = tpu.vector_load_idx %arg16[%add3A_108, %add3A_422] : memref<128x128xf32, #tpu.memory_space<vmem>>[vector<16xi32>, vector<16xi32>], vector<16xf32>,
      %mul3A_424 = arith.mulf %gather3A_419, %gather3A_423 : vector<16xf32>
      %add3A_425 = arith.addf %add3A_415, %mul3A_424 : vector<16xf32>
      %add3A_426 = arith.constant 30 : i32
      %add3A_427 = vector.broadcast %add3A_426 : i32 to vector<16xi32>
      %add3A_428 = arith.addi %mul3A_116, %add3A_427 : vector<16xi32>
      %gather3A_429 = tpu.vector_load_idx %arg14[%add3A_108, %add3A_428] : memref<128x128xf32, #tpu.memory_space<vmem>>[vector<16xi32>, vector<16xi32>], vector<16xf32>,
      %add3A_430 = arith.constant 30 : i32
      %add3A_431 = vector.broadcast %add3A_430 : i32 to vector<16xi32>
      %add3A_432 = arith.addi %mul3A_125, %add3A_431 : vector<16xi32>
      %gather3A_433 = tpu.vector_load_idx %arg16[%add3A_108, %add3A_432] : memref<128x128xf32, #tpu.memory_space<vmem>>[vector<16xi32>, vector<16xi32>], vector<16xf32>,
      %mul3A_434 = arith.mulf %gather3A_429, %gather3A_433 : vector<16xf32>
      %add3A_435 = arith.addf %add3A_425, %mul3A_434 : vector<16xf32>
      %add3A_436 = arith.constant 31 : i32
      %add3A_437 = vector.broadcast %add3A_436 : i32 to vector<16xi32>
      %add3A_438 = arith.addi %mul3A_116, %add3A_437 : vector<16xi32>
      %gather3A_439 = tpu.vector_load_idx %arg14[%add3A_108, %add3A_438] : memref<128x128xf32, #tpu.memory_space<vmem>>[vector<16xi32>, vector<16xi32>], vector<16xf32>,
      %add3A_440 = arith.constant 31 : i32
      %add3A_441 = vector.broadcast %add3A_440 : i32 to vector<16xi32>
      %add3A_442 = arith.addi %mul3A_125, %add3A_441 : vector<16xi32>
      %gather3A_443 = tpu.vector_load_idx %arg16[%add3A_108, %add3A_442] : memref<128x128xf32, #tpu.memory_space<vmem>>[vector<16xi32>, vector<16xi32>], vector<16xf32>,
      %mul3A_444 = arith.mulf %gather3A_439, %gather3A_443 : vector<16xf32>
      %add3A_445 = arith.addf %add3A_435, %mul3A_444 : vector<16xf32>
      %mul3A_446 = arith.constant 16 : i32
      %mul3A_447 = arith.muli %add3A_104, %mul3A_446 : i32
      %add3A_448 = arith.constant 384 : i32
      %add3A_449 = arith.addi %add3A_448, %mul3A_447 : i32
      %swap3A = arith.index_cast %add3A_449 : i32 to index
      %swap3A_450 = tpu.vector_load %arg17[%swap3A] {strides = array<i32>} : memref<512xf32, #tpu.memory_space<vmem>>, vector<16xf32>,
      tpu.vector_store %arg17[%swap3A], %add3A_445 {strides = array<i32>} : memref<512xf32, #tpu.memory_space<vmem>>, vector<16xf32>,
    }
    %scan3A_99 = arith.constant 8 : i32
    "tpu.region"() ({
      %run_scoped3A = tpu.sem_alloc : memref<!tpu.dma_semaphore, #tpu.memory_space<semaphore_mem>>
      %dma_start3A_100 = tpu.memref_slice %arg8[%mul3A_2] : memref<16384xf32, #tpu.memory_space<hbm>> -> memref<512xf32, #tpu.memory_space<hbm>>
      %dma_start3A_101 = tpu.memref_slice %arg8[%mul3A_2] : memref<16384xf32, #tpu.memory_space<hbm>> -> memref<512xf32, #tpu.memory_space<hbm>>
      tpu.enqueue_dma source(%arg17 : memref<512xf32, #tpu.memory_space<vmem>>) target(%dma_start3A_101 : memref<512xf32, #tpu.memory_space<hbm>>) target_semaphore(%run_scoped3A : memref<!tpu.dma_semaphore, #tpu.memory_space<semaphore_mem>>)
      %dma_wait3A_102 = tpu.memref_slice %arg8[%mul3A_2] : memref<16384xf32, #tpu.memory_space<hbm>> -> memref<512xf32, #tpu.memory_space<hbm>>
      %dma_wait3A_103 = tpu.memref_slice %arg8[%mul3A_2] : memref<16384xf32, #tpu.memory_space<hbm>> -> memref<512xf32, #tpu.memory_space<hbm>>
      tpu.wait_dma2 semaphore(%run_scoped3A : memref<!tpu.dma_semaphore, #tpu.memory_space<semaphore_mem>>) src(%arg17 : memref<512xf32, #tpu.memory_space<vmem>>) dst(%dma_wait3A_103 : memref<512xf32, #tpu.memory_space<hbm>>)
      tpu.yield
    }) : () -> ()
    return
  }
}

module attributes {stable_mosaic.version = 14 : i64} {
  func.func @_untile_body(%arg0: i32, %arg1: memref<32x8192xf32, #tpu.memory_space<vmem>>, %arg2: memref<32x8192xf32, #tpu.memory_space<vmem>>, %arg3: memref<2048x128xf32, #tpu.memory_space<vmem>>, %arg4: memref<2048x128xf32, #tpu.memory_space<vmem>>) attributes {dimension_semantics = [#tpu.dimension_semantics<arbitrary>], iteration_bounds = array<i64: 123>, scalar_prefetch = 0 : i64, scratch_operands = 0 : i64, tpu.core_type = #tpu.core_type<tc>, window_params = [{transform_indices = @transform_0, window_bounds = array<i64: 32, 8192>}, {transform_indices = @transform_1, window_bounds = array<i64: 32, 8192>}, {transform_indices = @transform_2, window_bounds = array<i64: 2048, 128>}, {transform_indices = @transform_3, window_bounds = array<i64: 2048, 128>}]} {
    %get3A = arith.constant 0 : index
    %get3A_0 = arith.constant 0 : index
    %get3A_1 = vector.load %arg1[%get3A, %get3A_0] : memref<32x8192xf32, #tpu.memory_space<vmem>>, vector<32x8192xf32>
    %transpose3A = tpu.transpose %get3A_1, [1, 0] : vector<32x8192xf32> -> vector<8192x32xf32>
    %slice3A = vector.extract_strided_slice %transpose3A {offsets = [0, 0], sizes = [2048, 32], strides = [1, 1]} : vector<8192x32xf32> to vector<2048x32xf32>
    %slice3A_2 = vector.extract_strided_slice %transpose3A {offsets = [2048, 0], sizes = [2048, 32], strides = [1, 1]} : vector<8192x32xf32> to vector<2048x32xf32>
    %slice3A_3 = vector.extract_strided_slice %transpose3A {offsets = [4096, 0], sizes = [2048, 32], strides = [1, 1]} : vector<8192x32xf32> to vector<2048x32xf32>
    %slice3A_4 = vector.extract_strided_slice %transpose3A {offsets = [6144, 0], sizes = [2048, 32], strides = [1, 1]} : vector<8192x32xf32> to vector<2048x32xf32>
    %concatenate3A = tpu.concatenate %slice3A, %slice3A_2, %slice3A_3, %slice3A_4 in 1 : vector<2048x32xf32>, vector<2048x32xf32>, vector<2048x32xf32>, vector<2048x32xf32> -> vector<2048x128xf32>
    %swap3A = arith.constant 0 : index
    %swap3A_5 = arith.constant 0 : index
    %swap3A_6 = vector.load %arg3[%swap3A, %swap3A_5] : memref<2048x128xf32, #tpu.memory_space<vmem>>, vector<2048x128xf32>
    tpu.vector_store %arg3[%swap3A, %swap3A_5], %concatenate3A {strides = array<i32>} : memref<2048x128xf32, #tpu.memory_space<vmem>>, vector<2048x128xf32>,
    %get3A_7 = arith.constant 0 : index
    %get3A_8 = arith.constant 0 : index
    %get3A_9 = vector.load %arg2[%get3A_7, %get3A_8] : memref<32x8192xf32, #tpu.memory_space<vmem>>, vector<32x8192xf32>
    %transpose3A_10 = tpu.transpose %get3A_9, [1, 0] : vector<32x8192xf32> -> vector<8192x32xf32>
    %slice3A_11 = vector.extract_strided_slice %transpose3A_10 {offsets = [0, 0], sizes = [2048, 32], strides = [1, 1]} : vector<8192x32xf32> to vector<2048x32xf32>
    %slice3A_12 = vector.extract_strided_slice %transpose3A_10 {offsets = [2048, 0], sizes = [2048, 32], strides = [1, 1]} : vector<8192x32xf32> to vector<2048x32xf32>
    %slice3A_13 = vector.extract_strided_slice %transpose3A_10 {offsets = [4096, 0], sizes = [2048, 32], strides = [1, 1]} : vector<8192x32xf32> to vector<2048x32xf32>
    %slice3A_14 = vector.extract_strided_slice %transpose3A_10 {offsets = [6144, 0], sizes = [2048, 32], strides = [1, 1]} : vector<8192x32xf32> to vector<2048x32xf32>
    %concatenate3A_15 = tpu.concatenate %slice3A_11, %slice3A_12, %slice3A_13, %slice3A_14 in 1 : vector<2048x32xf32>, vector<2048x32xf32>, vector<2048x32xf32>, vector<2048x32xf32> -> vector<2048x128xf32>
    %swap3A_16 = arith.constant 0 : index
    %swap3A_17 = arith.constant 0 : index
    %swap3A_18 = vector.load %arg4[%swap3A_16, %swap3A_17] : memref<2048x128xf32, #tpu.memory_space<vmem>>, vector<2048x128xf32>
    tpu.vector_store %arg4[%swap3A_16, %swap3A_17], %concatenate3A_15 {strides = array<i32>} : memref<2048x128xf32, #tpu.memory_space<vmem>>, vector<2048x128xf32>,
    return
  }
  func.func @transform_0(%arg0: i32) -> (i32, i32) {
    %c0_i32 = arith.constant 0 : i32
    %c0_i32_0 = arith.constant 0 : i32
    return %c0_i32, %arg0 : i32, i32
  }
  func.func @transform_1(%arg0: i32) -> (i32, i32) {
    %c0_i32 = arith.constant 0 : i32
    %c0_i32_0 = arith.constant 0 : i32
    return %c0_i32, %arg0 : i32, i32
  }
  func.func @transform_2(%arg0: i32) -> (i32, i32) {
    %c0_i32 = arith.constant 0 : i32
    %c0_i32_0 = arith.constant 0 : i32
    return %arg0, %c0_i32 : i32, i32
  }
  func.func @transform_3(%arg0: i32) -> (i32, i32) {
    %c0_i32 = arith.constant 0 : i32
    %c0_i32_0 = arith.constant 0 : i32
    return %arg0, %c0_i32 : i32, i32
  }
}

</mosaic_0001>

<sc_bundles>
// kernel: kernel.4.cloned.1.call-start
scs
__scs_entry_jumppad:
0x0: {  	(pc) =	sbr.rel $0x88, $3  }
0x1: {  	(tag) =	ssettag $0x0;
	lr =	simm.s32 $0x1  }
0x2: {  	[smem:$0x3F9D] =	sst lr;
	_ =	strace $0xD0000000  }
0x3: {  	_ = 	snop  }
0x4: {  	_ = 	snop  }
0x5: {  	_ = 	snop  }
0x6: {  	_ = 	snop  }
0x7: {  	_ = 	snop  }
__scs_overlays_trampoline_lowered:
0x8: {  	[smem:$0x3FAC] =	sst s0  }
0x9: {  	[smem:$0x3FAD] =	sst s1  }
0xa: {  	[smem:$0x3FAE] =	sst s2  }
0xb: {  	[smem:$0x3FAF] =	sst s3  }
0xc: {  	[smem:$0x3FB0] =	sst s4  }
0xd: {  	[smem:$0x3FB1] =	sst s5  }
0xe: {  	[smem:$0x3FB2] =	sst s6  }
0xf: {  	[smem:$0x3FB3] =	sst s7  }
0x10: {  	[smem:$0x3FB4] =	sst s8  }
0x11: {  	[smem:$0x3FB5] =	sst s9;
	s0 =	simm.s32 @!p0 $0x0  }
0x12: {  	s1 =	sld [smem:$0x3F9B];
	s0 =	simm.s32 @p0 $0x1  }
0x13: {  	[smem:$0x3FB6] =	sst s0;
	s0 =	simm.s32 @!p1 $0x0  }
0x14: {  	s2 =	sld [smem:$0x3F9A];
	s0 =	simm.s32 @p1 $0x1  }
0x15: {  	[smem:$0x3FB7] =	sst s0;
	s0 =	simm.s32 @!p2 $0x0  }
0x16: {  	s3 =	sld [smem:$0x3FDB];
	s0 =	simm.s32 @p2 $0x1  }
0x17: {  	s4 =	simm.s32 $0x1BF5;
	[smem:$0x3FB9] =	sst s0  }
0x18: {  	s0 =	sld [smem:$0x3F9C];
	_ =	swait.ge [sflag:s4], $0x0  }
0x19: {  	s7 =	sld [smem:$0x3F9D]  }
0x1a: {  	s8 =	sadd.s32 $0xFFFFE003, lr  }
0x1b: {  	s9 =	sadd.s32 $0xFFFFFEF7, lr;
	s5 =	simm.s32 $0xFFFFFFFF;
	p2 =	slt.u32 s8, $0xFFFFF086  }
0x1c: {  	p1 =	slt.u32 s9, $0xF7A;
	s5 =	simm.s32 @!p2 $0x0  }
0x1d: {  	s5 =	simm.s32 @p1 $0x1;
	p0 =	seq.s32 s7, s2  }
0x1e: {  	s7 =	smul.u32 @!p0 $0xF7A, s2;
	p2 =	seq.s32 @!p0 s5, $0x0  }
0x1f: {  	s9 =	smul.u32 $0xF7A, s1;
	s8 =	simm.s32 @!p0 $0x1BF5;
	p2 =	por !p2, p0  }
0x20: {  	[sflag:s8] =	ssyncset.s32 @!p0 $0xFFFFF086;
	s6 =	sadd.s32 @!p0 s3, s7;
	s7 =	simm.s32 @!p0 $0x108  }
0x21: {  	s3 =	sadd.s32 s3, s9;
	s6 =	sadd.s32 @!p0 $0x88, s6;
	s7 =	simm.s32 @p2 $0x1082  }
0x22: {  	[simem:s7], [sflag:s8] =	dma.local @!p0 [hbm:s6], $0xF7A  }
0x23: {  	s9 =	sor.u32 $0xD0000000, s2;
	s6 =	simm.s32 $0x108;
	_ =	swait.ge @!p0 [sflag:s8], $0x0  }
0x24: {  	s3 =	sadd.s32 $0x88, s3;
	s6 =	simm.s32 @!p1 $0x1082;
	[sflag:s4] =	ssyncset.s32 $0xFFFFF086  }
0x25: {  	[simem:s6], [sflag:s4] =	dma.local [hbm:s3], $0xF7A  }
0x26: {  	[smem:$0x3F9D] =	sst s1;
	(tag) =	ssettag s2;
	_ =	strace s9  }
0x27: {  	s1 =	sld [smem:$0x3FAD]  }
0x28: {  	s2 =	sld [smem:$0x3FAE]  }
0x29: {  	s4 =	sld [smem:$0x3FB0]  }
0x2a: {  	p0 =	seq.s32 s5, $0x0;
	s5 =	sld [smem:$0x3FB1]  }
0x2b: {  	s6 =	sld [smem:$0x3FB2]  }
0x2c: {  	s7 =	sld [smem:$0x3FB3]  }
0x2d: {  	s3 =	simm.s32 $0x108;
	s8 =	sld [smem:$0x3FB4]  }
0x2e: {  	s3 =	simm.s32 @!p0 $0x1082;
	s9 =	sld [smem:$0x3FB5]  }
0x2f: {  	lr =	sadd.s32 s0, s3;
	s0 =	sld [smem:$0x3FAC]  }
0x30: {  	s3 =	sld [smem:$0x3FAF]  }
0x31: {  	[smem:$0x3FB8] =	sst s10  }
0x32: {  	s10 =	sld [smem:$0x3FB6];
	_ =	sdelay $0x3  }
0x33: {  	p0 =	seq.s32 s10, $0x1;
	s10 =	sld [smem:$0x3FB8];
	_ =	sdelay $0x3  }
0x34: {  	[smem:$0x3FB8] =	sst s10  }
0x35: {  	s10 =	sld [smem:$0x3FB7];
	_ =	sdelay $0x3  }
0x36: {  	p1 =	seq.s32 s10, $0x1;
	s10 =	sld [smem:$0x3FB8];
	_ =	sdelay $0x3  }
0x37: {  	[smem:$0x3FB8] =	sst s10  }
0x38: {  	s10 =	sld [smem:$0x3FB9]  }
0x39: {  	_ = 	snop;
	(pc) =	sbr.ind lr, $3  }
0x3a: {  	_ = 	snop  }
0x3b: {  	_ = 	snop  }
0x3c: {  	p2 =	seq.s32 s10, $0x1;
	s10 =	sld [smem:$0x3FB8]  }
0x3d: {  	_ =	shalt  }
0x3e: {  	_ =	shalt  }
0x3f: {  	_ =	shalt  }
0x40: {  	_ =	shalt  }
0x41: {  	_ =	shalt  }
0x42: {  	_ =	shalt  }
0x43: {  	_ =	shalt  }
0x44: {  	_ =	shalt  }
0x45: {  	_ =	shalt  }
0x46: {  	_ =	shalt  }
0x47: {  	_ =	shalt  }
0x48: {  	_ =	shalt  }
0x49: {  	_ =	shalt  }
0x4a: {  	_ =	shalt  }
0x4b: {  	_ =	shalt  }
0x4c: {  	_ =	shalt  }
0x4d: {  	_ =	shalt  }
0x4e: {  	_ =	shalt  }
0x4f: {  	_ =	shalt  }
0x50: {  	_ =	shalt  }
0x51: {  	_ =	shalt  }
0x52: {  	_ =	shalt  }
0x53: {  	_ =	shalt  }
0x54: {  	_ =	shalt  }
0x55: {  	_ =	shalt  }
0x56: {  	_ =	shalt  }
0x57: {  	_ =	shalt  }
0x58: {  	_ =	shalt  }
0x59: {  	_ =	shalt  }
0x5a: {  	_ =	shalt  }
0x5b: {  	_ =	shalt  }
0x5c: {  	_ =	shalt  }
0x5d: {  	_ =	shalt  }
0x5e: {  	_ =	shalt  }
0x5f: {  	_ =	shalt  }
0x60: {  	_ =	shalt  }
0x61: {  	_ =	shalt  }
0x62: {  	_ =	shalt  }
0x63: {  	_ =	shalt  }
0x64: {  	_ =	shalt  }
0x65: {  	_ =	shalt  }
0x66: {  	_ =	shalt  }
0x67: {  	_ =	shalt  }
0x68: {  	_ =	shalt  }
0x69: {  	_ =	shalt  }
0x6a: {  	_ =	shalt  }
0x6b: {  	_ =	shalt  }
0x6c: {  	_ =	shalt  }
0x6d: {  	_ =	shalt  }
0x6e: {  	_ =	shalt  }
0x6f: {  	_ =	shalt  }
0x70: {  	_ =	shalt  }
0x71: {  	_ =	shalt  }
0x72: {  	_ =	shalt  }
0x73: {  	_ =	shalt  }
0x74: {  	_ =	shalt  }
0x75: {  	_ =	shalt  }
0x76: {  	_ =	shalt  }
0x77: {  	_ =	shalt  }
0x78: {  	_ =	shalt  }
0x79: {  	_ =	shalt  }
0x7a: {  	_ =	shalt  }
0x7b: {  	_ =	shalt  }
0x7c: {  	_ =	shalt  }
0x7d: {  	_ =	shalt  }
0x7e: {  	_ =	shalt  }
0x7f: {  	_ =	shalt  }
0x80: {  	_ =	shalt  }
0x81: {  	_ =	shalt  }
0x82: {  	_ =	shalt  }
0x83: {  	_ =	shalt  }
0x84: {  	_ =	shalt  }
0x85: {  	_ =	shalt  }
0x86: {  	_ =	shalt  }
0x87: {  	_ =	shalt  }
.Lfunc_end0:
.L_simem_size_0:
called_computation_lowered:
.L_overlay_start_0:
0x88: {  	s2 =	sld [smem:$0x3FD9]  }
0x89: {  	s3 =	sld [smem:$0x3FFE];
	_ =	sdelay $0x1  }
0x8a: {  	s1 =	srdreg.scid  }
0x8b: {  	s0 =	sand.u32 $0x1, s1  }
0x8c: {  	s17 =	sshll.u32 s0, $0xA;
	s2 =	sadd.s32 s3, s2  }
0x8d: {  	s2 =	sadd.s32 s2, s17  }
0x8e: {  	[smem:$0x3FC4] =	sst s2  }
0x8f: {  	_ = 	snop  }
0x90: {  	s2 =	sld [smem:$0x3FD0];
	(tm) =	ssettm $0x1  }
0x91: {  	s18 =	sld [smem:$0x3FFB];
	_ =	sdelay $0x3  }
0x92: {  	_ =	strace s18  }
0x93: {  	s3 =	sld [smem:$0x3FFC];
	_ =	sdelay $0x3  }
0x94: {  	_ =	strace s3  }
0x95: {  	s3 =	sld [smem:$0x3FFD];
	_ =	sdelay $0x3  }
0x96: {  	_ =	strace s3  }
0x97: {  	_ =	strace $0x8FFFFFFF  }
0x98: {  	s19 =	sld [smem:$0x3FDB];
	_ =	sdelay $0x1  }
0x99: {  	s4 =	simm.s32 $_scs_section_size  }
0x9a: {  	s5 =	simm.s32 $_size__tile_overlayer_lowered;
	s6 =	simm.s32 $_tile_overlayer_lowered  }
0x9b: {  	s22 =	simm.s32 $0x1BFF;
	s21 =	sshll.u32 s6, $0x1;
	s3 =	sadd.s32 s4, s19  }
0x9c: {  	s7 =	simm.s32 $0x0;
	s20 =	sshll.u32 s5, $0x1;
	s5 =	sadd.s32 s21, s3  }
0x9d: {  	[timem:s7], [sflag:s22] =	dma.local [hbm:s5], s20  }
0x9e: {  	_ =	swait.ge [sflag:s22], s20  }
0x9f: {  	s4 =	ssub.s32 $0x0, s20;
	[sflag:s22] =	ssyncset.done $0x0  }
0xa0: {  	[sflag:s22] =	ssyncadd.s32 s4;
	_ =	sdelay $0x1  }
0xa1: {  	s23 =	simm.s32 $0x1B8B  }
0xa2: {  	_ =	swait.ge [sflag:s23], $0x1  }
0xa3: {  	[sflag:s23] =	ssyncset.done $0x0  }
0xa4: {  	s25 =	simm.s32 $0x1B8E;
	s24 =	sld [smem:$0x3FFE];
	[sflag:s23] =	ssyncadd.s32 $0xFFFFFFFF  }
0xa5: {  	s26 =	simm.s32 $execute0_lowered;
	[smem:$0x3FD2] =	sst s25  }
0xa6: {  	s5 =	sshll.u32 s26, $0x1;
	_ =	strace $0x80000046;
	[dreg:$0x1] =	wrdreg $0xFFFFFFFF  }
0xa7: {  	s28 =	simm.s32 $_size_execute0_lowered;
	s3 =	sadd.s32 s3, s5;
	[dreg:$0x0] =	wrdreg $0x0  }
0xa8: {  	s5 =	sshll.u32 s28, $0x1;
	[dreg:$0x2] =	wrdreg s3  }
0xa9: {  	[dreg:$0x3] =	wrdreg s5  }
0xaa: {  	[dreg:$0x4] =	wrdreg $0xC0  }
0xab: {  	_ =	task [dreg:s7], $0x5FFFF  }
0xac: {  	[dreg:$0x1] =	wrdreg $0xFFFFFFFF  }
0xad: {  	[dreg:$0x0] =	wrdreg $0x60  }
0xae: {  	[dreg:$0x2] =	wrdreg s24  }
0xaf: {  	[dreg:$0x3] =	wrdreg s2  }
0xb0: {  	[dreg:$0x4] =	wrdreg $0x9  }
0xb1: {  	_ =	task.clear_ibuf [dreg:s7], $0x5FFFF;
	_ =	strace $0x90000046  }
0xb2: {  	s29 =	simm.s32 $0x9;
	_ =	strace $0x80000048  }
0xb3: {  	_ =	swait.ge [sflag:s29], $0x1  }
0xb4: {  	[sflag:s29] =	ssyncadd.s32 $0xFFFFFFFF  }
0xb5: {  	_ =	strace $0x90000048  }
0xb6: {  	_ =	sfence  }
0xb7: {  	s30 =	sld [smem:$0x0];
	_ =	sdelay $0x2  }
0xb8: {  	s31 =	sshll.u32 s1, $0xD;
	s1 =	sshrl.u32 s1, $0x2  }
0xb9: {  	s3 =	sand.u32 $0x4000, s31;
	s1 =	sadd.s32 s1, s30  }
0xba: {  	s0 =	sor.u32 s3, s0;
	s1 =	sshll.u32 s1, $0x11  }
0xbb: {  	s0 =	sor.u32 s1, s0  }
0xbc: {  	s0 =	sadd.s32 $0x8F2B, s0  }
0xbd: {  	[sflag:s0] =	ssyncadd.remote.s32 $0x1  }
0xbe: {  	_ =	sfence.sel $0xFFFF  }
0xbf: {  	[dreg:$0x0] =	wrdreg $0xFFFFFFFF;
	(pc) =	sbr.abs _section_cstart, $3  }
0xc0: {  	[dreg:$0x1] =	wrdreg $0xFFFFFFFF  }
0xc1: {  	_ =	task.clear_ibuf [dreg:s7], $0x2FFFF;
	_ =	strace $0x9FFFFFFF  }
0xc2: {  	(tm) =	ssettm $0x7FFFFFFF  }
0xc3: {  	_ =	shalt  }
tec
execute0_lowered:
.L_overlay_start_1:
0x0: {  	(tag) =	ssettag $0x1  }
0x1: {  	s0 =	rddreg [dreg:$0x0]  }
0x2: {  	s9 =	rddreg [dreg:$0x1];
	s3 =	srdreg.scid  }
0x3: {  	s2 =	simm.s32 $0x0;
	s1 =	stileid.u32;
	s11 =	simm.s32 $0x3  }
0x4: {  	s12 =	simm.s32 $0x400;
	s13 =	simm.s32 $0x80;
	s14 =	simm.s32 $0x800  }
0x5: {  	s15 =	simm.s32 $0x8800;
	s16 =	simm.s32 $0x4800;
	s17 =	simm.s32 $0x480  }
0x6: {  	s18 =	simm.s32 $0xC800;
	s19 =	simm.s32 $0x1;
	s20 =	simm.s32 $0x2  }
0x7: {  	s21 =	simm.s32 $0x100;
	s22 =	simm.s32 $0x500;
	s23 =	simm.s32 $0x180  }
0x8: {  	s24 =	simm.s32 $0x580;
	s25 =	simm.s32 $0x10800;
	s26 =	simm.s32 $0x0  }
0x9: {  	s3 =	sand.u32 $0x1, s3;
	[smem:$0x7FF] =	sst s2;
	s4 =	sshll.u32 s1, $0x7  }
0xa: {  	s5 =	sshll.u32 s3, $0x6;
	_ =	strace $0x80000047;
	s30 =	ssub.s32 $0x2, s3  }
0xb: {  	s3 =	sadd.s32 $0x2800, s0;
	s10 =	sor.u32 s5, s4;
	s6 =	sshrl.u32 s30, $0x1  }
0xc: {  	s4 =	sadd.s32 $0x3DA800, s0;
	s8 =	sadd.s32 s10, s0;
	s31 =	ssub.s32 s30, s6  }
0xd: {  	v0 =	vlaneseq.u32;
	s9 =	sadd.s32 s9, s10;
	s5 =	sadd.s32 $0x1800, s8;
	s6 =	sadd.s32 $0x2000, s8  }
0xe: {  	v0 =	vmul.u32 $0x80, v0;
	s7 =	sadd.s32 $0x1000, s8;
	s8 =	sadd.s32 $0x800, s8;
	s10 =	smax.u32 s31, $0x1  }
.LBB2_1:
0xf: {  	[tilespmem:s2], [sflag:$0x3] =	stream.linear.gather [hbm4b:s5+s2], $0x200, $0x38;
	[tilespmem:$0x10A00] =	vst v63  }
0x10: {  	_ =	swait.ge [sflag:s11], $0x200  }
0x11: {  	[sflag:s11] =	ssyncset.done $0x0  }
0x12: {  	s0 =	simm.s32 $0x200;
	[sflag:s11] =	ssyncadd.s32 $0xFFFFFE00  }
0x13: {  	[tilespmem:s0], [sflag:$0x3] =	stream.linear.gather [hbm4b:s6+s2], $0x200, $0x38;
	[tilespmem:$0x10A00] =	vst v63  }
0x14: {  	_ =	swait.ge [sflag:s11], $0x200  }
0x15: {  	[sflag:s11] =	ssyncset.done $0x0  }
0x16: {  	[sflag:s11] =	ssyncadd.s32 $0xFFFFFE00  }
0x17: {  	[tilespmem:s12], [sflag:$0x3] =	stream.linear.gather [hbm4b:s7+s2], $0x200, $0x38;
	[tilespmem:$0x10A00] =	vst v63  }
0x18: {  	_ =	swait.ge [sflag:s11], $0x200  }
0x19: {  	[sflag:s11] =	ssyncset.done $0x0  }
0x1a: {  	s28 =	simm.s32 $0x600;
	[sflag:s11] =	ssyncadd.s32 $0xFFFFFE00  }
0x1b: {  	[tilespmem:s28], [sflag:$0x3] =	stream.linear.gather [hbm4b:s8+s2], $0x200, $0x38;
	[tilespmem:$0x10A00] =	vst v63  }
0x1c: {  	_ =	swait.ge [sflag:s11], $0x200  }
0x1d: {  	[sflag:s11] =	ssyncset.done $0x0  }
0x1e: {  	[sflag:s11] =	ssyncadd.s32 $0xFFFFFE00  }
0x1f: {  	[tilespmem:s14], [sflag:$0x1] =	stream.indirect.gather [hbm4b:s3+s13], $0x80, s2, s13, $0xb8;
	[tilespmem:$0x10A00] =	vst v63  }
0x20: {  	_ = 	snop  }
0x21: {  	[tilespmem:s15], [sflag:$0x2] =	stream.indirect.gather [hbm4b:s4+s13], $0x80, s12, s13, $0xb8;
	[tilespmem:$0x10A00] =	vst v63  }
0x22: {  	_ = 	snop  }
0x23: {  	[tilespmem:s16], [sflag:$0x1] =	stream.indirect.gather [hbm4b:s3+s13], $0x80, s13, s13, $0xb8;
	[tilespmem:$0x10A00] =	vst v63  }
0x24: {  	_ = 	snop  }
0x25: {  	[tilespmem:s18], [sflag:$0x2] =	stream.indirect.gather [hbm4b:s4+s13], $0x80, s17, s13, $0xb8;
	[tilespmem:$0x10A00] =	vst v63  }
0x26: {  	_ =	swait.ge [sflag:s19], $0x4000  }
0x27: {  	[sflag:s19] =	ssyncset.done $0x0  }
0x28: {  	[sflag:s19] =	ssyncadd.s32 $0xFFFFC000  }
0x29: {  	_ =	swait.ge [sflag:s20], $0x4000  }
0x2a: {  	[sflag:s20] =	ssyncset.done $0x0  }
0x2b: {  	[sflag:s20] =	ssyncadd.s32 $0xFFFFC000  }
0x2c: {  	v1 =	vld [tilespmem:s0+$0x0]  }
0x2d: {  	v2 =	vld [tilespmem:s28+$0x0];
	_ =	sdelay $0x2  }
0x2e: {  	v3 =	vmov s2  }
0x2f: {  	v3 =	vshll.u32 v3, $0x7;
	v1 =	vshll.u32 v1, $0x5  }
0x30: {  	v3 =	vor.u32 v0, v3;
	v2 =	vshll.u32 v2, $0x5;
	v4 =	vand.u32 $0xFFFFFF80, v1  }
0x31: {  	v1 =	vand.u32 $0x60, v1;
	v5 =	vand.u32 $0xFFFFFF80, v2;
	v4 =	vadd.s32 v3, v4  }
0x32: {  	v2 =	vand.u32 $0x60, v2;
	v3 =	vadd.s32 v3, v5;
	v1 =	vor.u32 v1, v4  }
0x33: {  	v2 =	vor.u32 v2, v3  }
0x34: {  	v3 =	vor.u32 $0x1, v1  }
0x35: {  	v46 =	vor.u32 $0x1, v2  }
0x36: {  	v47 =	vor.u32 $0x2, v1  }
0x37: {  	v7 =	vor.u32 $0x2, v2;
	v6 =	vld.idx.msk [tilespmem:v1+s14+$0x0], $0xffff  }
0x38: {  	v9 =	vor.u32 $0x3, v1;
	v8 =	vld.idx.msk [tilespmem:v2+s15+$0x0], $0xffff  }
0x39: {  	v10 =	vor.u32 $0x3, v2;
	v3 =	vld.idx.msk [tilespmem:v3+s14+$0x0], $0xffff  }
0x3a: {  	v11 =	vor.u32 $0x4, v1;
	v4 =	vld.idx.msk [tilespmem:v46+s15+$0x0], $0xffff  }
0x3b: {  	v12 =	vor.u32 $0x4, v2;
	v5 =	vld.idx.msk [tilespmem:v47+s14+$0x0], $0xffff  }
0x3c: {  	v13 =	vor.u32 $0x5, v1;
	v7 =	vld.idx.msk [tilespmem:v7+s15+$0x0], $0xffff  }
0x3d: {  	v14 =	vor.u32 $0x5, v2;
	v9 =	vld.idx.msk [tilespmem:v9+s14+$0x0], $0xffff;
	v6 =	vmul.f32 v8, v6  }
0x3e: {  	v49 =	vor.u32 $0x6, v1;
	v48 =	vld.idx.msk [tilespmem:v10+s15+$0x0], $0xffff  }
0x3f: {  	v15 =	vor.u32 $0x6, v2;
	v11 =	vld.idx.msk [tilespmem:v11+s14+$0x0], $0xffff;
	v3 =	vmul.f32 v4, v3;
	v6 =	vadd.f32 $0.0e+00, v6  }
0x40: {  	v51 =	vor.u32 $0x7, v1;
	v50 =	vld.idx.msk [tilespmem:v12+s15+$0x0], $0xffff  }
0x41: {  	v16 =	vor.u32 $0x7, v2;
	v13 =	vld.idx.msk [tilespmem:v13+s14+$0x0], $0xffff;
	v5 =	vmul.f32 v7, v5;
	v3 =	vadd.f32 v3, v6  }
0x42: {  	v54 =	vor.u32 $0x8, v2;
	v52 =	vld.idx.msk [tilespmem:v14+s15+$0x0], $0xffff  }
0x43: {  	v53 =	vor.u32 $0x8, v1;
	v10 =	vld.idx.msk [tilespmem:v49+s14+$0x0], $0xffff;
	v55 =	vmul.f32 v48, v9;
	v3 =	vadd.f32 v5, v3  }
0x44: {  	v58 =	vor.u32 $0x9, v2;
	v56 =	vld.idx.msk [tilespmem:v15+s15+$0x0], $0xffff  }
0x45: {  	v57 =	vor.u32 $0x9, v1;
	v12 =	vld.idx.msk [tilespmem:v51+s14+$0x0], $0xffff;
	v4 =	vmul.f32 v50, v11;
	v3 =	vadd.f32 v55, v3  }
0x46: {  	v61 =	vor.u32 $0xA, v2;
	v59 =	vld.idx.msk [tilespmem:v16+s15+$0x0], $0xffff  }
0x47: {  	v60 =	vor.u32 $0xA, v1;
	v63 =	vld.idx.msk [tilespmem:v54+s15+$0x0], $0xffff;
	v62 =	vmul.f32 v52, v13;
	v3 =	vadd.f32 v4, v3  }
0x48: {  	v20 =	vor.u32 $0xB, v2;
	v7 =	vld.idx.msk [tilespmem:v53+s14+$0x0], $0xffff  }
0x49: {  	v19 =	vor.u32 $0xB, v1;
	v22 =	vld.idx.msk [tilespmem:v58+s15+$0x0], $0xffff;
	v21 =	vmul.f32 v56, v10;
	v3 =	vadd.f32 v62, v3  }
0x4a: {  	v24 =	vor.u32 $0xC, v2;
	v9 =	vld.idx.msk [tilespmem:v57+s14+$0x0], $0xffff  }
0x4b: {  	v23 =	vor.u32 $0xC, v1;
	v26 =	vld.idx.msk [tilespmem:v61+s15+$0x0], $0xffff;
	v25 =	vmul.f32 v59, v12;
	v3 =	vadd.f32 v21, v3  }
0x4c: {  	v28 =	vor.u32 $0xD, v2;
	v11 =	vld.idx.msk [tilespmem:v60+s14+$0x0], $0xffff  }
0x4d: {  	v27 =	vor.u32 $0xD, v1;
	v30 =	vld.idx.msk [tilespmem:v20+s15+$0x0], $0xffff;
	v29 =	vmul.f32 v63, v7;
	v3 =	vadd.f32 v25, v3  }
0x4e: {  	v32 =	vor.u32 $0xE, v2;
	v13 =	vld.idx.msk [tilespmem:v19+s14+$0x0], $0xffff  }
0x4f: {  	v31 =	vor.u32 $0xE, v1;
	v34 =	vld.idx.msk [tilespmem:v24+s15+$0x0], $0xffff;
	v33 =	vmul.f32 v22, v9;
	v3 =	vadd.f32 v29, v3  }
0x50: {  	v36 =	vor.u32 $0xF, v2;
	v10 =	vld.idx.msk [tilespmem:v23+s14+$0x0], $0xffff  }
0x51: {  	v35 =	vor.u32 $0xF, v1;
	v38 =	vld.idx.msk [tilespmem:v28+s15+$0x0], $0xffff;
	v37 =	vmul.f32 v26, v11;
	v3 =	vadd.f32 v33, v3  }
0x52: {  	v40 =	vor.u32 $0x10, v2;
	v12 =	vld.idx.msk [tilespmem:v27+s14+$0x0], $0xffff  }
0x53: {  	v39 =	vor.u32 $0x10, v1;
	v42 =	vld.idx.msk [tilespmem:v32+s15+$0x0], $0xffff;
	v41 =	vmul.f32 v30, v13;
	v3 =	vadd.f32 v37, v3  }
0x54: {  	v44 =	vor.u32 $0x11, v2;
	v7 =	vld.idx.msk [tilespmem:v31+s14+$0x0], $0xffff  }
0x55: {  	v43 =	vor.u32 $0x11, v1;
	v46 =	vld.idx.msk [tilespmem:v36+s15+$0x0], $0xffff;
	v45 =	vmul.f32 v34, v10;
	v3 =	vadd.f32 v41, v3  }
0x56: {  	v47 =	vor.u32 $0x12, v1;
	v9 =	vld.idx.msk [tilespmem:v35+s14+$0x0], $0xffff  }
0x57: {  	v48 =	vor.u32 $0x12, v2;
	v50 =	vld.idx.msk [tilespmem:v40+s15+$0x0], $0xffff;
	v49 =	vmul.f32 v38, v12;
	v3 =	vadd.f32 v45, v3  }
0x58: {  	v51 =	vor.u32 $0x13, v1;
	v11 =	vld.idx.msk [tilespmem:v39+s14+$0x0], $0xffff  }
0x59: {  	v54 =	vld.idx.msk [tilespmem:v44+s15+$0x0], $0xffff;
	v52 =	vor.u32 $0x13, v2;
	v53 =	vmul.f32 v42, v7;
	v3 =	vadd.f32 v49, v3  }
0x5a: {  	v56 =	vor.u32 $0x14, v2;
	v13 =	vld.idx.msk [tilespmem:v43+s14+$0x0], $0xffff  }
0x5b: {  	v10 =	vld.idx.msk [tilespmem:v47+s14+$0x0], $0xffff;
	v55 =	vor.u32 $0x14, v1;
	v57 =	vmul.f32 v46, v9;
	v3 =	vadd.f32 v53, v3  }
0x5c: {  	v60 =	vor.u32 $0x15, v2;
	v58 =	vld.idx.msk [tilespmem:v48+s15+$0x0], $0xffff  }
0x5d: {  	v59 =	vor.u32 $0x15, v1;
	v12 =	vld.idx.msk [tilespmem:v51+s14+$0x0], $0xffff;
	v61 =	vmul.f32 v50, v11;
	v3 =	vadd.f32 v57, v3  }
0x5e: {  	v20 =	vor.u32 $0x16, v2;
	v62 =	vld.idx.msk [tilespmem:v52+s15+$0x0], $0xffff  }
0x5f: {  	v63 =	vor.u32 $0x16, v1;
	v22 =	vld.idx.msk [tilespmem:v56+s15+$0x0], $0xffff;
	v21 =	vmul.f32 v54, v13;
	v3 =	vadd.f32 v61, v3  }
0x60: {  	v24 =	vor.u32 $0x17, v2;
	v7 =	vld.idx.msk [tilespmem:v55+s14+$0x0], $0xffff  }
0x61: {  	v23 =	vor.u32 $0x17, v1;
	v26 =	vld.idx.msk [tilespmem:v60+s15+$0x0], $0xffff;
	v25 =	vmul.f32 v58, v10;
	v3 =	vadd.f32 v21, v3  }
0x62: {  	v28 =	vor.u32 $0x18, v2;
	v9 =	vld.idx.msk [tilespmem:v59+s14+$0x0], $0xffff  }
0x63: {  	v27 =	vor.u32 $0x18, v1;
	v30 =	vld.idx.msk [tilespmem:v20+s15+$0x0], $0xffff;
	v29 =	vmul.f32 v62, v12;
	v3 =	vadd.f32 v25, v3  }
0x64: {  	v32 =	vor.u32 $0x19, v2;
	v11 =	vld.idx.msk [tilespmem:v63+s14+$0x0], $0xffff  }
0x65: {  	v31 =	vor.u32 $0x19, v1;
	v34 =	vld.idx.msk [tilespmem:v24+s15+$0x0], $0xffff;
	v33 =	vmul.f32 v22, v7;
	v3 =	vadd.f32 v29, v3  }
0x66: {  	v36 =	vor.u32 $0x1A, v2;
	v13 =	vld.idx.msk [tilespmem:v23+s14+$0x0], $0xffff  }
0x67: {  	v35 =	vor.u32 $0x1A, v1;
	v38 =	vld.idx.msk [tilespmem:v28+s15+$0x0], $0xffff;
	v37 =	vmul.f32 v26, v9;
	v3 =	vadd.f32 v33, v3  }
0x68: {  	v40 =	vor.u32 $0x1B, v2;
	v10 =	vld.idx.msk [tilespmem:v27+s14+$0x0], $0xffff  }
0x69: {  	v39 =	vor.u32 $0x1B, v1;
	v42 =	vld.idx.msk [tilespmem:v32+s15+$0x0], $0xffff;
	v41 =	vmul.f32 v30, v11;
	v3 =	vadd.f32 v37, v3  }
0x6a: {  	v44 =	vor.u32 $0x1C, v2;
	v12 =	vld.idx.msk [tilespmem:v31+s14+$0x0], $0xffff  }
0x6b: {  	v43 =	vor.u32 $0x1C, v1;
	v46 =	vld.idx.msk [tilespmem:v36+s15+$0x0], $0xffff;
	v45 =	vmul.f32 v34, v13;
	v3 =	vadd.f32 v41, v3  }
0x6c: {  	v47 =	vor.u32 $0x1D, v1;
	v7 =	vld.idx.msk [tilespmem:v35+s14+$0x0], $0xffff  }
0x6d: {  	v48 =	vor.u32 $0x1D, v2;
	v50 =	vld.idx.msk [tilespmem:v40+s15+$0x0], $0xffff;
	v49 =	vmul.f32 v38, v10;
	v3 =	vadd.f32 v45, v3  }
0x6e: {  	v51 =	vor.u32 $0x1E, v1;
	v9 =	vld.idx.msk [tilespmem:v39+s14+$0x0], $0xffff  }
0x6f: {  	v52 =	vor.u32 $0x1E, v2;
	v54 =	vld.idx.msk [tilespmem:v44+s15+$0x0], $0xffff;
	v53 =	vmul.f32 v42, v12;
	v3 =	vadd.f32 v49, v3  }
0x70: {  	v1 =	vor.u32 $0x1F, v1;
	v11 =	vld.idx.msk [tilespmem:v43+s14+$0x0], $0xffff  }
0x71: {  	v2 =	vor.u32 $0x1F, v2;
	v55 =	vld.idx.msk [tilespmem:v47+s14+$0x0], $0xffff;
	v56 =	vmul.f32 v46, v7;
	v3 =	vadd.f32 v53, v3  }
0x72: {  	v57 =	vld.idx.msk [tilespmem:v48+s15+$0x0], $0xffff  }
0x73: {  	v58 =	vld.idx.msk [tilespmem:v51+s14+$0x0], $0xffff;
	v59 =	vmul.f32 v50, v9;
	v3 =	vadd.f32 v56, v3  }
0x74: {  	v60 =	vld.idx.msk [tilespmem:v52+s15+$0x0], $0xffff  }
0x75: {  	v1 =	vld.idx.msk [tilespmem:v1+s14+$0x0], $0xffff;
	v61 =	vmul.f32 v54, v11;
	v3 =	vadd.f32 v59, v3  }
0x76: {  	v2 =	vld.idx.msk [tilespmem:v2+s15+$0x0], $0xffff  }
0x77: {  	v62 =	vmul.f32 v57, v55;
	v3 =	vadd.f32 v61, v3;
	_ =	sdelay $0x1  }
0x78: {  	v63 =	vmul.f32 v60, v58;
	v3 =	vadd.f32 v62, v3;
	_ =	sdelay $0x1  }
0x79: {  	v1 =	vmul.f32 v2, v1;
	v3 =	vadd.f32 v63, v3;
	_ =	sdelay $0x1  }
0x7a: {  	v1 =	vadd.f32 v1, v3;
	_ =	sdelay $0x1  }
0x7b: {  	s29 =	simm.s32 $0x210;
	[tilespmem:s25+$0x0] =	vst v1  }
0x7c: {  	s30 =	simm.s32 $0x610;
	v1 =	vld [tilespmem:s29+$0x0]  }
0x7d: {  	s31 =	simm.s32 $0x10;
	s0 =	simm.s32 $0x20;
	s28 =	simm.s32 $0x10800;
	v2 =	vld [tilespmem:s30+$0x0]  }
.LBB2_2:
0x7e: {  	p0 =	sne.s32 s0, $0x70;
	_ =	sdelay $0x1  }
0x7f: {  	v3 =	vmov s31;
	s31 =	smov.u32 s0  }
0x80: {  	v3 =	vshll.u32 v3, $0x7;
	v1 =	vshll.u32 v1, $0x5  }
0x81: {  	v3 =	vor.u32 v0, v3;
	v2 =	vshll.u32 v2, $0x5;
	v4 =	vand.u32 $0xFFFFFF80, v1  }
0x82: {  	v1 =	vand.u32 $0x60, v1;
	v4 =	vadd.s32 v3, v4;
	v5 =	vand.u32 $0xFFFFFF80, v2  }
0x83: {  	v2 =	vand.u32 $0x60, v2;
	v1 =	vor.u32 v1, v4;
	v3 =	vadd.s32 v3, v5  }
0x84: {  	v2 =	vor.u32 v2, v3  }
0x85: {  	v3 =	vor.u32 $0x1, v1  }
0x86: {  	v4 =	vor.u32 $0x1, v2  }
0x87: {  	v5 =	vor.u32 $0x2, v1  }
0x88: {  	v7 =	vor.u32 $0x2, v2;
	v6 =	vld.idx.msk [tilespmem:v1+s14+$0x0], $0xffff  }
0x89: {  	v9 =	vor.u32 $0x3, v1;
	v8 =	vld.idx.msk [tilespmem:v2+s15+$0x0], $0xffff  }
0x8a: {  	v10 =	vor.u32 $0x3, v2;
	v3 =	vld.idx.msk [tilespmem:v3+s14+$0x0], $0xffff  }
0x8b: {  	v11 =	vor.u32 $0x4, v1;
	v4 =	vld.idx.msk [tilespmem:v4+s15+$0x0], $0xffff  }
0x8c: {  	v12 =	vor.u32 $0x4, v2;
	v5 =	vld.idx.msk [tilespmem:v5+s14+$0x0], $0xffff  }
0x8d: {  	v13 =	vor.u32 $0x5, v1;
	v7 =	vld.idx.msk [tilespmem:v7+s15+$0x0], $0xffff  }
0x8e: {  	v14 =	vor.u32 $0x5, v2;
	v9 =	vld.idx.msk [tilespmem:v9+s14+$0x0], $0xffff  }
0x8f: {  	v6 =	vmul.f32 v8, v6;
	v8 =	vld.idx.msk [tilespmem:v10+s15+$0x0], $0xffff;
	v10 =	vor.u32 $0x6, v1  }
0x90: {  	v15 =	vor.u32 $0x6, v2;
	v11 =	vld.idx.msk [tilespmem:v11+s14+$0x0], $0xffff  }
0x91: {  	v6 =	vadd.f32 $0.0e+00, v6;
	v3 =	vmul.f32 v4, v3;
	v4 =	vld.idx.msk [tilespmem:v12+s15+$0x0], $0xffff;
	v12 =	vor.u32 $0x7, v1  }
0x92: {  	v16 =	vor.u32 $0x7, v2;
	v13 =	vld.idx.msk [tilespmem:v13+s14+$0x0], $0xffff  }
0x93: {  	v3 =	vadd.f32 v3, v6;
	v5 =	vmul.f32 v7, v5;
	v7 =	vor.u32 $0x8, v1;
	v6 =	vld.idx.msk [tilespmem:v14+s15+$0x0], $0xffff  }
0x94: {  	v14 =	vor.u32 $0x8, v2;
	v10 =	vld.idx.msk [tilespmem:v10+s14+$0x0], $0xffff  }
0x95: {  	v3 =	vadd.f32 v5, v3;
	v5 =	vmul.f32 v8, v9;
	v9 =	vor.u32 $0x9, v1;
	v8 =	vld.idx.msk [tilespmem:v15+s15+$0x0], $0xffff  }
0x96: {  	v15 =	vor.u32 $0x9, v2;
	v12 =	vld.idx.msk [tilespmem:v12+s14+$0x0], $0xffff  }
0x97: {  	v3 =	vadd.f32 v5, v3;
	v4 =	vmul.f32 v4, v11;
	v11 =	vor.u32 $0xA, v1;
	v5 =	vld.idx.msk [tilespmem:v16+s15+$0x0], $0xffff  }
0x98: {  	v16 =	vor.u32 $0xA, v2;
	v7 =	vld.idx.msk [tilespmem:v7+s14+$0x0], $0xffff  }
0x99: {  	v3 =	vadd.f32 v4, v3;
	v4 =	vmul.f32 v6, v13;
	v13 =	vor.u32 $0xB, v1;
	v6 =	vld.idx.msk [tilespmem:v14+s15+$0x0], $0xffff  }
0x9a: {  	v14 =	vor.u32 $0xB, v2;
	v9 =	vld.idx.msk [tilespmem:v9+s14+$0x0], $0xffff  }
0x9b: {  	v3 =	vadd.f32 v4, v3;
	v4 =	vmul.f32 v8, v10;
	v10 =	vor.u32 $0xC, v1;
	v8 =	vld.idx.msk [tilespmem:v15+s15+$0x0], $0xffff  }
0x9c: {  	v15 =	vor.u32 $0xC, v2;
	v11 =	vld.idx.msk [tilespmem:v11+s14+$0x0], $0xffff  }
0x9d: {  	v3 =	vadd.f32 v4, v3;
	v4 =	vmul.f32 v5, v12;
	v12 =	vor.u32 $0xD, v1;
	v5 =	vld.idx.msk [tilespmem:v16+s15+$0x0], $0xffff  }
0x9e: {  	v16 =	vor.u32 $0xD, v2;
	v13 =	vld.idx.msk [tilespmem:v13+s14+$0x0], $0xffff  }
0x9f: {  	v3 =	vadd.f32 v4, v3;
	v4 =	vmul.f32 v6, v7;
	v7 =	vor.u32 $0xE, v1;
	v6 =	vld.idx.msk [tilespmem:v14+s15+$0x0], $0xffff  }
0xa0: {  	v14 =	vor.u32 $0xE, v2;
	v10 =	vld.idx.msk [tilespmem:v10+s14+$0x0], $0xffff  }
0xa1: {  	v3 =	vadd.f32 v4, v3;
	v4 =	vmul.f32 v8, v9;
	v9 =	vor.u32 $0xF, v1;
	v8 =	vld.idx.msk [tilespmem:v15+s15+$0x0], $0xffff  }
0xa2: {  	v15 =	vor.u32 $0xF, v2;
	v12 =	vld.idx.msk [tilespmem:v12+s14+$0x0], $0xffff  }
0xa3: {  	v3 =	vadd.f32 v4, v3;
	v4 =	vmul.f32 v5, v11;
	v11 =	vor.u32 $0x10, v1;
	v5 =	vld.idx.msk [tilespmem:v16+s15+$0x0], $0xffff  }
0xa4: {  	v16 =	vor.u32 $0x10, v2;
	v7 =	vld.idx.msk [tilespmem:v7+s14+$0x0], $0xffff  }
0xa5: {  	v3 =	vadd.f32 v4, v3;
	v4 =	vmul.f32 v6, v13;
	v13 =	vor.u32 $0x11, v1;
	v6 =	vld.idx.msk [tilespmem:v14+s15+$0x0], $0xffff  }
0xa6: {  	v14 =	vor.u32 $0x11, v2;
	v9 =	vld.idx.msk [tilespmem:v9+s14+$0x0], $0xffff  }
0xa7: {  	v3 =	vadd.f32 v4, v3;
	v4 =	vmul.f32 v8, v10;
	v10 =	vor.u32 $0x12, v1;
	v8 =	vld.idx.msk [tilespmem:v15+s15+$0x0], $0xffff  }
0xa8: {  	v15 =	vor.u32 $0x12, v2;
	v11 =	vld.idx.msk [tilespmem:v11+s14+$0x0], $0xffff  }
0xa9: {  	v3 =	vadd.f32 v4, v3;
	v4 =	vmul.f32 v5, v12;
	v12 =	vor.u32 $0x13, v1;
	v5 =	vld.idx.msk [tilespmem:v16+s15+$0x0], $0xffff  }
0xaa: {  	v16 =	vor.u32 $0x13, v2;
	v13 =	vld.idx.msk [tilespmem:v13+s14+$0x0], $0xffff  }
0xab: {  	v3 =	vadd.f32 v4, v3;
	v4 =	vmul.f32 v6, v7;
	v7 =	vor.u32 $0x14, v1;
	v6 =	vld.idx.msk [tilespmem:v14+s15+$0x0], $0xffff  }
0xac: {  	v14 =	vor.u32 $0x14, v2;
	v10 =	vld.idx.msk [tilespmem:v10+s14+$0x0], $0xffff  }
0xad: {  	v3 =	vadd.f32 v4, v3;
	v4 =	vmul.f32 v8, v9;
	v9 =	vor.u32 $0x15, v1;
	v8 =	vld.idx.msk [tilespmem:v15+s15+$0x0], $0xffff  }
0xae: {  	v15 =	vor.u32 $0x15, v2;
	v12 =	vld.idx.msk [tilespmem:v12+s14+$0x0], $0xffff  }
0xaf: {  	v3 =	vadd.f32 v4, v3;
	v4 =	vmul.f32 v5, v11;
	v11 =	vor.u32 $0x16, v1;
	v5 =	vld.idx.msk [tilespmem:v16+s15+$0x0], $0xffff  }
0xb0: {  	v16 =	vor.u32 $0x16, v2;
	v7 =	vld.idx.msk [tilespmem:v7+s14+$0x0], $0xffff  }
0xb1: {  	v3 =	vadd.f32 v4, v3;
	v4 =	vmul.f32 v6, v13;
	v13 =	vor.u32 $0x17, v1;
	v6 =	vld.idx.msk [tilespmem:v14+s15+$0x0], $0xffff  }
0xb2: {  	v14 =	vor.u32 $0x17, v2;
	v9 =	vld.idx.msk [tilespmem:v9+s14+$0x0], $0xffff  }
0xb3: {  	v3 =	vadd.f32 v4, v3;
	v4 =	vmul.f32 v8, v10;
	v10 =	vor.u32 $0x18, v1;
	v8 =	vld.idx.msk [tilespmem:v15+s15+$0x0], $0xffff  }
0xb4: {  	v15 =	vor.u32 $0x18, v2;
	v11 =	vld.idx.msk [tilespmem:v11+s14+$0x0], $0xffff  }
0xb5: {  	v3 =	vadd.f32 v4, v3;
	v4 =	vmul.f32 v5, v12;
	v12 =	vor.u32 $0x19, v1;
	v5 =	vld.idx.msk [tilespmem:v16+s15+$0x0], $0xffff  }
0xb6: {  	v16 =	vor.u32 $0x19, v2;
	v13 =	vld.idx.msk [tilespmem:v13+s14+$0x0], $0xffff  }
0xb7: {  	v3 =	vadd.f32 v4, v3;
	v4 =	vmul.f32 v6, v7;
	v7 =	vor.u32 $0x1A, v1;
	v6 =	vld.idx.msk [tilespmem:v14+s15+$0x0], $0xffff  }
0xb8: {  	v14 =	vor.u32 $0x1A, v2;
	v10 =	vld.idx.msk [tilespmem:v10+s14+$0x0], $0xffff  }
0xb9: {  	v3 =	vadd.f32 v4, v3;
	v4 =	vmul.f32 v8, v9;
	v9 =	vor.u32 $0x1B, v1;
	v8 =	vld.idx.msk [tilespmem:v15+s15+$0x0], $0xffff  }
0xba: {  	v15 =	vor.u32 $0x1B, v2;
	v12 =	vld.idx.msk [tilespmem:v12+s14+$0x0], $0xffff  }
0xbb: {  	v3 =	vadd.f32 v4, v3;
	v4 =	vmul.f32 v5, v11;
	v11 =	vor.u32 $0x1C, v1;
	v5 =	vld.idx.msk [tilespmem:v16+s15+$0x0], $0xffff  }
0xbc: {  	v16 =	vor.u32 $0x1C, v2;
	v7 =	vld.idx.msk [tilespmem:v7+s14+$0x0], $0xffff  }
0xbd: {  	v3 =	vadd.f32 v4, v3;
	v4 =	vmul.f32 v6, v13;
	v13 =	vor.u32 $0x1D, v1;
	v6 =	vld.idx.msk [tilespmem:v14+s15+$0x0], $0xffff  }
0xbe: {  	v14 =	vor.u32 $0x1D, v2;
	v9 =	vld.idx.msk [tilespmem:v9+s14+$0x0], $0xffff  }
0xbf: {  	v3 =	vadd.f32 v4, v3;
	v4 =	vmul.f32 v8, v10;
	v10 =	vor.u32 $0x1E, v1;
	v8 =	vld.idx.msk [tilespmem:v15+s15+$0x0], $0xffff  }
0xc0: {  	v15 =	vor.u32 $0x1E, v2;
	v11 =	vld.idx.msk [tilespmem:v11+s14+$0x0], $0xffff  }
0xc1: {  	v1 =	vor.u32 $0x1F, v1;
	v3 =	vadd.f32 v4, v3;
	v4 =	vmul.f32 v5, v12;
	v5 =	vld.idx.msk [tilespmem:v16+s15+$0x0], $0xffff  }
0xc2: {  	v2 =	vor.u32 $0x1F, v2;
	v12 =	vld.idx.msk [tilespmem:v13+s14+$0x0], $0xffff  }
0xc3: {  	v3 =	vadd.f32 v4, v3;
	v4 =	vmul.f32 v6, v7;
	v6 =	vld.idx.msk [tilespmem:v14+s15+$0x0], $0xffff  }
0xc4: {  	v7 =	vld.idx.msk [tilespmem:v10+s14+$0x0], $0xffff  }
0xc5: {  	v3 =	vadd.f32 v4, v3;
	v4 =	vmul.f32 v8, v9;
	v8 =	vld.idx.msk [tilespmem:v15+s15+$0x0], $0xffff  }
0xc6: {  	v1 =	vld.idx.msk [tilespmem:v1+s14+$0x0], $0xffff  }
0xc7: {  	v3 =	vadd.f32 v4, v3;
	v4 =	vmul.f32 v5, v11;
	v2 =	vld.idx.msk [tilespmem:v2+s15+$0x0], $0xffff;
	_ =	sdelay $0x1  }
0xc8: {  	v3 =	vadd.f32 v4, v3;
	v4 =	vmul.f32 v6, v12;
	_ =	sdelay $0x1  }
0xc9: {  	v3 =	vadd.f32 v4, v3;
	v4 =	vmul.f32 v8, v7;
	_ =	sdelay $0x1  }
0xca: {  	v3 =	vadd.f32 v4, v3;
	v1 =	vmul.f32 v2, v1;
	_ =	sdelay $0x1  }
.Ltmp0:
0xcb: {  	v1 =	vadd.f32 v1, v3;
	(pc) =	sbr.rel @p0 .LBB2_2-.Ltmp0, $4  }
0xcc: {  	s28 =	sadd.s32 $0x10, s28  }
0xcd: {  	s29 =	sadd.s32 $0x10, s29;
	[tilespmem:s28+$0x0] =	vst v1  }
0xce: {  	s30 =	sadd.s32 $0x10, s30;
	v1 =	vld [tilespmem:s29+$0x0]  }
0xcf: {  	s0 =	sadd.s32 $0x10, s0;
	v2 =	vld [tilespmem:s30+$0x0]  }
0xd0: {  	_ =	sdelay $0x1  }
0xd1: {  	v3 =	vmov s31  }
0xd2: {  	v3 =	vshll.u32 v3, $0x7;
	v1 =	vshll.u32 v1, $0x5  }
0xd3: {  	v3 =	vor.u32 v0, v3;
	v2 =	vshll.u32 v2, $0x5;
	v4 =	vand.u32 $0xFFFFFF80, v1  }
0xd4: {  	v1 =	vand.u32 $0x60, v1;
	v4 =	vadd.s32 v3, v4;
	v5 =	vand.u32 $0xFFFFFF80, v2  }
0xd5: {  	v2 =	vand.u32 $0x60, v2;
	v1 =	vor.u32 v1, v4;
	v3 =	vadd.s32 v3, v5  }
0xd6: {  	v2 =	vor.u32 v2, v3  }
0xd7: {  	v3 =	vor.u32 $0x1, v1  }
0xd8: {  	v60 =	vor.u32 $0x1, v2  }
0xd9: {  	v61 =	vor.u32 $0x2, v1  }
0xda: {  	v7 =	vor.u32 $0x2, v2;
	v6 =	vld.idx.msk [tilespmem:v1+s14+$0x0], $0xffff  }
0xdb: {  	v9 =	vor.u32 $0x3, v1;
	v8 =	vld.idx.msk [tilespmem:v2+s15+$0x0], $0xffff  }
0xdc: {  	v10 =	vor.u32 $0x3, v2;
	v3 =	vld.idx.msk [tilespmem:v3+s14+$0x0], $0xffff  }
0xdd: {  	v11 =	vor.u32 $0x4, v1;
	v4 =	vld.idx.msk [tilespmem:v60+s15+$0x0], $0xffff  }
0xde: {  	v12 =	vor.u32 $0x4, v2;
	v5 =	vld.idx.msk [tilespmem:v61+s14+$0x0], $0xffff  }
0xdf: {  	v13 =	vor.u32 $0x5, v1;
	v7 =	vld.idx.msk [tilespmem:v7+s15+$0x0], $0xffff  }
0xe0: {  	v14 =	vor.u32 $0x5, v2;
	v9 =	vld.idx.msk [tilespmem:v9+s14+$0x0], $0xffff;
	v6 =	vmul.f32 v8, v6  }
0xe1: {  	v63 =	vor.u32 $0x6, v1;
	v62 =	vld.idx.msk [tilespmem:v10+s15+$0x0], $0xffff  }
0xe2: {  	v15 =	vor.u32 $0x6, v2;
	v11 =	vld.idx.msk [tilespmem:v11+s14+$0x0], $0xffff;
	v3 =	vmul.f32 v4, v3;
	v6 =	vadd.f32 $0.0e+00, v6  }
0xe3: {  	v21 =	vor.u32 $0x7, v1;
	v20 =	vld.idx.msk [tilespmem:v12+s15+$0x0], $0xffff  }
0xe4: {  	v16 =	vor.u32 $0x7, v2;
	v13 =	vld.idx.msk [tilespmem:v13+s14+$0x0], $0xffff;
	v5 =	vmul.f32 v7, v5;
	v3 =	vadd.f32 v3, v6  }
0xe5: {  	v24 =	vor.u32 $0x8, v2;
	v22 =	vld.idx.msk [tilespmem:v14+s15+$0x0], $0xffff  }
0xe6: {  	v23 =	vor.u32 $0x8, v1;
	v10 =	vld.idx.msk [tilespmem:v63+s14+$0x0], $0xffff;
	v25 =	vmul.f32 v62, v9;
	v3 =	vadd.f32 v5, v3  }
0xe7: {  	v28 =	vor.u32 $0x9, v2;
	v26 =	vld.idx.msk [tilespmem:v15+s15+$0x0], $0xffff  }
0xe8: {  	v27 =	vor.u32 $0x9, v1;
	v12 =	vld.idx.msk [tilespmem:v21+s14+$0x0], $0xffff;
	v4 =	vmul.f32 v20, v11;
	v3 =	vadd.f32 v25, v3  }
0xe9: {  	v31 =	vor.u32 $0xA, v2;
	v29 =	vld.idx.msk [tilespmem:v16+s15+$0x0], $0xffff  }
0xea: {  	v30 =	vor.u32 $0xA, v1;
	v33 =	vld.idx.msk [tilespmem:v24+s15+$0x0], $0xffff;
	v32 =	vmul.f32 v22, v13;
	v3 =	vadd.f32 v4, v3  }
0xeb: {  	v35 =	vor.u32 $0xB, v2;
	v7 =	vld.idx.msk [tilespmem:v23+s14+$0x0], $0xffff  }
0xec: {  	v34 =	vor.u32 $0xB, v1;
	v37 =	vld.idx.msk [tilespmem:v28+s15+$0x0], $0xffff;
	v36 =	vmul.f32 v26, v10;
	v3 =	vadd.f32 v32, v3  }
0xed: {  	v39 =	vor.u32 $0xC, v2;
	v9 =	vld.idx.msk [tilespmem:v27+s14+$0x0], $0xffff  }
0xee: {  	v38 =	vor.u32 $0xC, v1;
	v41 =	vld.idx.msk [tilespmem:v31+s15+$0x0], $0xffff;
	v40 =	vmul.f32 v29, v12;
	v3 =	vadd.f32 v36, v3  }
0xef: {  	v43 =	vor.u32 $0xD, v2;
	v11 =	vld.idx.msk [tilespmem:v30+s14+$0x0], $0xffff  }
0xf0: {  	v42 =	vor.u32 $0xD, v1;
	v45 =	vld.idx.msk [tilespmem:v35+s15+$0x0], $0xffff;
	v44 =	vmul.f32 v33, v7;
	v3 =	vadd.f32 v40, v3  }
0xf1: {  	v47 =	vor.u32 $0xE, v2;
	v13 =	vld.idx.msk [tilespmem:v34+s14+$0x0], $0xffff  }
0xf2: {  	v46 =	vor.u32 $0xE, v1;
	v49 =	vld.idx.msk [tilespmem:v39+s15+$0x0], $0xffff;
	v48 =	vmul.f32 v37, v9;
	v3 =	vadd.f32 v44, v3  }
0xf3: {  	v51 =	vor.u32 $0xF, v2;
	v10 =	vld.idx.msk [tilespmem:v38+s14+$0x0], $0xffff  }
0xf4: {  	v50 =	vor.u32 $0xF, v1;
	v53 =	vld.idx.msk [tilespmem:v43+s15+$0x0], $0xffff;
	v52 =	vmul.f32 v41, v11;
	v3 =	vadd.f32 v48, v3  }
0xf5: {  	v55 =	vor.u32 $0x10, v2;
	v12 =	vld.idx.msk [tilespmem:v42+s14+$0x0], $0xffff  }
0xf6: {  	v54 =	vor.u32 $0x10, v1;
	v57 =	vld.idx.msk [tilespmem:v47+s15+$0x0], $0xffff;
	v56 =	vmul.f32 v45, v13;
	v3 =	vadd.f32 v52, v3  }
0xf7: {  	v58 =	vor.u32 $0x11, v1;
	v7 =	vld.idx.msk [tilespmem:v46+s14+$0x0], $0xffff  }
0xf8: {  	v59 =	vor.u32 $0x11, v2;
	v61 =	vld.idx.msk [tilespmem:v51+s15+$0x0], $0xffff;
	v60 =	vmul.f32 v49, v10;
	v3 =	vadd.f32 v56, v3  }
0xf9: {  	v63 =	vor.u32 $0x12, v2;
	v9 =	vld.idx.msk [tilespmem:v50+s14+$0x0], $0xffff  }
0xfa: {  	v21 =	vld.idx.msk [tilespmem:v55+s15+$0x0], $0xffff;
	v62 =	vor.u32 $0x12, v1;
	v20 =	vmul.f32 v53, v12;
	v3 =	vadd.f32 v60, v3  }
0xfb: {  	v22 =	vor.u32 $0x13, v1;
	v11 =	vld.idx.msk [tilespmem:v54+s14+$0x0], $0xffff  }
0xfc: {  	v23 =	vor.u32 $0x13, v2;
	v13 =	vld.idx.msk [tilespmem:v58+s14+$0x0], $0xffff;
	v24 =	vmul.f32 v57, v7;
	v3 =	vadd.f32 v20, v3  }
0xfd: {  	v27 =	vor.u32 $0x14, v2;
	v25 =	vld.idx.msk [tilespmem:v59+s15+$0x0], $0xffff  }
0xfe: {  	v26 =	vor.u32 $0x14, v1;
	v29 =	vld.idx.msk [tilespmem:v63+s15+$0x0], $0xffff;
	v28 =	vmul.f32 v61, v9;
	v3 =	vadd.f32 v24, v3  }
0xff: {  	v31 =	vor.u32 $0x15, v2;
	v10 =	vld.idx.msk [tilespmem:v62+s14+$0x0], $0xffff  }
0x100: {  	v30 =	vor.u32 $0x15, v1;
	v12 =	vld.idx.msk [tilespmem:v22+s14+$0x0], $0xffff;
	v32 =	vmul.f32 v21, v11;
	v3 =	vadd.f32 v28, v3  }
0x101: {  	v35 =	vor.u32 $0x16, v2;
	v33 =	vld.idx.msk [tilespmem:v23+s15+$0x0], $0xffff  }
0x102: {  	v34 =	vor.u32 $0x16, v1;
	v37 =	vld.idx.msk [tilespmem:v27+s15+$0x0], $0xffff;
	v36 =	vmul.f32 v25, v13;
	v3 =	vadd.f32 v32, v3  }
0x103: {  	v39 =	vor.u32 $0x17, v2;
	v7 =	vld.idx.msk [tilespmem:v26+s14+$0x0], $0xffff  }
0x104: {  	v38 =	vor.u32 $0x17, v1;
	v41 =	vld.idx.msk [tilespmem:v31+s15+$0x0], $0xffff;
	v40 =	vmul.f32 v29, v10;
	v3 =	vadd.f32 v36, v3  }
0x105: {  	v43 =	vor.u32 $0x18, v2;
	v9 =	vld.idx.msk [tilespmem:v30+s14+$0x0], $0xffff  }
0x106: {  	v42 =	vor.u32 $0x18, v1;
	v45 =	vld.idx.msk [tilespmem:v35+s15+$0x0], $0xffff;
	v44 =	vmul.f32 v33, v12;
	v3 =	vadd.f32 v40, v3  }
0x107: {  	v47 =	vor.u32 $0x19, v2;
	v11 =	vld.idx.msk [tilespmem:v34+s14+$0x0], $0xffff  }
0x108: {  	v46 =	vor.u32 $0x19, v1;
	v49 =	vld.idx.msk [tilespmem:v39+s15+$0x0], $0xffff;
	v48 =	vmul.f32 v37, v7;
	v3 =	vadd.f32 v44, v3  }
0x109: {  	v51 =	vor.u32 $0x1A, v2;
	v13 =	vld.idx.msk [tilespmem:v38+s14+$0x0], $0xffff  }
0x10a: {  	v50 =	vor.u32 $0x1A, v1;
	v53 =	vld.idx.msk [tilespmem:v43+s15+$0x0], $0xffff;
	v52 =	vmul.f32 v41, v9;
	v3 =	vadd.f32 v48, v3  }
0x10b: {  	v55 =	vor.u32 $0x1B, v2;
	v10 =	vld.idx.msk [tilespmem:v42+s14+$0x0], $0xffff  }
0x10c: {  	v54 =	vor.u32 $0x1B, v1;
	v57 =	vld.idx.msk [tilespmem:v47+s15+$0x0], $0xffff;
	v56 =	vmul.f32 v45, v11;
	v3 =	vadd.f32 v52, v3  }
0x10d: {  	v59 =	vor.u32 $0x1C, v2;
	v12 =	vld.idx.msk [tilespmem:v46+s14+$0x0], $0xffff  }
0x10e: {  	v58 =	vor.u32 $0x1C, v1;
	v61 =	vld.idx.msk [tilespmem:v51+s15+$0x0], $0xffff;
	v60 =	vmul.f32 v49, v13;
	v3 =	vadd.f32 v56, v3  }
0x10f: {  	v63 =	vor.u32 $0x1D, v2;
	v7 =	vld.idx.msk [tilespmem:v50+s14+$0x0], $0xffff  }
0x110: {  	v19 =	vld.idx.msk [tilespmem:v55+s15+$0x0], $0xffff;
	v62 =	vor.u32 $0x1D, v1;
	v18 =	vmul.f32 v53, v10;
	v3 =	vadd.f32 v60, v3  }
0x111: {  	v21 =	vor.u32 $0x1E, v2;
	v9 =	vld.idx.msk [tilespmem:v54+s14+$0x0], $0xffff  }
0x112: {  	v23 =	vld.idx.msk [tilespmem:v59+s15+$0x0], $0xffff;
	v22 =	vmul.f32 v57, v12;
	v20 =	vor.u32 $0x1E, v1;
	v3 =	vadd.f32 v18, v3  }
0x113: {  	v2 =	vor.u32 $0x1F, v2;
	v11 =	vld.idx.msk [tilespmem:v58+s14+$0x0], $0xffff  }
0x114: {  	v26 =	vld.idx.msk [tilespmem:v63+s15+$0x0], $0xffff;
	v25 =	vmul.f32 v61, v7;
	v1 =	vor.u32 $0x1F, v1;
	v3 =	vadd.f32 v22, v3  }
0x115: {  	v24 =	vld.idx.msk [tilespmem:v62+s14+$0x0], $0xffff  }
0x116: {  	v29 =	vld.idx.msk [tilespmem:v21+s15+$0x0], $0xffff;
	v28 =	vmul.f32 v19, v9;
	v3 =	vadd.f32 v25, v3  }
0x117: {  	v27 =	vld.idx.msk [tilespmem:v20+s14+$0x0], $0xffff  }
0x118: {  	v2 =	vld.idx.msk [tilespmem:v2+s15+$0x0], $0xffff;
	v30 =	vmul.f32 v23, v11;
	v3 =	vadd.f32 v28, v3  }
0x119: {  	v1 =	vld.idx.msk [tilespmem:v1+s14+$0x0], $0xffff  }
0x11a: {  	v31 =	vmul.f32 v26, v24;
	v3 =	vadd.f32 v30, v3;
	_ =	sdelay $0x1  }
0x11b: {  	v32 =	vmul.f32 v29, v27;
	v3 =	vadd.f32 v31, v3;
	_ =	sdelay $0x1  }
0x11c: {  	v1 =	vmul.f32 v2, v1;
	v3 =	vadd.f32 v32, v3;
	_ =	sdelay $0x1  }
0x11d: {  	v1 =	vadd.f32 v1, v3  }
0x11e: {  	s0 =	sadd.s32 $0x10, s28  }
0x11f: {  	[tilespmem:s0+$0x0] =	vst v1  }
0x120: {  	[tilespmem:s14], [sflag:$0x1] =	stream.indirect.gather [hbm4b:s3+s13], $0x80, s21, s13, $0xb8;
	[tilespmem:$0x10A00] =	vst v63  }
0x121: {  	_ = 	snop  }
0x122: {  	[tilespmem:s15], [sflag:$0x2] =	stream.indirect.gather [hbm4b:s4+s13], $0x80, s22, s13, $0xb8;
	[tilespmem:$0x10A00] =	vst v63  }
0x123: {  	_ =	swait.ge [sflag:s19], $0x4000  }
0x124: {  	[sflag:s19] =	ssyncset.done $0x0  }
0x125: {  	[sflag:s19] =	ssyncadd.s32 $0xFFFFC000  }
0x126: {  	_ =	swait.ge [sflag:s20], $0x4000  }
0x127: {  	[sflag:s20] =	ssyncset.done $0x0  }
0x128: {  	s0 =	simm.s32 $0x280;
	[sflag:s20] =	ssyncadd.s32 $0xFFFFC000  }
0x129: {  	s28 =	simm.s32 $0x680;
	v1 =	vld [tilespmem:s0+$0x0]  }
0x12a: {  	v2 =	vld [tilespmem:s28+$0x0];
	_ =	sdelay $0x1  }
0x12b: {  	s0 =	simm.s32 $0x0  }
0x12c: {  	v3 =	vmov s0  }
0x12d: {  	v3 =	vshll.u32 v3, $0x7;
	v1 =	vshll.u32 v1, $0x5  }
0x12e: {  	v3 =	vor.u32 v0, v3;
	v2 =	vshll.u32 v2, $0x5;
	v33 =	vand.u32 $0xFFFFFF80, v1  }
0x12f: {  	v1 =	vand.u32 $0x60, v1;
	v34 =	vand.u32 $0xFFFFFF80, v2;
	v4 =	vadd.s32 v3, v33  }
0x130: {  	v2 =	vand.u32 $0x60, v2;
	v3 =	vadd.s32 v3, v34;
	v1 =	vor.u32 v1, v4  }
0x131: {  	v2 =	vor.u32 v2, v3  }
0x132: {  	v3 =	vor.u32 $0x1, v1  }
0x133: {  	v35 =	vor.u32 $0x1, v2  }
0x134: {  	v36 =	vor.u32 $0x2, v1  }
0x135: {  	v38 =	vor.u32 $0x2, v2;
	v37 =	vld.idx.msk [tilespmem:v1+s16+$0x0], $0xffff  }
0x136: {  	v40 =	vor.u32 $0x3, v1;
	v39 =	vld.idx.msk [tilespmem:v2+s18+$0x0], $0xffff  }
0x137: {  	v41 =	vor.u32 $0x3, v2;
	v3 =	vld.idx.msk [tilespmem:v3+s16+$0x0], $0xffff  }
0x138: {  	v42 =	vor.u32 $0x4, v1;
	v4 =	vld.idx.msk [tilespmem:v35+s18+$0x0], $0xffff  }
0x139: {  	v43 =	vor.u32 $0x4, v2;
	v5 =	vld.idx.msk [tilespmem:v36+s16+$0x0], $0xffff  }
0x13a: {  	v44 =	vor.u32 $0x5, v1;
	v7 =	vld.idx.msk [tilespmem:v38+s18+$0x0], $0xffff  }
0x13b: {  	v45 =	vor.u32 $0x5, v2;
	v9 =	vld.idx.msk [tilespmem:v40+s16+$0x0], $0xffff;
	v6 =	vmul.f32 v39, v37  }
0x13c: {  	v47 =	vor.u32 $0x6, v1;
	v46 =	vld.idx.msk [tilespmem:v41+s18+$0x0], $0xffff  }
0x13d: {  	v48 =	vor.u32 $0x6, v2;
	v11 =	vld.idx.msk [tilespmem:v42+s16+$0x0], $0xffff;
	v3 =	vmul.f32 v4, v3;
	v6 =	vadd.f32 $0.0e+00, v6  }
0x13e: {  	v50 =	vor.u32 $0x7, v1;
	v49 =	vld.idx.msk [tilespmem:v43+s18+$0x0], $0xffff  }
0x13f: {  	v51 =	vor.u32 $0x7, v2;
	v13 =	vld.idx.msk [tilespmem:v44+s16+$0x0], $0xffff;
	v5 =	vmul.f32 v7, v5;
	v3 =	vadd.f32 v3, v6  }
0x140: {  	v54 =	vor.u32 $0x8, v2;
	v52 =	vld.idx.msk [tilespmem:v45+s18+$0x0], $0xffff  }
0x141: {  	v53 =	vor.u32 $0x8, v1;
	v10 =	vld.idx.msk [tilespmem:v47+s16+$0x0], $0xffff;
	v55 =	vmul.f32 v46, v9;
	v3 =	vadd.f32 v5, v3  }
0x142: {  	v58 =	vor.u32 $0x9, v2;
	v56 =	vld.idx.msk [tilespmem:v48+s18+$0x0], $0xffff  }
0x143: {  	v57 =	vor.u32 $0x9, v1;
	v12 =	vld.idx.msk [tilespmem:v50+s16+$0x0], $0xffff;
	v4 =	vmul.f32 v49, v11;
	v3 =	vadd.f32 v55, v3  }
0x144: {  	v61 =	vor.u32 $0xA, v2;
	v59 =	vld.idx.msk [tilespmem:v51+s18+$0x0], $0xffff  }
0x145: {  	v60 =	vor.u32 $0xA, v1;
	v63 =	vld.idx.msk [tilespmem:v54+s18+$0x0], $0xffff;
	v62 =	vmul.f32 v52, v13;
	v3 =	vadd.f32 v4, v3  }
0x146: {  	v20 =	vor.u32 $0xB, v2;
	v7 =	vld.idx.msk [tilespmem:v53+s16+$0x0], $0xffff  }
0x147: {  	v19 =	vor.u32 $0xB, v1;
	v22 =	vld.idx.msk [tilespmem:v58+s18+$0x0], $0xffff;
	v21 =	vmul.f32 v56, v10;
	v3 =	vadd.f32 v62, v3  }
0x148: {  	v24 =	vor.u32 $0xC, v2;
	v9 =	vld.idx.msk [tilespmem:v57+s16+$0x0], $0xffff  }
0x149: {  	v23 =	vor.u32 $0xC, v1;
	v26 =	vld.idx.msk [tilespmem:v61+s18+$0x0], $0xffff;
	v25 =	vmul.f32 v59, v12;
	v3 =	vadd.f32 v21, v3  }
0x14a: {  	v28 =	vor.u32 $0xD, v2;
	v11 =	vld.idx.msk [tilespmem:v60+s16+$0x0], $0xffff  }
0x14b: {  	v27 =	vor.u32 $0xD, v1;
	v30 =	vld.idx.msk [tilespmem:v20+s18+$0x0], $0xffff;
	v29 =	vmul.f32 v63, v7;
	v3 =	vadd.f32 v25, v3  }
0x14c: {  	v32 =	vor.u32 $0xE, v2;
	v13 =	vld.idx.msk [tilespmem:v19+s16+$0x0], $0xffff  }
0x14d: {  	v31 =	vor.u32 $0xE, v1;
	v34 =	vld.idx.msk [tilespmem:v24+s18+$0x0], $0xffff;
	v33 =	vmul.f32 v22, v9;
	v3 =	vadd.f32 v29, v3  }
0x14e: {  	v36 =	vor.u32 $0xF, v2;
	v10 =	vld.idx.msk [tilespmem:v23+s16+$0x0], $0xffff  }
0x14f: {  	v35 =	vor.u32 $0xF, v1;
	v38 =	vld.idx.msk [tilespmem:v28+s18+$0x0], $0xffff;
	v37 =	vmul.f32 v26, v11;
	v3 =	vadd.f32 v33, v3  }
0x150: {  	v40 =	vor.u32 $0x10, v2;
	v12 =	vld.idx.msk [tilespmem:v27+s16+$0x0], $0xffff  }
0x151: {  	v42 =	vld.idx.msk [tilespmem:v32+s18+$0x0], $0xffff;
	v39 =	vor.u32 $0x10, v1;
	v41 =	vmul.f32 v30, v13;
	v3 =	vadd.f32 v37, v3  }
0x152: {  	v44 =	vor.u32 $0x11, v2;
	v7 =	vld.idx.msk [tilespmem:v31+s16+$0x0], $0xffff  }
0x153: {  	v43 =	vor.u32 $0x11, v1;
	v46 =	vld.idx.msk [tilespmem:v36+s18+$0x0], $0xffff;
	v45 =	vmul.f32 v34, v10;
	v3 =	vadd.f32 v41, v3  }
0x154: {  	v48 =	vor.u32 $0x12, v2;
	v9 =	vld.idx.msk [tilespmem:v35+s16+$0x0], $0xffff  }
0x155: {  	v47 =	vor.u32 $0x12, v1;
	v50 =	vld.idx.msk [tilespmem:v40+s18+$0x0], $0xffff;
	v49 =	vmul.f32 v38, v12;
	v3 =	vadd.f32 v45, v3  }
0x156: {  	v51 =	vor.u32 $0x13, v1;
	v11 =	vld.idx.msk [tilespmem:v39+s16+$0x0], $0xffff  }
0x157: {  	v52 =	vor.u32 $0x13, v2;
	v54 =	vld.idx.msk [tilespmem:v44+s18+$0x0], $0xffff;
	v53 =	vmul.f32 v42, v7;
	v3 =	vadd.f32 v49, v3  }
0x158: {  	v56 =	vor.u32 $0x14, v2;
	v13 =	vld.idx.msk [tilespmem:v43+s16+$0x0], $0xffff  }
0x159: {  	v58 =	vld.idx.msk [tilespmem:v48+s18+$0x0], $0xffff;
	v55 =	vor.u32 $0x14, v1;
	v57 =	vmul.f32 v46, v9;
	v3 =	vadd.f32 v53, v3  }
0x15a: {  	v60 =	vor.u32 $0x15, v2;
	v10 =	vld.idx.msk [tilespmem:v47+s16+$0x0], $0xffff  }
0x15b: {  	v59 =	vor.u32 $0x15, v1;
	v12 =	vld.idx.msk [tilespmem:v51+s16+$0x0], $0xffff;
	v61 =	vmul.f32 v50, v11;
	v3 =	vadd.f32 v57, v3  }
0x15c: {  	v20 =	vor.u32 $0x16, v2;
	v62 =	vld.idx.msk [tilespmem:v52+s18+$0x0], $0xffff  }
0x15d: {  	v63 =	vor.u32 $0x16, v1;
	v22 =	vld.idx.msk [tilespmem:v56+s18+$0x0], $0xffff;
	v21 =	vmul.f32 v54, v13;
	v3 =	vadd.f32 v61, v3  }
0x15e: {  	v24 =	vor.u32 $0x17, v2;
	v7 =	vld.idx.msk [tilespmem:v55+s16+$0x0], $0xffff  }
0x15f: {  	v23 =	vor.u32 $0x17, v1;
	v26 =	vld.idx.msk [tilespmem:v60+s18+$0x0], $0xffff;
	v25 =	vmul.f32 v58, v10;
	v3 =	vadd.f32 v21, v3  }
0x160: {  	v28 =	vor.u32 $0x18, v2;
	v9 =	vld.idx.msk [tilespmem:v59+s16+$0x0], $0xffff  }
0x161: {  	v27 =	vor.u32 $0x18, v1;
	v30 =	vld.idx.msk [tilespmem:v20+s18+$0x0], $0xffff;
	v29 =	vmul.f32 v62, v12;
	v3 =	vadd.f32 v25, v3  }
0x162: {  	v32 =	vor.u32 $0x19, v2;
	v11 =	vld.idx.msk [tilespmem:v63+s16+$0x0], $0xffff  }
0x163: {  	v31 =	vor.u32 $0x19, v1;
	v34 =	vld.idx.msk [tilespmem:v24+s18+$0x0], $0xffff;
	v33 =	vmul.f32 v22, v7;
	v3 =	vadd.f32 v29, v3  }
0x164: {  	v36 =	vor.u32 $0x1A, v2;
	v13 =	vld.idx.msk [tilespmem:v23+s16+$0x0], $0xffff  }
0x165: {  	v35 =	vor.u32 $0x1A, v1;
	v38 =	vld.idx.msk [tilespmem:v28+s18+$0x0], $0xffff;
	v37 =	vmul.f32 v26, v9;
	v3 =	vadd.f32 v33, v3  }
0x166: {  	v40 =	vor.u32 $0x1B, v2;
	v10 =	vld.idx.msk [tilespmem:v27+s16+$0x0], $0xffff  }
0x167: {  	v39 =	vor.u32 $0x1B, v1;
	v42 =	vld.idx.msk [tilespmem:v32+s18+$0x0], $0xffff;
	v41 =	vmul.f32 v30, v11;
	v3 =	vadd.f32 v37, v3  }
0x168: {  	v44 =	vor.u32 $0x1C, v2;
	v12 =	vld.idx.msk [tilespmem:v31+s16+$0x0], $0xffff  }
0x169: {  	v43 =	vor.u32 $0x1C, v1;
	v46 =	vld.idx.msk [tilespmem:v36+s18+$0x0], $0xffff;
	v45 =	vmul.f32 v34, v13;
	v3 =	vadd.f32 v41, v3  }
0x16a: {  	v47 =	vor.u32 $0x1D, v1;
	v7 =	vld.idx.msk [tilespmem:v35+s16+$0x0], $0xffff  }
0x16b: {  	v48 =	vor.u32 $0x1D, v2;
	v50 =	vld.idx.msk [tilespmem:v40+s18+$0x0], $0xffff;
	v49 =	vmul.f32 v38, v10;
	v3 =	vadd.f32 v45, v3  }
0x16c: {  	v51 =	vor.u32 $0x1E, v1;
	v9 =	vld.idx.msk [tilespmem:v39+s16+$0x0], $0xffff  }
0x16d: {  	v52 =	vor.u32 $0x1E, v2;
	v54 =	vld.idx.msk [tilespmem:v44+s18+$0x0], $0xffff;
	v53 =	vmul.f32 v42, v12;
	v3 =	vadd.f32 v49, v3  }
0x16e: {  	v1 =	vor.u32 $0x1F, v1;
	v11 =	vld.idx.msk [tilespmem:v43+s16+$0x0], $0xffff  }
0x16f: {  	v2 =	vor.u32 $0x1F, v2;
	v55 =	vld.idx.msk [tilespmem:v47+s16+$0x0], $0xffff;
	v56 =	vmul.f32 v46, v7;
	v3 =	vadd.f32 v53, v3  }
0x170: {  	v57 =	vld.idx.msk [tilespmem:v48+s18+$0x0], $0xffff  }
0x171: {  	v58 =	vld.idx.msk [tilespmem:v51+s16+$0x0], $0xffff;
	v59 =	vmul.f32 v50, v9;
	v3 =	vadd.f32 v56, v3  }
0x172: {  	v60 =	vld.idx.msk [tilespmem:v52+s18+$0x0], $0xffff  }
0x173: {  	v1 =	vld.idx.msk [tilespmem:v1+s16+$0x0], $0xffff;
	v61 =	vmul.f32 v54, v11;
	v3 =	vadd.f32 v59, v3  }
0x174: {  	v2 =	vld.idx.msk [tilespmem:v2+s18+$0x0], $0xffff  }
0x175: {  	v62 =	vmul.f32 v57, v55;
	v3 =	vadd.f32 v61, v3;
	_ =	sdelay $0x1  }
0x176: {  	v63 =	vmul.f32 v60, v58;
	v3 =	vadd.f32 v62, v3;
	_ =	sdelay $0x1  }
0x177: {  	v1 =	vmul.f32 v2, v1;
	v3 =	vadd.f32 v63, v3;
	_ =	sdelay $0x1  }
0x178: {  	v1 =	vadd.f32 v1, v3  }
0x179: {  	s28 =	simm.s32 $0x10880  }
0x17a: {  	s29 =	simm.s32 $0x290;
	[tilespmem:s28+$0x0] =	vst v1  }
0x17b: {  	s30 =	simm.s32 $0x690;
	v1 =	vld [tilespmem:s29+$0x0]  }
0x17c: {  	s31 =	simm.s32 $0x10;
	s0 =	simm.s32 $0x20;
	v2 =	vld [tilespmem:s30+$0x0]  }
.LBB2_4:
0x17d: {  	p0 =	sne.s32 s0, $0x70;
	_ =	sdelay $0x1  }
0x17e: {  	v3 =	vmov s31;
	s31 =	smov.u32 s0  }
0x17f: {  	v3 =	vshll.u32 v3, $0x7;
	v1 =	vshll.u32 v1, $0x5  }
0x180: {  	v3 =	vor.u32 v0, v3;
	v2 =	vshll.u32 v2, $0x5;
	v4 =	vand.u32 $0xFFFFFF80, v1  }
0x181: {  	v1 =	vand.u32 $0x60, v1;
	v4 =	vadd.s32 v3, v4;
	v5 =	vand.u32 $0xFFFFFF80, v2  }
0x182: {  	v2 =	vand.u32 $0x60, v2;
	v1 =	vor.u32 v1, v4;
	v3 =	vadd.s32 v3, v5  }
0x183: {  	v2 =	vor.u32 v2, v3  }
0x184: {  	v3 =	vor.u32 $0x1, v1  }
0x185: {  	v4 =	vor.u32 $0x1, v2  }
0x186: {  	v5 =	vor.u32 $0x2, v1  }
0x187: {  	v7 =	vor.u32 $0x2, v2;
	v6 =	vld.idx.msk [tilespmem:v1+s16+$0x0], $0xffff  }
0x188: {  	v9 =	vor.u32 $0x3, v1;
	v8 =	vld.idx.msk [tilespmem:v2+s18+$0x0], $0xffff  }
0x189: {  	v10 =	vor.u32 $0x3, v2;
	v3 =	vld.idx.msk [tilespmem:v3+s16+$0x0], $0xffff  }
0x18a: {  	v11 =	vor.u32 $0x4, v1;
	v4 =	vld.idx.msk [tilespmem:v4+s18+$0x0], $0xffff  }
0x18b: {  	v12 =	vor.u32 $0x4, v2;
	v5 =	vld.idx.msk [tilespmem:v5+s16+$0x0], $0xffff  }
0x18c: {  	v13 =	vor.u32 $0x5, v1;
	v7 =	vld.idx.msk [tilespmem:v7+s18+$0x0], $0xffff  }
0x18d: {  	v14 =	vor.u32 $0x5, v2;
	v9 =	vld.idx.msk [tilespmem:v9+s16+$0x0], $0xffff  }
0x18e: {  	v6 =	vmul.f32 v8, v6;
	v8 =	vld.idx.msk [tilespmem:v10+s18+$0x0], $0xffff;
	v10 =	vor.u32 $0x6, v1  }
0x18f: {  	v15 =	vor.u32 $0x6, v2;
	v11 =	vld.idx.msk [tilespmem:v11+s16+$0x0], $0xffff  }
0x190: {  	v6 =	vadd.f32 $0.0e+00, v6;
	v3 =	vmul.f32 v4, v3;
	v4 =	vld.idx.msk [tilespmem:v12+s18+$0x0], $0xffff;
	v12 =	vor.u32 $0x7, v1  }
0x191: {  	v16 =	vor.u32 $0x7, v2;
	v13 =	vld.idx.msk [tilespmem:v13+s16+$0x0], $0xffff  }
0x192: {  	v3 =	vadd.f32 v3, v6;
	v5 =	vmul.f32 v7, v5;
	v7 =	vor.u32 $0x8, v1;
	v6 =	vld.idx.msk [tilespmem:v14+s18+$0x0], $0xffff  }
0x193: {  	v14 =	vor.u32 $0x8, v2;
	v10 =	vld.idx.msk [tilespmem:v10+s16+$0x0], $0xffff  }
0x194: {  	v3 =	vadd.f32 v5, v3;
	v5 =	vmul.f32 v8, v9;
	v9 =	vor.u32 $0x9, v1;
	v8 =	vld.idx.msk [tilespmem:v15+s18+$0x0], $0xffff  }
0x195: {  	v15 =	vor.u32 $0x9, v2;
	v12 =	vld.idx.msk [tilespmem:v12+s16+$0x0], $0xffff  }
0x196: {  	v3 =	vadd.f32 v5, v3;
	v4 =	vmul.f32 v4, v11;
	v11 =	vor.u32 $0xA, v1;
	v5 =	vld.idx.msk [tilespmem:v16+s18+$0x0], $0xffff  }
0x197: {  	v16 =	vor.u32 $0xA, v2;
	v7 =	vld.idx.msk [tilespmem:v7+s16+$0x0], $0xffff  }
0x198: {  	v3 =	vadd.f32 v4, v3;
	v4 =	vmul.f32 v6, v13;
	v13 =	vor.u32 $0xB, v1;
	v6 =	vld.idx.msk [tilespmem:v14+s18+$0x0], $0xffff  }
0x199: {  	v14 =	vor.u32 $0xB, v2;
	v9 =	vld.idx.msk [tilespmem:v9+s16+$0x0], $0xffff  }
0x19a: {  	v3 =	vadd.f32 v4, v3;
	v4 =	vmul.f32 v8, v10;
	v10 =	vor.u32 $0xC, v1;
	v8 =	vld.idx.msk [tilespmem:v15+s18+$0x0], $0xffff  }
0x19b: {  	v15 =	vor.u32 $0xC, v2;
	v11 =	vld.idx.msk [tilespmem:v11+s16+$0x0], $0xffff  }
0x19c: {  	v3 =	vadd.f32 v4, v3;
	v4 =	vmul.f32 v5, v12;
	v12 =	vor.u32 $0xD, v1;
	v5 =	vld.idx.msk [tilespmem:v16+s18+$0x0], $0xffff  }
0x19d: {  	v16 =	vor.u32 $0xD, v2;
	v13 =	vld.idx.msk [tilespmem:v13+s16+$0x0], $0xffff  }
0x19e: {  	v3 =	vadd.f32 v4, v3;
	v4 =	vmul.f32 v6, v7;
	v7 =	vor.u32 $0xE, v1;
	v6 =	vld.idx.msk [tilespmem:v14+s18+$0x0], $0xffff  }
0x19f: {  	v14 =	vor.u32 $0xE, v2;
	v10 =	vld.idx.msk [tilespmem:v10+s16+$0x0], $0xffff  }
0x1a0: {  	v3 =	vadd.f32 v4, v3;
	v4 =	vmul.f32 v8, v9;
	v9 =	vor.u32 $0xF, v1;
	v8 =	vld.idx.msk [tilespmem:v15+s18+$0x0], $0xffff  }
0x1a1: {  	v15 =	vor.u32 $0xF, v2;
	v12 =	vld.idx.msk [tilespmem:v12+s16+$0x0], $0xffff  }
0x1a2: {  	v3 =	vadd.f32 v4, v3;
	v4 =	vmul.f32 v5, v11;
	v11 =	vor.u32 $0x10, v1;
	v5 =	vld.idx.msk [tilespmem:v16+s18+$0x0], $0xffff  }
0x1a3: {  	v16 =	vor.u32 $0x10, v2;
	v7 =	vld.idx.msk [tilespmem:v7+s16+$0x0], $0xffff  }
0x1a4: {  	v3 =	vadd.f32 v4, v3;
	v4 =	vmul.f32 v6, v13;
	v13 =	vor.u32 $0x11, v1;
	v6 =	vld.idx.msk [tilespmem:v14+s18+$0x0], $0xffff  }
0x1a5: {  	v14 =	vor.u32 $0x11, v2;
	v9 =	vld.idx.msk [tilespmem:v9+s16+$0x0], $0xffff  }
0x1a6: {  	v3 =	vadd.f32 v4, v3;
	v4 =	vmul.f32 v8, v10;
	v10 =	vor.u32 $0x12, v1;
	v8 =	vld.idx.msk [tilespmem:v15+s18+$0x0], $0xffff  }
0x1a7: {  	v15 =	vor.u32 $0x12, v2;
	v11 =	vld.idx.msk [tilespmem:v11+s16+$0x0], $0xffff  }
0x1a8: {  	v3 =	vadd.f32 v4, v3;
	v4 =	vmul.f32 v5, v12;
	v12 =	vor.u32 $0x13, v1;
	v5 =	vld.idx.msk [tilespmem:v16+s18+$0x0], $0xffff  }
0x1a9: {  	v16 =	vor.u32 $0x13, v2;
	v13 =	vld.idx.msk [tilespmem:v13+s16+$0x0], $0xffff  }
0x1aa: {  	v3 =	vadd.f32 v4, v3;
	v4 =	vmul.f32 v6, v7;
	v7 =	vor.u32 $0x14, v1;
	v6 =	vld.idx.msk [tilespmem:v14+s18+$0x0], $0xffff  }
0x1ab: {  	v14 =	vor.u32 $0x14, v2;
	v10 =	vld.idx.msk [tilespmem:v10+s16+$0x0], $0xffff  }
0x1ac: {  	v3 =	vadd.f32 v4, v3;
	v4 =	vmul.f32 v8, v9;
	v9 =	vor.u32 $0x15, v1;
	v8 =	vld.idx.msk [tilespmem:v15+s18+$0x0], $0xffff  }
0x1ad: {  	v15 =	vor.u32 $0x15, v2;
	v12 =	vld.idx.msk [tilespmem:v12+s16+$0x0], $0xffff  }
0x1ae: {  	v3 =	vadd.f32 v4, v3;
	v4 =	vmul.f32 v5, v11;
	v11 =	vor.u32 $0x16, v1;
	v5 =	vld.idx.msk [tilespmem:v16+s18+$0x0], $0xffff  }
0x1af: {  	v16 =	vor.u32 $0x16, v2;
	v7 =	vld.idx.msk [tilespmem:v7+s16+$0x0], $0xffff  }
0x1b0: {  	v3 =	vadd.f32 v4, v3;
	v4 =	vmul.f32 v6, v13;
	v13 =	vor.u32 $0x17, v1;
	v6 =	vld.idx.msk [tilespmem:v14+s18+$0x0], $0xffff  }
0x1b1: {  	v14 =	vor.u32 $0x17, v2;
	v9 =	vld.idx.msk [tilespmem:v9+s16+$0x0], $0xffff  }
0x1b2: {  	v3 =	vadd.f32 v4, v3;
	v4 =	vmul.f32 v8, v10;
	v10 =	vor.u32 $0x18, v1;
	v8 =	vld.idx.msk [tilespmem:v15+s18+$0x0], $0xffff  }
0x1b3: {  	v15 =	vor.u32 $0x18, v2;
	v11 =	vld.idx.msk [tilespmem:v11+s16+$0x0], $0xffff  }
0x1b4: {  	v3 =	vadd.f32 v4, v3;
	v4 =	vmul.f32 v5, v12;
	v12 =	vor.u32 $0x19, v1;
	v5 =	vld.idx.msk [tilespmem:v16+s18+$0x0], $0xffff  }
0x1b5: {  	v16 =	vor.u32 $0x19, v2;
	v13 =	vld.idx.msk [tilespmem:v13+s16+$0x0], $0xffff  }
0x1b6: {  	v3 =	vadd.f32 v4, v3;
	v4 =	vmul.f32 v6, v7;
	v7 =	vor.u32 $0x1A, v1;
	v6 =	vld.idx.msk [tilespmem:v14+s18+$0x0], $0xffff  }
0x1b7: {  	v14 =	vor.u32 $0x1A, v2;
	v10 =	vld.idx.msk [tilespmem:v10+s16+$0x0], $0xffff  }
0x1b8: {  	v3 =	vadd.f32 v4, v3;
	v4 =	vmul.f32 v8, v9;
	v9 =	vor.u32 $0x1B, v1;
	v8 =	vld.idx.msk [tilespmem:v15+s18+$0x0], $0xffff  }
0x1b9: {  	v15 =	vor.u32 $0x1B, v2;
	v12 =	vld.idx.msk [tilespmem:v12+s16+$0x0], $0xffff  }
0x1ba: {  	v3 =	vadd.f32 v4, v3;
	v4 =	vmul.f32 v5, v11;
	v11 =	vor.u32 $0x1C, v1;
	v5 =	vld.idx.msk [tilespmem:v16+s18+$0x0], $0xffff  }
0x1bb: {  	v16 =	vor.u32 $0x1C, v2;
	v7 =	vld.idx.msk [tilespmem:v7+s16+$0x0], $0xffff  }
0x1bc: {  	v3 =	vadd.f32 v4, v3;
	v4 =	vmul.f32 v6, v13;
	v13 =	vor.u32 $0x1D, v1;
	v6 =	vld.idx.msk [tilespmem:v14+s18+$0x0], $0xffff  }
0x1bd: {  	v14 =	vor.u32 $0x1D, v2;
	v9 =	vld.idx.msk [tilespmem:v9+s16+$0x0], $0xffff  }
0x1be: {  	v3 =	vadd.f32 v4, v3;
	v4 =	vmul.f32 v8, v10;
	v10 =	vor.u32 $0x1E, v1;
	v8 =	vld.idx.msk [tilespmem:v15+s18+$0x0], $0xffff  }
0x1bf: {  	v15 =	vor.u32 $0x1E, v2;
	v11 =	vld.idx.msk [tilespmem:v11+s16+$0x0], $0xffff  }
0x1c0: {  	v1 =	vor.u32 $0x1F, v1;
	v3 =	vadd.f32 v4, v3;
	v4 =	vmul.f32 v5, v12;
	v5 =	vld.idx.msk [tilespmem:v16+s18+$0x0], $0xffff  }
0x1c1: {  	v2 =	vor.u32 $0x1F, v2;
	v12 =	vld.idx.msk [tilespmem:v13+s16+$0x0], $0xffff  }
0x1c2: {  	v3 =	vadd.f32 v4, v3;
	v4 =	vmul.f32 v6, v7;
	v6 =	vld.idx.msk [tilespmem:v14+s18+$0x0], $0xffff  }
0x1c3: {  	v7 =	vld.idx.msk [tilespmem:v10+s16+$0x0], $0xffff  }
0x1c4: {  	v3 =	vadd.f32 v4, v3;
	v4 =	vmul.f32 v8, v9;
	v8 =	vld.idx.msk [tilespmem:v15+s18+$0x0], $0xffff  }
0x1c5: {  	v1 =	vld.idx.msk [tilespmem:v1+s16+$0x0], $0xffff  }
0x1c6: {  	v3 =	vadd.f32 v4, v3;
	v4 =	vmul.f32 v5, v11;
	v2 =	vld.idx.msk [tilespmem:v2+s18+$0x0], $0xffff;
	_ =	sdelay $0x1  }
0x1c7: {  	v3 =	vadd.f32 v4, v3;
	v4 =	vmul.f32 v6, v12;
	_ =	sdelay $0x1  }
0x1c8: {  	v3 =	vadd.f32 v4, v3;
	v4 =	vmul.f32 v8, v7;
	_ =	sdelay $0x1  }
0x1c9: {  	v3 =	vadd.f32 v4, v3;
	v1 =	vmul.f32 v2, v1;
	_ =	sdelay $0x1  }
.Ltmp1:
0x1ca: {  	v1 =	vadd.f32 v1, v3;
	(pc) =	sbr.rel @p0 .LBB2_4-.Ltmp1, $4  }
0x1cb: {  	s28 =	sadd.s32 $0x10, s28  }
0x1cc: {  	s29 =	sadd.s32 $0x10, s29;
	[tilespmem:s28+$0x0] =	vst v1  }
0x1cd: {  	s30 =	sadd.s32 $0x10, s30;
	v1 =	vld [tilespmem:s29+$0x0]  }
0x1ce: {  	s0 =	sadd.s32 $0x10, s0;
	v2 =	vld [tilespmem:s30+$0x0]  }
0x1cf: {  	_ =	sdelay $0x1  }
0x1d0: {  	v3 =	vmov s31  }
0x1d1: {  	v3 =	vshll.u32 v3, $0x7;
	v1 =	vshll.u32 v1, $0x5  }
0x1d2: {  	v3 =	vor.u32 v0, v3;
	v2 =	vshll.u32 v2, $0x5;
	v4 =	vand.u32 $0xFFFFFF80, v1  }
0x1d3: {  	v1 =	vand.u32 $0x60, v1;
	v4 =	vadd.s32 v3, v4;
	v5 =	vand.u32 $0xFFFFFF80, v2  }
0x1d4: {  	v2 =	vand.u32 $0x60, v2;
	v1 =	vor.u32 v1, v4;
	v3 =	vadd.s32 v3, v5  }
0x1d5: {  	v2 =	vor.u32 v2, v3  }
0x1d6: {  	v3 =	vor.u32 $0x1, v1  }
0x1d7: {  	v60 =	vor.u32 $0x1, v2  }
0x1d8: {  	v61 =	vor.u32 $0x2, v1  }
0x1d9: {  	v7 =	vor.u32 $0x2, v2;
	v6 =	vld.idx.msk [tilespmem:v1+s16+$0x0], $0xffff  }
0x1da: {  	v9 =	vor.u32 $0x3, v1;
	v8 =	vld.idx.msk [tilespmem:v2+s18+$0x0], $0xffff  }
0x1db: {  	v10 =	vor.u32 $0x3, v2;
	v3 =	vld.idx.msk [tilespmem:v3+s16+$0x0], $0xffff  }
0x1dc: {  	v11 =	vor.u32 $0x4, v1;
	v4 =	vld.idx.msk [tilespmem:v60+s18+$0x0], $0xffff  }
0x1dd: {  	v12 =	vor.u32 $0x4, v2;
	v5 =	vld.idx.msk [tilespmem:v61+s16+$0x0], $0xffff  }
0x1de: {  	v13 =	vor.u32 $0x5, v1;
	v7 =	vld.idx.msk [tilespmem:v7+s18+$0x0], $0xffff  }
0x1df: {  	v14 =	vor.u32 $0x5, v2;
	v9 =	vld.idx.msk [tilespmem:v9+s16+$0x0], $0xffff;
	v6 =	vmul.f32 v8, v6  }
0x1e0: {  	v63 =	vor.u32 $0x6, v1;
	v62 =	vld.idx.msk [tilespmem:v10+s18+$0x0], $0xffff  }
0x1e1: {  	v15 =	vor.u32 $0x6, v2;
	v11 =	vld.idx.msk [tilespmem:v11+s16+$0x0], $0xffff;
	v3 =	vmul.f32 v4, v3;
	v6 =	vadd.f32 $0.0e+00, v6  }
0x1e2: {  	v21 =	vor.u32 $0x7, v1;
	v20 =	vld.idx.msk [tilespmem:v12+s18+$0x0], $0xffff  }
0x1e3: {  	v16 =	vor.u32 $0x7, v2;
	v13 =	vld.idx.msk [tilespmem:v13+s16+$0x0], $0xffff;
	v5 =	vmul.f32 v7, v5;
	v3 =	vadd.f32 v3, v6  }
0x1e4: {  	v24 =	vor.u32 $0x8, v2;
	v22 =	vld.idx.msk [tilespmem:v14+s18+$0x0], $0xffff  }
0x1e5: {  	v23 =	vor.u32 $0x8, v1;
	v10 =	vld.idx.msk [tilespmem:v63+s16+$0x0], $0xffff;
	v25 =	vmul.f32 v62, v9;
	v3 =	vadd.f32 v5, v3  }
0x1e6: {  	v28 =	vor.u32 $0x9, v2;
	v26 =	vld.idx.msk [tilespmem:v15+s18+$0x0], $0xffff  }
0x1e7: {  	v27 =	vor.u32 $0x9, v1;
	v12 =	vld.idx.msk [tilespmem:v21+s16+$0x0], $0xffff;
	v4 =	vmul.f32 v20, v11;
	v3 =	vadd.f32 v25, v3  }
0x1e8: {  	v31 =	vor.u32 $0xA, v2;
	v29 =	vld.idx.msk [tilespmem:v16+s18+$0x0], $0xffff  }
0x1e9: {  	v30 =	vor.u32 $0xA, v1;
	v33 =	vld.idx.msk [tilespmem:v24+s18+$0x0], $0xffff;
	v32 =	vmul.f32 v22, v13;
	v3 =	vadd.f32 v4, v3  }
0x1ea: {  	v35 =	vor.u32 $0xB, v2;
	v7 =	vld.idx.msk [tilespmem:v23+s16+$0x0], $0xffff  }
0x1eb: {  	v34 =	vor.u32 $0xB, v1;
	v37 =	vld.idx.msk [tilespmem:v28+s18+$0x0], $0xffff;
	v36 =	vmul.f32 v26, v10;
	v3 =	vadd.f32 v32, v3  }
0x1ec: {  	v39 =	vor.u32 $0xC, v2;
	v9 =	vld.idx.msk [tilespmem:v27+s16+$0x0], $0xffff  }
0x1ed: {  	v38 =	vor.u32 $0xC, v1;
	v41 =	vld.idx.msk [tilespmem:v31+s18+$0x0], $0xffff;
	v40 =	vmul.f32 v29, v12;
	v3 =	vadd.f32 v36, v3  }
0x1ee: {  	v43 =	vor.u32 $0xD, v2;
	v11 =	vld.idx.msk [tilespmem:v30+s16+$0x0], $0xffff  }
0x1ef: {  	v42 =	vor.u32 $0xD, v1;
	v45 =	vld.idx.msk [tilespmem:v35+s18+$0x0], $0xffff;
	v44 =	vmul.f32 v33, v7;
	v3 =	vadd.f32 v40, v3  }
0x1f0: {  	v47 =	vor.u32 $0xE, v2;
	v13 =	vld.idx.msk [tilespmem:v34+s16+$0x0], $0xffff  }
0x1f1: {  	v46 =	vor.u32 $0xE, v1;
	v49 =	vld.idx.msk [tilespmem:v39+s18+$0x0], $0xffff;
	v48 =	vmul.f32 v37, v9;
	v3 =	vadd.f32 v44, v3  }
0x1f2: {  	v51 =	vor.u32 $0xF, v2;
	v10 =	vld.idx.msk [tilespmem:v38+s16+$0x0], $0xffff  }
0x1f3: {  	v50 =	vor.u32 $0xF, v1;
	v53 =	vld.idx.msk [tilespmem:v43+s18+$0x0], $0xffff;
	v52 =	vmul.f32 v41, v11;
	v3 =	vadd.f32 v48, v3  }
0x1f4: {  	v55 =	vor.u32 $0x10, v2;
	v12 =	vld.idx.msk [tilespmem:v42+s16+$0x0], $0xffff  }
0x1f5: {  	v54 =	vor.u32 $0x10, v1;
	v57 =	vld.idx.msk [tilespmem:v47+s18+$0x0], $0xffff;
	v56 =	vmul.f32 v45, v13;
	v3 =	vadd.f32 v52, v3  }
0x1f6: {  	v58 =	vor.u32 $0x11, v1;
	v7 =	vld.idx.msk [tilespmem:v46+s16+$0x0], $0xffff  }
0x1f7: {  	v59 =	vor.u32 $0x11, v2;
	v61 =	vld.idx.msk [tilespmem:v51+s18+$0x0], $0xffff;
	v60 =	vmul.f32 v49, v10;
	v3 =	vadd.f32 v56, v3  }
0x1f8: {  	v63 =	vor.u32 $0x12, v2;
	v9 =	vld.idx.msk [tilespmem:v50+s16+$0x0], $0xffff  }
0x1f9: {  	v21 =	vld.idx.msk [tilespmem:v55+s18+$0x0], $0xffff;
	v62 =	vor.u32 $0x12, v1;
	v20 =	vmul.f32 v53, v12;
	v3 =	vadd.f32 v60, v3  }
0x1fa: {  	v22 =	vor.u32 $0x13, v1;
	v11 =	vld.idx.msk [tilespmem:v54+s16+$0x0], $0xffff  }
0x1fb: {  	v23 =	vor.u32 $0x13, v2;
	v13 =	vld.idx.msk [tilespmem:v58+s16+$0x0], $0xffff;
	v24 =	vmul.f32 v57, v7;
	v3 =	vadd.f32 v20, v3  }
0x1fc: {  	v27 =	vor.u32 $0x14, v2;
	v25 =	vld.idx.msk [tilespmem:v59+s18+$0x0], $0xffff  }
0x1fd: {  	v26 =	vor.u32 $0x14, v1;
	v29 =	vld.idx.msk [tilespmem:v63+s18+$0x0], $0xffff;
	v28 =	vmul.f32 v61, v9;
	v3 =	vadd.f32 v24, v3  }
0x1fe: {  	v31 =	vor.u32 $0x15, v2;
	v10 =	vld.idx.msk [tilespmem:v62+s16+$0x0], $0xffff  }
0x1ff: {  	v30 =	vor.u32 $0x15, v1;
	v12 =	vld.idx.msk [tilespmem:v22+s16+$0x0], $0xffff;
	v32 =	vmul.f32 v21, v11;
	v3 =	vadd.f32 v28, v3  }
0x200: {  	v35 =	vor.u32 $0x16, v2;
	v33 =	vld.idx.msk [tilespmem:v23+s18+$0x0], $0xffff  }
0x201: {  	v34 =	vor.u32 $0x16, v1;
	v37 =	vld.idx.msk [tilespmem:v27+s18+$0x0], $0xffff;
	v36 =	vmul.f32 v25, v13;
	v3 =	vadd.f32 v32, v3  }
0x202: {  	v39 =	vor.u32 $0x17, v2;
	v7 =	vld.idx.msk [tilespmem:v26+s16+$0x0], $0xffff  }
0x203: {  	v38 =	vor.u32 $0x17, v1;
	v41 =	vld.idx.msk [tilespmem:v31+s18+$0x0], $0xffff;
	v40 =	vmul.f32 v29, v10;
	v3 =	vadd.f32 v36, v3  }
0x204: {  	v43 =	vor.u32 $0x18, v2;
	v9 =	vld.idx.msk [tilespmem:v30+s16+$0x0], $0xffff  }
0x205: {  	v42 =	vor.u32 $0x18, v1;
	v45 =	vld.idx.msk [tilespmem:v35+s18+$0x0], $0xffff;
	v44 =	vmul.f32 v33, v12;
	v3 =	vadd.f32 v40, v3  }
0x206: {  	v47 =	vor.u32 $0x19, v2;
	v11 =	vld.idx.msk [tilespmem:v34+s16+$0x0], $0xffff  }
0x207: {  	v46 =	vor.u32 $0x19, v1;
	v49 =	vld.idx.msk [tilespmem:v39+s18+$0x0], $0xffff;
	v48 =	vmul.f32 v37, v7;
	v3 =	vadd.f32 v44, v3  }
0x208: {  	v51 =	vor.u32 $0x1A, v2;
	v13 =	vld.idx.msk [tilespmem:v38+s16+$0x0], $0xffff  }
0x209: {  	v50 =	vor.u32 $0x1A, v1;
	v53 =	vld.idx.msk [tilespmem:v43+s18+$0x0], $0xffff;
	v52 =	vmul.f32 v41, v9;
	v3 =	vadd.f32 v48, v3  }
0x20a: {  	v55 =	vor.u32 $0x1B, v2;
	v10 =	vld.idx.msk [tilespmem:v42+s16+$0x0], $0xffff  }
0x20b: {  	v54 =	vor.u32 $0x1B, v1;
	v57 =	vld.idx.msk [tilespmem:v47+s18+$0x0], $0xffff;
	v56 =	vmul.f32 v45, v11;
	v3 =	vadd.f32 v52, v3  }
0x20c: {  	v59 =	vor.u32 $0x1C, v2;
	v12 =	vld.idx.msk [tilespmem:v46+s16+$0x0], $0xffff  }
0x20d: {  	v58 =	vor.u32 $0x1C, v1;
	v61 =	vld.idx.msk [tilespmem:v51+s18+$0x0], $0xffff;
	v60 =	vmul.f32 v49, v13;
	v3 =	vadd.f32 v56, v3  }
0x20e: {  	v63 =	vor.u32 $0x1D, v2;
	v7 =	vld.idx.msk [tilespmem:v50+s16+$0x0], $0xffff  }
0x20f: {  	v19 =	vld.idx.msk [tilespmem:v55+s18+$0x0], $0xffff;
	v62 =	vor.u32 $0x1D, v1;
	v18 =	vmul.f32 v53, v10;
	v3 =	vadd.f32 v60, v3  }
0x210: {  	v21 =	vor.u32 $0x1E, v2;
	v9 =	vld.idx.msk [tilespmem:v54+s16+$0x0], $0xffff  }
0x211: {  	v23 =	vld.idx.msk [tilespmem:v59+s18+$0x0], $0xffff;
	v22 =	vmul.f32 v57, v12;
	v20 =	vor.u32 $0x1E, v1;
	v3 =	vadd.f32 v18, v3  }
0x212: {  	v2 =	vor.u32 $0x1F, v2;
	v11 =	vld.idx.msk [tilespmem:v58+s16+$0x0], $0xffff  }
0x213: {  	v26 =	vld.idx.msk [tilespmem:v63+s18+$0x0], $0xffff;
	v25 =	vmul.f32 v61, v7;
	v1 =	vor.u32 $0x1F, v1;
	v3 =	vadd.f32 v22, v3  }
0x214: {  	v24 =	vld.idx.msk [tilespmem:v62+s16+$0x0], $0xffff  }
0x215: {  	v29 =	vld.idx.msk [tilespmem:v21+s18+$0x0], $0xffff;
	v28 =	vmul.f32 v19, v9;
	v3 =	vadd.f32 v25, v3  }
0x216: {  	v27 =	vld.idx.msk [tilespmem:v20+s16+$0x0], $0xffff  }
0x217: {  	v2 =	vld.idx.msk [tilespmem:v2+s18+$0x0], $0xffff;
	v30 =	vmul.f32 v23, v11;
	v3 =	vadd.f32 v28, v3  }
0x218: {  	v1 =	vld.idx.msk [tilespmem:v1+s16+$0x0], $0xffff  }
0x219: {  	v31 =	vmul.f32 v26, v24;
	v3 =	vadd.f32 v30, v3;
	_ =	sdelay $0x1  }
0x21a: {  	v32 =	vmul.f32 v29, v27;
	v3 =	vadd.f32 v31, v3;
	_ =	sdelay $0x1  }
0x21b: {  	v1 =	vmul.f32 v2, v1;
	v3 =	vadd.f32 v32, v3;
	_ =	sdelay $0x1  }
0x21c: {  	v1 =	vadd.f32 v1, v3  }
0x21d: {  	s0 =	sadd.s32 $0x10, s28  }
0x21e: {  	[tilespmem:s0+$0x0] =	vst v1  }
0x21f: {  	[tilespmem:s16], [sflag:$0x1] =	stream.indirect.gather [hbm4b:s3+s13], $0x80, s23, s13, $0xb8;
	[tilespmem:$0x10A00] =	vst v63  }
0x220: {  	_ = 	snop  }
0x221: {  	[tilespmem:s18], [sflag:$0x2] =	stream.indirect.gather [hbm4b:s4+s13], $0x80, s24, s13, $0xb8;
	[tilespmem:$0x10A00] =	vst v63  }
0x222: {  	_ =	swait.ge [sflag:s19], $0x4000  }
0x223: {  	[sflag:s19] =	ssyncset.done $0x0  }
0x224: {  	[sflag:s19] =	ssyncadd.s32 $0xFFFFC000  }
0x225: {  	_ =	swait.ge [sflag:s20], $0x4000  }
0x226: {  	[sflag:s20] =	ssyncset.done $0x0  }
0x227: {  	s0 =	simm.s32 $0x300;
	[sflag:s20] =	ssyncadd.s32 $0xFFFFC000  }
0x228: {  	s28 =	simm.s32 $0x700;
	v1 =	vld [tilespmem:s0+$0x0]  }
0x229: {  	v2 =	vld [tilespmem:s28+$0x0];
	_ =	sdelay $0x1  }
0x22a: {  	s0 =	simm.s32 $0x0  }
0x22b: {  	v3 =	vmov s0  }
0x22c: {  	v3 =	vshll.u32 v3, $0x7;
	v1 =	vshll.u32 v1, $0x5  }
0x22d: {  	v3 =	vor.u32 v0, v3;
	v2 =	vshll.u32 v2, $0x5;
	v33 =	vand.u32 $0xFFFFFF80, v1  }
0x22e: {  	v1 =	vand.u32 $0x60, v1;
	v34 =	vand.u32 $0xFFFFFF80, v2;
	v4 =	vadd.s32 v3, v33  }
0x22f: {  	v2 =	vand.u32 $0x60, v2;
	v3 =	vadd.s32 v3, v34;
	v1 =	vor.u32 v1, v4  }
0x230: {  	v2 =	vor.u32 v2, v3  }
0x231: {  	v3 =	vor.u32 $0x1, v1  }
0x232: {  	v35 =	vor.u32 $0x1, v2  }
0x233: {  	v36 =	vor.u32 $0x2, v1  }
0x234: {  	v38 =	vor.u32 $0x2, v2;
	v37 =	vld.idx.msk [tilespmem:v1+s14+$0x0], $0xffff  }
0x235: {  	v40 =	vor.u32 $0x3, v1;
	v39 =	vld.idx.msk [tilespmem:v2+s15+$0x0], $0xffff  }
0x236: {  	v41 =	vor.u32 $0x3, v2;
	v3 =	vld.idx.msk [tilespmem:v3+s14+$0x0], $0xffff  }
0x237: {  	v42 =	vor.u32 $0x4, v1;
	v4 =	vld.idx.msk [tilespmem:v35+s15+$0x0], $0xffff  }
0x238: {  	v43 =	vor.u32 $0x4, v2;
	v5 =	vld.idx.msk [tilespmem:v36+s14+$0x0], $0xffff  }
0x239: {  	v44 =	vor.u32 $0x5, v1;
	v7 =	vld.idx.msk [tilespmem:v38+s15+$0x0], $0xffff  }
0x23a: {  	v45 =	vor.u32 $0x5, v2;
	v9 =	vld.idx.msk [tilespmem:v40+s14+$0x0], $0xffff;
	v6 =	vmul.f32 v39, v37  }
0x23b: {  	v47 =	vor.u32 $0x6, v1;
	v46 =	vld.idx.msk [tilespmem:v41+s15+$0x0], $0xffff  }
0x23c: {  	v48 =	vor.u32 $0x6, v2;
	v11 =	vld.idx.msk [tilespmem:v42+s14+$0x0], $0xffff;
	v3 =	vmul.f32 v4, v3;
	v6 =	vadd.f32 $0.0e+00, v6  }
0x23d: {  	v50 =	vor.u32 $0x7, v1;
	v49 =	vld.idx.msk [tilespmem:v43+s15+$0x0], $0xffff  }
0x23e: {  	v51 =	vor.u32 $0x7, v2;
	v13 =	vld.idx.msk [tilespmem:v44+s14+$0x0], $0xffff;
	v5 =	vmul.f32 v7, v5;
	v3 =	vadd.f32 v3, v6  }
0x23f: {  	v54 =	vor.u32 $0x8, v2;
	v52 =	vld.idx.msk [tilespmem:v45+s15+$0x0], $0xffff  }
0x240: {  	v53 =	vor.u32 $0x8, v1;
	v10 =	vld.idx.msk [tilespmem:v47+s14+$0x0], $0xffff;
	v55 =	vmul.f32 v46, v9;
	v3 =	vadd.f32 v5, v3  }
0x241: {  	v58 =	vor.u32 $0x9, v2;
	v56 =	vld.idx.msk [tilespmem:v48+s15+$0x0], $0xffff  }
0x242: {  	v57 =	vor.u32 $0x9, v1;
	v12 =	vld.idx.msk [tilespmem:v50+s14+$0x0], $0xffff;
	v4 =	vmul.f32 v49, v11;
	v3 =	vadd.f32 v55, v3  }
0x243: {  	v61 =	vor.u32 $0xA, v2;
	v59 =	vld.idx.msk [tilespmem:v51+s15+$0x0], $0xffff  }
0x244: {  	v60 =	vor.u32 $0xA, v1;
	v63 =	vld.idx.msk [tilespmem:v54+s15+$0x0], $0xffff;
	v62 =	vmul.f32 v52, v13;
	v3 =	vadd.f32 v4, v3  }
0x245: {  	v20 =	vor.u32 $0xB, v2;
	v7 =	vld.idx.msk [tilespmem:v53+s14+$0x0], $0xffff  }
0x246: {  	v19 =	vor.u32 $0xB, v1;
	v22 =	vld.idx.msk [tilespmem:v58+s15+$0x0], $0xffff;
	v21 =	vmul.f32 v56, v10;
	v3 =	vadd.f32 v62, v3  }
0x247: {  	v24 =	vor.u32 $0xC, v2;
	v9 =	vld.idx.msk [tilespmem:v57+s14+$0x0], $0xffff  }
0x248: {  	v23 =	vor.u32 $0xC, v1;
	v26 =	vld.idx.msk [tilespmem:v61+s15+$0x0], $0xffff;
	v25 =	vmul.f32 v59, v12;
	v3 =	vadd.f32 v21, v3  }
0x249: {  	v28 =	vor.u32 $0xD, v2;
	v11 =	vld.idx.msk [tilespmem:v60+s14+$0x0], $0xffff  }
0x24a: {  	v27 =	vor.u32 $0xD, v1;
	v30 =	vld.idx.msk [tilespmem:v20+s15+$0x0], $0xffff;
	v29 =	vmul.f32 v63, v7;
	v3 =	vadd.f32 v25, v3  }
0x24b: {  	v32 =	vor.u32 $0xE, v2;
	v13 =	vld.idx.msk [tilespmem:v19+s14+$0x0], $0xffff  }
0x24c: {  	v31 =	vor.u32 $0xE, v1;
	v34 =	vld.idx.msk [tilespmem:v24+s15+$0x0], $0xffff;
	v33 =	vmul.f32 v22, v9;
	v3 =	vadd.f32 v29, v3  }
0x24d: {  	v36 =	vor.u32 $0xF, v2;
	v10 =	vld.idx.msk [tilespmem:v23+s14+$0x0], $0xffff  }
0x24e: {  	v35 =	vor.u32 $0xF, v1;
	v38 =	vld.idx.msk [tilespmem:v28+s15+$0x0], $0xffff;
	v37 =	vmul.f32 v26, v11;
	v3 =	vadd.f32 v33, v3  }
0x24f: {  	v40 =	vor.u32 $0x10, v2;
	v12 =	vld.idx.msk [tilespmem:v27+s14+$0x0], $0xffff  }
0x250: {  	v42 =	vld.idx.msk [tilespmem:v32+s15+$0x0], $0xffff;
	v39 =	vor.u32 $0x10, v1;
	v41 =	vmul.f32 v30, v13;
	v3 =	vadd.f32 v37, v3  }
0x251: {  	v44 =	vor.u32 $0x11, v2;
	v7 =	vld.idx.msk [tilespmem:v31+s14+$0x0], $0xffff  }
0x252: {  	v43 =	vor.u32 $0x11, v1;
	v46 =	vld.idx.msk [tilespmem:v36+s15+$0x0], $0xffff;
	v45 =	vmul.f32 v34, v10;
	v3 =	vadd.f32 v41, v3  }
0x253: {  	v48 =	vor.u32 $0x12, v2;
	v9 =	vld.idx.msk [tilespmem:v35+s14+$0x0], $0xffff  }
0x254: {  	v47 =	vor.u32 $0x12, v1;
	v50 =	vld.idx.msk [tilespmem:v40+s15+$0x0], $0xffff;
	v49 =	vmul.f32 v38, v12;
	v3 =	vadd.f32 v45, v3  }
0x255: {  	v51 =	vor.u32 $0x13, v1;
	v11 =	vld.idx.msk [tilespmem:v39+s14+$0x0], $0xffff  }
0x256: {  	v52 =	vor.u32 $0x13, v2;
	v54 =	vld.idx.msk [tilespmem:v44+s15+$0x0], $0xffff;
	v53 =	vmul.f32 v42, v7;
	v3 =	vadd.f32 v49, v3  }
0x257: {  	v56 =	vor.u32 $0x14, v2;
	v13 =	vld.idx.msk [tilespmem:v43+s14+$0x0], $0xffff  }
0x258: {  	v58 =	vld.idx.msk [tilespmem:v48+s15+$0x0], $0xffff;
	v55 =	vor.u32 $0x14, v1;
	v57 =	vmul.f32 v46, v9;
	v3 =	vadd.f32 v53, v3  }
0x259: {  	v60 =	vor.u32 $0x15, v2;
	v10 =	vld.idx.msk [tilespmem:v47+s14+$0x0], $0xffff  }
0x25a: {  	v59 =	vor.u32 $0x15, v1;
	v12 =	vld.idx.msk [tilespmem:v51+s14+$0x0], $0xffff;
	v61 =	vmul.f32 v50, v11;
	v3 =	vadd.f32 v57, v3  }
0x25b: {  	v20 =	vor.u32 $0x16, v2;
	v62 =	vld.idx.msk [tilespmem:v52+s15+$0x0], $0xffff  }
0x25c: {  	v63 =	vor.u32 $0x16, v1;
	v22 =	vld.idx.msk [tilespmem:v56+s15+$0x0], $0xffff;
	v21 =	vmul.f32 v54, v13;
	v3 =	vadd.f32 v61, v3  }
0x25d: {  	v24 =	vor.u32 $0x17, v2;
	v7 =	vld.idx.msk [tilespmem:v55+s14+$0x0], $0xffff  }
0x25e: {  	v23 =	vor.u32 $0x17, v1;
	v26 =	vld.idx.msk [tilespmem:v60+s15+$0x0], $0xffff;
	v25 =	vmul.f32 v58, v10;
	v3 =	vadd.f32 v21, v3  }
0x25f: {  	v28 =	vor.u32 $0x18, v2;
	v9 =	vld.idx.msk [tilespmem:v59+s14+$0x0], $0xffff  }
0x260: {  	v27 =	vor.u32 $0x18, v1;
	v30 =	vld.idx.msk [tilespmem:v20+s15+$0x0], $0xffff;
	v29 =	vmul.f32 v62, v12;
	v3 =	vadd.f32 v25, v3  }
0x261: {  	v32 =	vor.u32 $0x19, v2;
	v11 =	vld.idx.msk [tilespmem:v63+s14+$0x0], $0xffff  }
0x262: {  	v31 =	vor.u32 $0x19, v1;
	v34 =	vld.idx.msk [tilespmem:v24+s15+$0x0], $0xffff;
	v33 =	vmul.f32 v22, v7;
	v3 =	vadd.f32 v29, v3  }
0x263: {  	v36 =	vor.u32 $0x1A, v2;
	v13 =	vld.idx.msk [tilespmem:v23+s14+$0x0], $0xffff  }
0x264: {  	v35 =	vor.u32 $0x1A, v1;
	v38 =	vld.idx.msk [tilespmem:v28+s15+$0x0], $0xffff;
	v37 =	vmul.f32 v26, v9;
	v3 =	vadd.f32 v33, v3  }
0x265: {  	v40 =	vor.u32 $0x1B, v2;
	v10 =	vld.idx.msk [tilespmem:v27+s14+$0x0], $0xffff  }
0x266: {  	v39 =	vor.u32 $0x1B, v1;
	v42 =	vld.idx.msk [tilespmem:v32+s15+$0x0], $0xffff;
	v41 =	vmul.f32 v30, v11;
	v3 =	vadd.f32 v37, v3  }
0x267: {  	v44 =	vor.u32 $0x1C, v2;
	v12 =	vld.idx.msk [tilespmem:v31+s14+$0x0], $0xffff  }
0x268: {  	v43 =	vor.u32 $0x1C, v1;
	v46 =	vld.idx.msk [tilespmem:v36+s15+$0x0], $0xffff;
	v45 =	vmul.f32 v34, v13;
	v3 =	vadd.f32 v41, v3  }
0x269: {  	v47 =	vor.u32 $0x1D, v1;
	v7 =	vld.idx.msk [tilespmem:v35+s14+$0x0], $0xffff  }
0x26a: {  	v48 =	vor.u32 $0x1D, v2;
	v50 =	vld.idx.msk [tilespmem:v40+s15+$0x0], $0xffff;
	v49 =	vmul.f32 v38, v10;
	v3 =	vadd.f32 v45, v3  }
0x26b: {  	v51 =	vor.u32 $0x1E, v1;
	v9 =	vld.idx.msk [tilespmem:v39+s14+$0x0], $0xffff  }
0x26c: {  	v52 =	vor.u32 $0x1E, v2;
	v54 =	vld.idx.msk [tilespmem:v44+s15+$0x0], $0xffff;
	v53 =	vmul.f32 v42, v12;
	v3 =	vadd.f32 v49, v3  }
0x26d: {  	v1 =	vor.u32 $0x1F, v1;
	v11 =	vld.idx.msk [tilespmem:v43+s14+$0x0], $0xffff  }
0x26e: {  	v2 =	vor.u32 $0x1F, v2;
	v55 =	vld.idx.msk [tilespmem:v47+s14+$0x0], $0xffff;
	v56 =	vmul.f32 v46, v7;
	v3 =	vadd.f32 v53, v3  }
0x26f: {  	v57 =	vld.idx.msk [tilespmem:v48+s15+$0x0], $0xffff  }
0x270: {  	v58 =	vld.idx.msk [tilespmem:v51+s14+$0x0], $0xffff;
	v59 =	vmul.f32 v50, v9;
	v3 =	vadd.f32 v56, v3  }
0x271: {  	v60 =	vld.idx.msk [tilespmem:v52+s15+$0x0], $0xffff  }
0x272: {  	v1 =	vld.idx.msk [tilespmem:v1+s14+$0x0], $0xffff;
	v61 =	vmul.f32 v54, v11;
	v3 =	vadd.f32 v59, v3  }
0x273: {  	v2 =	vld.idx.msk [tilespmem:v2+s15+$0x0], $0xffff  }
0x274: {  	v62 =	vmul.f32 v57, v55;
	v3 =	vadd.f32 v61, v3;
	_ =	sdelay $0x1  }
0x275: {  	v63 =	vmul.f32 v60, v58;
	v3 =	vadd.f32 v62, v3;
	_ =	sdelay $0x1  }
0x276: {  	v1 =	vmul.f32 v2, v1;
	v3 =	vadd.f32 v63, v3;
	_ =	sdelay $0x1  }
0x277: {  	v1 =	vadd.f32 v1, v3  }
0x278: {  	s28 =	simm.s32 $0x10900  }
0x279: {  	s29 =	simm.s32 $0x310;
	[tilespmem:s28+$0x0] =	vst v1  }
0x27a: {  	s30 =	simm.s32 $0x710;
	v1 =	vld [tilespmem:s29+$0x0]  }
0x27b: {  	s31 =	simm.s32 $0x10;
	s0 =	simm.s32 $0x20;
	v2 =	vld [tilespmem:s30+$0x0]  }
.LBB2_6:
0x27c: {  	p0 =	sne.s32 s0, $0x70;
	_ =	sdelay $0x1  }
0x27d: {  	v3 =	vmov s31;
	s31 =	smov.u32 s0  }
0x27e: {  	v3 =	vshll.u32 v3, $0x7;
	v1 =	vshll.u32 v1, $0x5  }
0x27f: {  	v3 =	vor.u32 v0, v3;
	v2 =	vshll.u32 v2, $0x5;
	v4 =	vand.u32 $0xFFFFFF80, v1  }
0x280: {  	v1 =	vand.u32 $0x60, v1;
	v4 =	vadd.s32 v3, v4;
	v5 =	vand.u32 $0xFFFFFF80, v2  }
0x281: {  	v2 =	vand.u32 $0x60, v2;
	v1 =	vor.u32 v1, v4;
	v3 =	vadd.s32 v3, v5  }
0x282: {  	v2 =	vor.u32 v2, v3  }
0x283: {  	v3 =	vor.u32 $0x1, v1  }
0x284: {  	v4 =	vor.u32 $0x1, v2  }
0x285: {  	v5 =	vor.u32 $0x2, v1  }
0x286: {  	v7 =	vor.u32 $0x2, v2;
	v6 =	vld.idx.msk [tilespmem:v1+s14+$0x0], $0xffff  }
0x287: {  	v9 =	vor.u32 $0x3, v1;
	v8 =	vld.idx.msk [tilespmem:v2+s15+$0x0], $0xffff  }
0x288: {  	v10 =	vor.u32 $0x3, v2;
	v3 =	vld.idx.msk [tilespmem:v3+s14+$0x0], $0xffff  }
0x289: {  	v11 =	vor.u32 $0x4, v1;
	v4 =	vld.idx.msk [tilespmem:v4+s15+$0x0], $0xffff  }
0x28a: {  	v12 =	vor.u32 $0x4, v2;
	v5 =	vld.idx.msk [tilespmem:v5+s14+$0x0], $0xffff  }
0x28b: {  	v13 =	vor.u32 $0x5, v1;
	v7 =	vld.idx.msk [tilespmem:v7+s15+$0x0], $0xffff  }
0x28c: {  	v14 =	vor.u32 $0x5, v2;
	v9 =	vld.idx.msk [tilespmem:v9+s14+$0x0], $0xffff  }
0x28d: {  	v6 =	vmul.f32 v8, v6;
	v8 =	vld.idx.msk [tilespmem:v10+s15+$0x0], $0xffff;
	v10 =	vor.u32 $0x6, v1  }
0x28e: {  	v15 =	vor.u32 $0x6, v2;
	v11 =	vld.idx.msk [tilespmem:v11+s14+$0x0], $0xffff  }
0x28f: {  	v6 =	vadd.f32 $0.0e+00, v6;
	v3 =	vmul.f32 v4, v3;
	v4 =	vld.idx.msk [tilespmem:v12+s15+$0x0], $0xffff;
	v12 =	vor.u32 $0x7, v1  }
0x290: {  	v16 =	vor.u32 $0x7, v2;
	v13 =	vld.idx.msk [tilespmem:v13+s14+$0x0], $0xffff  }
0x291: {  	v3 =	vadd.f32 v3, v6;
	v5 =	vmul.f32 v7, v5;
	v7 =	vor.u32 $0x8, v1;
	v6 =	vld.idx.msk [tilespmem:v14+s15+$0x0], $0xffff  }
0x292: {  	v14 =	vor.u32 $0x8, v2;
	v10 =	vld.idx.msk [tilespmem:v10+s14+$0x0], $0xffff  }
0x293: {  	v3 =	vadd.f32 v5, v3;
	v5 =	vmul.f32 v8, v9;
	v9 =	vor.u32 $0x9, v1;
	v8 =	vld.idx.msk [tilespmem:v15+s15+$0x0], $0xffff  }
0x294: {  	v15 =	vor.u32 $0x9, v2;
	v12 =	vld.idx.msk [tilespmem:v12+s14+$0x0], $0xffff  }
0x295: {  	v3 =	vadd.f32 v5, v3;
	v4 =	vmul.f32 v4, v11;
	v11 =	vor.u32 $0xA, v1;
	v5 =	vld.idx.msk [tilespmem:v16+s15+$0x0], $0xffff  }
0x296: {  	v16 =	vor.u32 $0xA, v2;
	v7 =	vld.idx.msk [tilespmem:v7+s14+$0x0], $0xffff  }
0x297: {  	v3 =	vadd.f32 v4, v3;
	v4 =	vmul.f32 v6, v13;
	v13 =	vor.u32 $0xB, v1;
	v6 =	vld.idx.msk [tilespmem:v14+s15+$0x0], $0xffff  }
0x298: {  	v14 =	vor.u32 $0xB, v2;
	v9 =	vld.idx.msk [tilespmem:v9+s14+$0x0], $0xffff  }
0x299: {  	v3 =	vadd.f32 v4, v3;
	v4 =	vmul.f32 v8, v10;
	v10 =	vor.u32 $0xC, v1;
	v8 =	vld.idx.msk [tilespmem:v15+s15+$0x0], $0xffff  }
0x29a: {  	v15 =	vor.u32 $0xC, v2;
	v11 =	vld.idx.msk [tilespmem:v11+s14+$0x0], $0xffff  }
0x29b: {  	v3 =	vadd.f32 v4, v3;
	v4 =	vmul.f32 v5, v12;
	v12 =	vor.u32 $0xD, v1;
	v5 =	vld.idx.msk [tilespmem:v16+s15+$0x0], $0xffff  }
0x29c: {  	v16 =	vor.u32 $0xD, v2;
	v13 =	vld.idx.msk [tilespmem:v13+s14+$0x0], $0xffff  }
0x29d: {  	v3 =	vadd.f32 v4, v3;
	v4 =	vmul.f32 v6, v7;
	v7 =	vor.u32 $0xE, v1;
	v6 =	vld.idx.msk [tilespmem:v14+s15+$0x0], $0xffff  }
0x29e: {  	v14 =	vor.u32 $0xE, v2;
	v10 =	vld.idx.msk [tilespmem:v10+s14+$0x0], $0xffff  }
0x29f: {  	v3 =	vadd.f32 v4, v3;
	v4 =	vmul.f32 v8, v9;
	v9 =	vor.u32 $0xF, v1;
	v8 =	vld.idx.msk [tilespmem:v15+s15+$0x0], $0xffff  }
0x2a0: {  	v15 =	vor.u32 $0xF, v2;
	v12 =	vld.idx.msk [tilespmem:v12+s14+$0x0], $0xffff  }
0x2a1: {  	v3 =	vadd.f32 v4, v3;
	v4 =	vmul.f32 v5, v11;
	v11 =	vor.u32 $0x10, v1;
	v5 =	vld.idx.msk [tilespmem:v16+s15+$0x0], $0xffff  }
0x2a2: {  	v16 =	vor.u32 $0x10, v2;
	v7 =	vld.idx.msk [tilespmem:v7+s14+$0x0], $0xffff  }
0x2a3: {  	v3 =	vadd.f32 v4, v3;
	v4 =	vmul.f32 v6, v13;
	v13 =	vor.u32 $0x11, v1;
	v6 =	vld.idx.msk [tilespmem:v14+s15+$0x0], $0xffff  }
0x2a4: {  	v14 =	vor.u32 $0x11, v2;
	v9 =	vld.idx.msk [tilespmem:v9+s14+$0x0], $0xffff  }
0x2a5: {  	v3 =	vadd.f32 v4, v3;
	v4 =	vmul.f32 v8, v10;
	v10 =	vor.u32 $0x12, v1;
	v8 =	vld.idx.msk [tilespmem:v15+s15+$0x0], $0xffff  }
0x2a6: {  	v15 =	vor.u32 $0x12, v2;
	v11 =	vld.idx.msk [tilespmem:v11+s14+$0x0], $0xffff  }
0x2a7: {  	v3 =	vadd.f32 v4, v3;
	v4 =	vmul.f32 v5, v12;
	v12 =	vor.u32 $0x13, v1;
	v5 =	vld.idx.msk [tilespmem:v16+s15+$0x0], $0xffff  }
0x2a8: {  	v16 =	vor.u32 $0x13, v2;
	v13 =	vld.idx.msk [tilespmem:v13+s14+$0x0], $0xffff  }
0x2a9: {  	v3 =	vadd.f32 v4, v3;
	v4 =	vmul.f32 v6, v7;
	v7 =	vor.u32 $0x14, v1;
	v6 =	vld.idx.msk [tilespmem:v14+s15+$0x0], $0xffff  }
0x2aa: {  	v14 =	vor.u32 $0x14, v2;
	v10 =	vld.idx.msk [tilespmem:v10+s14+$0x0], $0xffff  }
0x2ab: {  	v3 =	vadd.f32 v4, v3;
	v4 =	vmul.f32 v8, v9;
	v9 =	vor.u32 $0x15, v1;
	v8 =	vld.idx.msk [tilespmem:v15+s15+$0x0], $0xffff  }
0x2ac: {  	v15 =	vor.u32 $0x15, v2;
	v12 =	vld.idx.msk [tilespmem:v12+s14+$0x0], $0xffff  }
0x2ad: {  	v3 =	vadd.f32 v4, v3;
	v4 =	vmul.f32 v5, v11;
	v11 =	vor.u32 $0x16, v1;
	v5 =	vld.idx.msk [tilespmem:v16+s15+$0x0], $0xffff  }
0x2ae: {  	v16 =	vor.u32 $0x16, v2;
	v7 =	vld.idx.msk [tilespmem:v7+s14+$0x0], $0xffff  }
0x2af: {  	v3 =	vadd.f32 v4, v3;
	v4 =	vmul.f32 v6, v13;
	v13 =	vor.u32 $0x17, v1;
	v6 =	vld.idx.msk [tilespmem:v14+s15+$0x0], $0xffff  }
0x2b0: {  	v14 =	vor.u32 $0x17, v2;
	v9 =	vld.idx.msk [tilespmem:v9+s14+$0x0], $0xffff  }
0x2b1: {  	v3 =	vadd.f32 v4, v3;
	v4 =	vmul.f32 v8, v10;
	v10 =	vor.u32 $0x18, v1;
	v8 =	vld.idx.msk [tilespmem:v15+s15+$0x0], $0xffff  }
0x2b2: {  	v15 =	vor.u32 $0x18, v2;
	v11 =	vld.idx.msk [tilespmem:v11+s14+$0x0], $0xffff  }
0x2b3: {  	v3 =	vadd.f32 v4, v3;
	v4 =	vmul.f32 v5, v12;
	v12 =	vor.u32 $0x19, v1;
	v5 =	vld.idx.msk [tilespmem:v16+s15+$0x0], $0xffff  }
0x2b4: {  	v16 =	vor.u32 $0x19, v2;
	v13 =	vld.idx.msk [tilespmem:v13+s14+$0x0], $0xffff  }
0x2b5: {  	v3 =	vadd.f32 v4, v3;
	v4 =	vmul.f32 v6, v7;
	v7 =	vor.u32 $0x1A, v1;
	v6 =	vld.idx.msk [tilespmem:v14+s15+$0x0], $0xffff  }
0x2b6: {  	v14 =	vor.u32 $0x1A, v2;
	v10 =	vld.idx.msk [tilespmem:v10+s14+$0x0], $0xffff  }
0x2b7: {  	v3 =	vadd.f32 v4, v3;
	v4 =	vmul.f32 v8, v9;
	v9 =	vor.u32 $0x1B, v1;
	v8 =	vld.idx.msk [tilespmem:v15+s15+$0x0], $0xffff  }
0x2b8: {  	v15 =	vor.u32 $0x1B, v2;
	v12 =	vld.idx.msk [tilespmem:v12+s14+$0x0], $0xffff  }
0x2b9: {  	v3 =	vadd.f32 v4, v3;
	v4 =	vmul.f32 v5, v11;
	v11 =	vor.u32 $0x1C, v1;
	v5 =	vld.idx.msk [tilespmem:v16+s15+$0x0], $0xffff  }
0x2ba: {  	v16 =	vor.u32 $0x1C, v2;
	v7 =	vld.idx.msk [tilespmem:v7+s14+$0x0], $0xffff  }
0x2bb: {  	v3 =	vadd.f32 v4, v3;
	v4 =	vmul.f32 v6, v13;
	v13 =	vor.u32 $0x1D, v1;
	v6 =	vld.idx.msk [tilespmem:v14+s15+$0x0], $0xffff  }
0x2bc: {  	v14 =	vor.u32 $0x1D, v2;
	v9 =	vld.idx.msk [tilespmem:v9+s14+$0x0], $0xffff  }
0x2bd: {  	v3 =	vadd.f32 v4, v3;
	v4 =	vmul.f32 v8, v10;
	v10 =	vor.u32 $0x1E, v1;
	v8 =	vld.idx.msk [tilespmem:v15+s15+$0x0], $0xffff  }
0x2be: {  	v15 =	vor.u32 $0x1E, v2;
	v11 =	vld.idx.msk [tilespmem:v11+s14+$0x0], $0xffff  }
0x2bf: {  	v1 =	vor.u32 $0x1F, v1;
	v3 =	vadd.f32 v4, v3;
	v4 =	vmul.f32 v5, v12;
	v5 =	vld.idx.msk [tilespmem:v16+s15+$0x0], $0xffff  }
0x2c0: {  	v2 =	vor.u32 $0x1F, v2;
	v12 =	vld.idx.msk [tilespmem:v13+s14+$0x0], $0xffff  }
0x2c1: {  	v3 =	vadd.f32 v4, v3;
	v4 =	vmul.f32 v6, v7;
	v6 =	vld.idx.msk [tilespmem:v14+s15+$0x0], $0xffff  }
0x2c2: {  	v7 =	vld.idx.msk [tilespmem:v10+s14+$0x0], $0xffff  }
0x2c3: {  	v3 =	vadd.f32 v4, v3;
	v4 =	vmul.f32 v8, v9;
	v8 =	vld.idx.msk [tilespmem:v15+s15+$0x0], $0xffff  }
0x2c4: {  	v1 =	vld.idx.msk [tilespmem:v1+s14+$0x0], $0xffff  }
0x2c5: {  	v3 =	vadd.f32 v4, v3;
	v4 =	vmul.f32 v5, v11;
	v2 =	vld.idx.msk [tilespmem:v2+s15+$0x0], $0xffff;
	_ =	sdelay $0x1  }
0x2c6: {  	v3 =	vadd.f32 v4, v3;
	v4 =	vmul.f32 v6, v12;
	_ =	sdelay $0x1  }
0x2c7: {  	v3 =	vadd.f32 v4, v3;
	v4 =	vmul.f32 v8, v7;
	_ =	sdelay $0x1  }
0x2c8: {  	v3 =	vadd.f32 v4, v3;
	v1 =	vmul.f32 v2, v1;
	_ =	sdelay $0x1  }
.Ltmp2:
0x2c9: {  	v1 =	vadd.f32 v1, v3;
	(pc) =	sbr.rel @p0 .LBB2_6-.Ltmp2, $4  }
0x2ca: {  	s28 =	sadd.s32 $0x10, s28  }
0x2cb: {  	s29 =	sadd.s32 $0x10, s29;
	[tilespmem:s28+$0x0] =	vst v1  }
0x2cc: {  	s30 =	sadd.s32 $0x10, s30;
	v1 =	vld [tilespmem:s29+$0x0]  }
0x2cd: {  	s0 =	sadd.s32 $0x10, s0;
	v2 =	vld [tilespmem:s30+$0x0]  }
0x2ce: {  	_ =	sdelay $0x1  }
0x2cf: {  	v3 =	vmov s31  }
0x2d0: {  	v3 =	vshll.u32 v3, $0x7;
	v1 =	vshll.u32 v1, $0x5  }
0x2d1: {  	v3 =	vor.u32 v0, v3;
	v2 =	vshll.u32 v2, $0x5;
	v4 =	vand.u32 $0xFFFFFF80, v1  }
0x2d2: {  	v1 =	vand.u32 $0x60, v1;
	v4 =	vadd.s32 v3, v4;
	v5 =	vand.u32 $0xFFFFFF80, v2  }
0x2d3: {  	v2 =	vand.u32 $0x60, v2;
	v1 =	vor.u32 v1, v4;
	v3 =	vadd.s32 v3, v5  }
0x2d4: {  	v2 =	vor.u32 v2, v3  }
0x2d5: {  	v3 =	vor.u32 $0x1, v1  }
0x2d6: {  	v60 =	vor.u32 $0x1, v2  }
0x2d7: {  	v61 =	vor.u32 $0x2, v1  }
0x2d8: {  	v7 =	vor.u32 $0x2, v2;
	v6 =	vld.idx.msk [tilespmem:v1+s14+$0x0], $0xffff  }
0x2d9: {  	v9 =	vor.u32 $0x3, v1;
	v8 =	vld.idx.msk [tilespmem:v2+s15+$0x0], $0xffff  }
0x2da: {  	v10 =	vor.u32 $0x3, v2;
	v3 =	vld.idx.msk [tilespmem:v3+s14+$0x0], $0xffff  }
0x2db: {  	v11 =	vor.u32 $0x4, v1;
	v4 =	vld.idx.msk [tilespmem:v60+s15+$0x0], $0xffff  }
0x2dc: {  	v12 =	vor.u32 $0x4, v2;
	v5 =	vld.idx.msk [tilespmem:v61+s14+$0x0], $0xffff  }
0x2dd: {  	v13 =	vor.u32 $0x5, v1;
	v7 =	vld.idx.msk [tilespmem:v7+s15+$0x0], $0xffff  }
0x2de: {  	v14 =	vor.u32 $0x5, v2;
	v9 =	vld.idx.msk [tilespmem:v9+s14+$0x0], $0xffff;
	v6 =	vmul.f32 v8, v6  }
0x2df: {  	v63 =	vor.u32 $0x6, v1;
	v62 =	vld.idx.msk [tilespmem:v10+s15+$0x0], $0xffff  }
0x2e0: {  	v15 =	vor.u32 $0x6, v2;
	v11 =	vld.idx.msk [tilespmem:v11+s14+$0x0], $0xffff;
	v3 =	vmul.f32 v4, v3;
	v6 =	vadd.f32 $0.0e+00, v6  }
0x2e1: {  	v21 =	vor.u32 $0x7, v1;
	v20 =	vld.idx.msk [tilespmem:v12+s15+$0x0], $0xffff  }
0x2e2: {  	v16 =	vor.u32 $0x7, v2;
	v13 =	vld.idx.msk [tilespmem:v13+s14+$0x0], $0xffff;
	v5 =	vmul.f32 v7, v5;
	v3 =	vadd.f32 v3, v6  }
0x2e3: {  	v24 =	vor.u32 $0x8, v2;
	v22 =	vld.idx.msk [tilespmem:v14+s15+$0x0], $0xffff  }
0x2e4: {  	v23 =	vor.u32 $0x8, v1;
	v10 =	vld.idx.msk [tilespmem:v63+s14+$0x0], $0xffff;
	v25 =	vmul.f32 v62, v9;
	v3 =	vadd.f32 v5, v3  }
0x2e5: {  	v28 =	vor.u32 $0x9, v2;
	v26 =	vld.idx.msk [tilespmem:v15+s15+$0x0], $0xffff  }
0x2e6: {  	v27 =	vor.u32 $0x9, v1;
	v12 =	vld.idx.msk [tilespmem:v21+s14+$0x0], $0xffff;
	v4 =	vmul.f32 v20, v11;
	v3 =	vadd.f32 v25, v3  }
0x2e7: {  	v31 =	vor.u32 $0xA, v2;
	v29 =	vld.idx.msk [tilespmem:v16+s15+$0x0], $0xffff  }
0x2e8: {  	v30 =	vor.u32 $0xA, v1;
	v33 =	vld.idx.msk [tilespmem:v24+s15+$0x0], $0xffff;
	v32 =	vmul.f32 v22, v13;
	v3 =	vadd.f32 v4, v3  }
0x2e9: {  	v35 =	vor.u32 $0xB, v2;
	v7 =	vld.idx.msk [tilespmem:v23+s14+$0x0], $0xffff  }
0x2ea: {  	v34 =	vor.u32 $0xB, v1;
	v37 =	vld.idx.msk [tilespmem:v28+s15+$0x0], $0xffff;
	v36 =	vmul.f32 v26, v10;
	v3 =	vadd.f32 v32, v3  }
0x2eb: {  	v39 =	vor.u32 $0xC, v2;
	v9 =	vld.idx.msk [tilespmem:v27+s14+$0x0], $0xffff  }
0x2ec: {  	v38 =	vor.u32 $0xC, v1;
	v41 =	vld.idx.msk [tilespmem:v31+s15+$0x0], $0xffff;
	v40 =	vmul.f32 v29, v12;
	v3 =	vadd.f32 v36, v3  }
0x2ed: {  	v43 =	vor.u32 $0xD, v2;
	v11 =	vld.idx.msk [tilespmem:v30+s14+$0x0], $0xffff  }
0x2ee: {  	v42 =	vor.u32 $0xD, v1;
	v45 =	vld.idx.msk [tilespmem:v35+s15+$0x0], $0xffff;
	v44 =	vmul.f32 v33, v7;
	v3 =	vadd.f32 v40, v3  }
0x2ef: {  	v47 =	vor.u32 $0xE, v2;
	v13 =	vld.idx.msk [tilespmem:v34+s14+$0x0], $0xffff  }
0x2f0: {  	v46 =	vor.u32 $0xE, v1;
	v49 =	vld.idx.msk [tilespmem:v39+s15+$0x0], $0xffff;
	v48 =	vmul.f32 v37, v9;
	v3 =	vadd.f32 v44, v3  }
0x2f1: {  	v51 =	vor.u32 $0xF, v2;
	v10 =	vld.idx.msk [tilespmem:v38+s14+$0x0], $0xffff  }
0x2f2: {  	v50 =	vor.u32 $0xF, v1;
	v53 =	vld.idx.msk [tilespmem:v43+s15+$0x0], $0xffff;
	v52 =	vmul.f32 v41, v11;
	v3 =	vadd.f32 v48, v3  }
0x2f3: {  	v55 =	vor.u32 $0x10, v2;
	v12 =	vld.idx.msk [tilespmem:v42+s14+$0x0], $0xffff  }
0x2f4: {  	v54 =	vor.u32 $0x10, v1;
	v57 =	vld.idx.msk [tilespmem:v47+s15+$0x0], $0xffff;
	v56 =	vmul.f32 v45, v13;
	v3 =	vadd.f32 v52, v3  }
0x2f5: {  	v58 =	vor.u32 $0x11, v1;
	v7 =	vld.idx.msk [tilespmem:v46+s14+$0x0], $0xffff  }
0x2f6: {  	v59 =	vor.u32 $0x11, v2;
	v61 =	vld.idx.msk [tilespmem:v51+s15+$0x0], $0xffff;
	v60 =	vmul.f32 v49, v10;
	v3 =	vadd.f32 v56, v3  }
0x2f7: {  	v63 =	vor.u32 $0x12, v2;
	v9 =	vld.idx.msk [tilespmem:v50+s14+$0x0], $0xffff  }
0x2f8: {  	v21 =	vld.idx.msk [tilespmem:v55+s15+$0x0], $0xffff;
	v62 =	vor.u32 $0x12, v1;
	v20 =	vmul.f32 v53, v12;
	v3 =	vadd.f32 v60, v3  }
0x2f9: {  	v22 =	vor.u32 $0x13, v1;
	v11 =	vld.idx.msk [tilespmem:v54+s14+$0x0], $0xffff  }
0x2fa: {  	v23 =	vor.u32 $0x13, v2;
	v13 =	vld.idx.msk [tilespmem:v58+s14+$0x0], $0xffff;
	v24 =	vmul.f32 v57, v7;
	v3 =	vadd.f32 v20, v3  }
0x2fb: {  	v27 =	vor.u32 $0x14, v2;
	v25 =	vld.idx.msk [tilespmem:v59+s15+$0x0], $0xffff  }
0x2fc: {  	v26 =	vor.u32 $0x14, v1;
	v29 =	vld.idx.msk [tilespmem:v63+s15+$0x0], $0xffff;
	v28 =	vmul.f32 v61, v9;
	v3 =	vadd.f32 v24, v3  }
0x2fd: {  	v31 =	vor.u32 $0x15, v2;
	v10 =	vld.idx.msk [tilespmem:v62+s14+$0x0], $0xffff  }
0x2fe: {  	v30 =	vor.u32 $0x15, v1;
	v12 =	vld.idx.msk [tilespmem:v22+s14+$0x0], $0xffff;
	v32 =	vmul.f32 v21, v11;
	v3 =	vadd.f32 v28, v3  }
0x2ff: {  	v35 =	vor.u32 $0x16, v2;
	v33 =	vld.idx.msk [tilespmem:v23+s15+$0x0], $0xffff  }
0x300: {  	v34 =	vor.u32 $0x16, v1;
	v37 =	vld.idx.msk [tilespmem:v27+s15+$0x0], $0xffff;
	v36 =	vmul.f32 v25, v13;
	v3 =	vadd.f32 v32, v3  }
0x301: {  	v39 =	vor.u32 $0x17, v2;
	v7 =	vld.idx.msk [tilespmem:v26+s14+$0x0], $0xffff  }
0x302: {  	v38 =	vor.u32 $0x17, v1;
	v41 =	vld.idx.msk [tilespmem:v31+s15+$0x0], $0xffff;
	v40 =	vmul.f32 v29, v10;
	v3 =	vadd.f32 v36, v3  }
0x303: {  	v43 =	vor.u32 $0x18, v2;
	v9 =	vld.idx.msk [tilespmem:v30+s14+$0x0], $0xffff  }
0x304: {  	v42 =	vor.u32 $0x18, v1;
	v45 =	vld.idx.msk [tilespmem:v35+s15+$0x0], $0xffff;
	v44 =	vmul.f32 v33, v12;
	v3 =	vadd.f32 v40, v3  }
0x305: {  	v47 =	vor.u32 $0x19, v2;
	v11 =	vld.idx.msk [tilespmem:v34+s14+$0x0], $0xffff  }
0x306: {  	v46 =	vor.u32 $0x19, v1;
	v49 =	vld.idx.msk [tilespmem:v39+s15+$0x0], $0xffff;
	v48 =	vmul.f32 v37, v7;
	v3 =	vadd.f32 v44, v3  }
0x307: {  	v51 =	vor.u32 $0x1A, v2;
	v13 =	vld.idx.msk [tilespmem:v38+s14+$0x0], $0xffff  }
0x308: {  	v50 =	vor.u32 $0x1A, v1;
	v53 =	vld.idx.msk [tilespmem:v43+s15+$0x0], $0xffff;
	v52 =	vmul.f32 v41, v9;
	v3 =	vadd.f32 v48, v3  }
0x309: {  	v55 =	vor.u32 $0x1B, v2;
	v10 =	vld.idx.msk [tilespmem:v42+s14+$0x0], $0xffff  }
0x30a: {  	v54 =	vor.u32 $0x1B, v1;
	v57 =	vld.idx.msk [tilespmem:v47+s15+$0x0], $0xffff;
	v56 =	vmul.f32 v45, v11;
	v3 =	vadd.f32 v52, v3  }
0x30b: {  	v59 =	vor.u32 $0x1C, v2;
	v12 =	vld.idx.msk [tilespmem:v46+s14+$0x0], $0xffff  }
0x30c: {  	v58 =	vor.u32 $0x1C, v1;
	v61 =	vld.idx.msk [tilespmem:v51+s15+$0x0], $0xffff;
	v60 =	vmul.f32 v49, v13;
	v3 =	vadd.f32 v56, v3  }
0x30d: {  	v63 =	vor.u32 $0x1D, v2;
	v7 =	vld.idx.msk [tilespmem:v50+s14+$0x0], $0xffff  }
0x30e: {  	v19 =	vld.idx.msk [tilespmem:v55+s15+$0x0], $0xffff;
	v62 =	vor.u32 $0x1D, v1;
	v18 =	vmul.f32 v53, v10;
	v3 =	vadd.f32 v60, v3  }
0x30f: {  	v21 =	vor.u32 $0x1E, v2;
	v9 =	vld.idx.msk [tilespmem:v54+s14+$0x0], $0xffff  }
0x310: {  	v23 =	vld.idx.msk [tilespmem:v59+s15+$0x0], $0xffff;
	v22 =	vmul.f32 v57, v12;
	v20 =	vor.u32 $0x1E, v1;
	v3 =	vadd.f32 v18, v3  }
0x311: {  	v2 =	vor.u32 $0x1F, v2;
	v11 =	vld.idx.msk [tilespmem:v58+s14+$0x0], $0xffff  }
0x312: {  	v26 =	vld.idx.msk [tilespmem:v63+s15+$0x0], $0xffff;
	v25 =	vmul.f32 v61, v7;
	v1 =	vor.u32 $0x1F, v1;
	v3 =	vadd.f32 v22, v3  }
0x313: {  	v24 =	vld.idx.msk [tilespmem:v62+s14+$0x0], $0xffff  }
0x314: {  	v29 =	vld.idx.msk [tilespmem:v21+s15+$0x0], $0xffff;
	v28 =	vmul.f32 v19, v9;
	v3 =	vadd.f32 v25, v3  }
0x315: {  	v27 =	vld.idx.msk [tilespmem:v20+s14+$0x0], $0xffff  }
0x316: {  	v2 =	vld.idx.msk [tilespmem:v2+s15+$0x0], $0xffff;
	v30 =	vmul.f32 v23, v11;
	v3 =	vadd.f32 v28, v3  }
0x317: {  	v1 =	vld.idx.msk [tilespmem:v1+s14+$0x0], $0xffff  }
0x318: {  	v31 =	vmul.f32 v26, v24;
	v3 =	vadd.f32 v30, v3;
	_ =	sdelay $0x1  }
0x319: {  	v32 =	vmul.f32 v29, v27;
	v3 =	vadd.f32 v31, v3;
	_ =	sdelay $0x1  }
0x31a: {  	v1 =	vmul.f32 v2, v1;
	v3 =	vadd.f32 v32, v3;
	_ =	sdelay $0x1  }
0x31b: {  	v1 =	vadd.f32 v1, v3  }
0x31c: {  	s0 =	sadd.s32 $0x10, s28  }
0x31d: {  	[tilespmem:s0+$0x0] =	vst v1  }
0x31e: {  	_ =	swait.ge [sflag:s19], $0x4000  }
0x31f: {  	[sflag:s19] =	ssyncset.done $0x0  }
0x320: {  	[sflag:s19] =	ssyncadd.s32 $0xFFFFC000  }
0x321: {  	_ =	swait.ge [sflag:s20], $0x4000  }
0x322: {  	[sflag:s20] =	ssyncset.done $0x0  }
0x323: {  	s0 =	simm.s32 $0x380;
	[sflag:s20] =	ssyncadd.s32 $0xFFFFC000  }
0x324: {  	s28 =	simm.s32 $0x780;
	v1 =	vld [tilespmem:s0+$0x0]  }
0x325: {  	v2 =	vld [tilespmem:s28+$0x0];
	_ =	sdelay $0x1  }
0x326: {  	s0 =	simm.s32 $0x0  }
0x327: {  	v3 =	vmov s0  }
0x328: {  	v3 =	vshll.u32 v3, $0x7;
	v1 =	vshll.u32 v1, $0x5  }
0x329: {  	v3 =	vor.u32 v0, v3;
	v2 =	vshll.u32 v2, $0x5;
	v33 =	vand.u32 $0xFFFFFF80, v1  }
0x32a: {  	v1 =	vand.u32 $0x60, v1;
	v34 =	vand.u32 $0xFFFFFF80, v2;
	v4 =	vadd.s32 v3, v33  }
0x32b: {  	v2 =	vand.u32 $0x60, v2;
	v3 =	vadd.s32 v3, v34;
	v1 =	vor.u32 v1, v4  }
0x32c: {  	v2 =	vor.u32 v2, v3  }
0x32d: {  	v3 =	vor.u32 $0x1, v1  }
0x32e: {  	v35 =	vor.u32 $0x1, v2  }
0x32f: {  	v36 =	vor.u32 $0x2, v1  }
0x330: {  	v38 =	vor.u32 $0x2, v2;
	v37 =	vld.idx.msk [tilespmem:v1+s16+$0x0], $0xffff  }
0x331: {  	v40 =	vor.u32 $0x3, v1;
	v39 =	vld.idx.msk [tilespmem:v2+s18+$0x0], $0xffff  }
0x332: {  	v41 =	vor.u32 $0x3, v2;
	v3 =	vld.idx.msk [tilespmem:v3+s16+$0x0], $0xffff  }
0x333: {  	v42 =	vor.u32 $0x4, v1;
	v4 =	vld.idx.msk [tilespmem:v35+s18+$0x0], $0xffff  }
0x334: {  	v43 =	vor.u32 $0x4, v2;
	v5 =	vld.idx.msk [tilespmem:v36+s16+$0x0], $0xffff  }
0x335: {  	v44 =	vor.u32 $0x5, v1;
	v7 =	vld.idx.msk [tilespmem:v38+s18+$0x0], $0xffff  }
0x336: {  	v45 =	vor.u32 $0x5, v2;
	v9 =	vld.idx.msk [tilespmem:v40+s16+$0x0], $0xffff;
	v6 =	vmul.f32 v39, v37  }
0x337: {  	v47 =	vor.u32 $0x6, v1;
	v46 =	vld.idx.msk [tilespmem:v41+s18+$0x0], $0xffff  }
0x338: {  	v48 =	vor.u32 $0x6, v2;
	v11 =	vld.idx.msk [tilespmem:v42+s16+$0x0], $0xffff;
	v3 =	vmul.f32 v4, v3;
	v6 =	vadd.f32 $0.0e+00, v6  }
0x339: {  	v50 =	vor.u32 $0x7, v1;
	v49 =	vld.idx.msk [tilespmem:v43+s18+$0x0], $0xffff  }
0x33a: {  	v51 =	vor.u32 $0x7, v2;
	v13 =	vld.idx.msk [tilespmem:v44+s16+$0x0], $0xffff;
	v5 =	vmul.f32 v7, v5;
	v3 =	vadd.f32 v3, v6  }
0x33b: {  	v54 =	vor.u32 $0x8, v2;
	v52 =	vld.idx.msk [tilespmem:v45+s18+$0x0], $0xffff  }
0x33c: {  	v53 =	vor.u32 $0x8, v1;
	v10 =	vld.idx.msk [tilespmem:v47+s16+$0x0], $0xffff;
	v55 =	vmul.f32 v46, v9;
	v3 =	vadd.f32 v5, v3  }
0x33d: {  	v58 =	vor.u32 $0x9, v2;
	v56 =	vld.idx.msk [tilespmem:v48+s18+$0x0], $0xffff  }
0x33e: {  	v57 =	vor.u32 $0x9, v1;
	v12 =	vld.idx.msk [tilespmem:v50+s16+$0x0], $0xffff;
	v4 =	vmul.f32 v49, v11;
	v3 =	vadd.f32 v55, v3  }
0x33f: {  	v61 =	vor.u32 $0xA, v2;
	v59 =	vld.idx.msk [tilespmem:v51+s18+$0x0], $0xffff  }
0x340: {  	v60 =	vor.u32 $0xA, v1;
	v63 =	vld.idx.msk [tilespmem:v54+s18+$0x0], $0xffff;
	v62 =	vmul.f32 v52, v13;
	v3 =	vadd.f32 v4, v3  }
0x341: {  	v20 =	vor.u32 $0xB, v2;
	v7 =	vld.idx.msk [tilespmem:v53+s16+$0x0], $0xffff  }
0x342: {  	v19 =	vor.u32 $0xB, v1;
	v22 =	vld.idx.msk [tilespmem:v58+s18+$0x0], $0xffff;
	v21 =	vmul.f32 v56, v10;
	v3 =	vadd.f32 v62, v3  }
0x343: {  	v24 =	vor.u32 $0xC, v2;
	v9 =	vld.idx.msk [tilespmem:v57+s16+$0x0], $0xffff  }
0x344: {  	v23 =	vor.u32 $0xC, v1;
	v26 =	vld.idx.msk [tilespmem:v61+s18+$0x0], $0xffff;
	v25 =	vmul.f32 v59, v12;
	v3 =	vadd.f32 v21, v3  }
0x345: {  	v28 =	vor.u32 $0xD, v2;
	v11 =	vld.idx.msk [tilespmem:v60+s16+$0x0], $0xffff  }
0x346: {  	v27 =	vor.u32 $0xD, v1;
	v30 =	vld.idx.msk [tilespmem:v20+s18+$0x0], $0xffff;
	v29 =	vmul.f32 v63, v7;
	v3 =	vadd.f32 v25, v3  }
0x347: {  	v32 =	vor.u32 $0xE, v2;
	v13 =	vld.idx.msk [tilespmem:v19+s16+$0x0], $0xffff  }
0x348: {  	v31 =	vor.u32 $0xE, v1;
	v34 =	vld.idx.msk [tilespmem:v24+s18+$0x0], $0xffff;
	v33 =	vmul.f32 v22, v9;
	v3 =	vadd.f32 v29, v3  }
0x349: {  	v36 =	vor.u32 $0xF, v2;
	v10 =	vld.idx.msk [tilespmem:v23+s16+$0x0], $0xffff  }
0x34a: {  	v35 =	vor.u32 $0xF, v1;
	v38 =	vld.idx.msk [tilespmem:v28+s18+$0x0], $0xffff;
	v37 =	vmul.f32 v26, v11;
	v3 =	vadd.f32 v33, v3  }
0x34b: {  	v40 =	vor.u32 $0x10, v2;
	v12 =	vld.idx.msk [tilespmem:v27+s16+$0x0], $0xffff  }
0x34c: {  	v42 =	vld.idx.msk [tilespmem:v32+s18+$0x0], $0xffff;
	v39 =	vor.u32 $0x10, v1;
	v41 =	vmul.f32 v30, v13;
	v3 =	vadd.f32 v37, v3  }
0x34d: {  	v44 =	vor.u32 $0x11, v2;
	v7 =	vld.idx.msk [tilespmem:v31+s16+$0x0], $0xffff  }
0x34e: {  	v43 =	vor.u32 $0x11, v1;
	v46 =	vld.idx.msk [tilespmem:v36+s18+$0x0], $0xffff;
	v45 =	vmul.f32 v34, v10;
	v3 =	vadd.f32 v41, v3  }
0x34f: {  	v48 =	vor.u32 $0x12, v2;
	v9 =	vld.idx.msk [tilespmem:v35+s16+$0x0], $0xffff  }
0x350: {  	v47 =	vor.u32 $0x12, v1;
	v50 =	vld.idx.msk [tilespmem:v40+s18+$0x0], $0xffff;
	v49 =	vmul.f32 v38, v12;
	v3 =	vadd.f32 v45, v3  }
0x351: {  	v51 =	vor.u32 $0x13, v1;
	v11 =	vld.idx.msk [tilespmem:v39+s16+$0x0], $0xffff  }
0x352: {  	v52 =	vor.u32 $0x13, v2;
	v54 =	vld.idx.msk [tilespmem:v44+s18+$0x0], $0xffff;
	v53 =	vmul.f32 v42, v7;
	v3 =	vadd.f32 v49, v3  }
0x353: {  	v56 =	vor.u32 $0x14, v2;
	v13 =	vld.idx.msk [tilespmem:v43+s16+$0x0], $0xffff  }
0x354: {  	v58 =	vld.idx.msk [tilespmem:v48+s18+$0x0], $0xffff;
	v55 =	vor.u32 $0x14, v1;
	v57 =	vmul.f32 v46, v9;
	v3 =	vadd.f32 v53, v3  }
0x355: {  	v60 =	vor.u32 $0x15, v2;
	v10 =	vld.idx.msk [tilespmem:v47+s16+$0x0], $0xffff  }
0x356: {  	v59 =	vor.u32 $0x15, v1;
	v12 =	vld.idx.msk [tilespmem:v51+s16+$0x0], $0xffff;
	v61 =	vmul.f32 v50, v11;
	v3 =	vadd.f32 v57, v3  }
0x357: {  	v20 =	vor.u32 $0x16, v2;
	v62 =	vld.idx.msk [tilespmem:v52+s18+$0x0], $0xffff  }
0x358: {  	v63 =	vor.u32 $0x16, v1;
	v22 =	vld.idx.msk [tilespmem:v56+s18+$0x0], $0xffff;
	v21 =	vmul.f32 v54, v13;
	v3 =	vadd.f32 v61, v3  }
0x359: {  	v24 =	vor.u32 $0x17, v2;
	v7 =	vld.idx.msk [tilespmem:v55+s16+$0x0], $0xffff  }
0x35a: {  	v23 =	vor.u32 $0x17, v1;
	v26 =	vld.idx.msk [tilespmem:v60+s18+$0x0], $0xffff;
	v25 =	vmul.f32 v58, v10;
	v3 =	vadd.f32 v21, v3  }
0x35b: {  	v28 =	vor.u32 $0x18, v2;
	v9 =	vld.idx.msk [tilespmem:v59+s16+$0x0], $0xffff  }
0x35c: {  	v27 =	vor.u32 $0x18, v1;
	v30 =	vld.idx.msk [tilespmem:v20+s18+$0x0], $0xffff;
	v29 =	vmul.f32 v62, v12;
	v3 =	vadd.f32 v25, v3  }
0x35d: {  	v32 =	vor.u32 $0x19, v2;
	v11 =	vld.idx.msk [tilespmem:v63+s16+$0x0], $0xffff  }
0x35e: {  	v31 =	vor.u32 $0x19, v1;
	v34 =	vld.idx.msk [tilespmem:v24+s18+$0x0], $0xffff;
	v33 =	vmul.f32 v22, v7;
	v3 =	vadd.f32 v29, v3  }
0x35f: {  	v36 =	vor.u32 $0x1A, v2;
	v13 =	vld.idx.msk [tilespmem:v23+s16+$0x0], $0xffff  }
0x360: {  	v35 =	vor.u32 $0x1A, v1;
	v38 =	vld.idx.msk [tilespmem:v28+s18+$0x0], $0xffff;
	v37 =	vmul.f32 v26, v9;
	v3 =	vadd.f32 v33, v3  }
0x361: {  	v40 =	vor.u32 $0x1B, v2;
	v10 =	vld.idx.msk [tilespmem:v27+s16+$0x0], $0xffff  }
0x362: {  	v39 =	vor.u32 $0x1B, v1;
	v42 =	vld.idx.msk [tilespmem:v32+s18+$0x0], $0xffff;
	v41 =	vmul.f32 v30, v11;
	v3 =	vadd.f32 v37, v3  }
0x363: {  	v44 =	vor.u32 $0x1C, v2;
	v12 =	vld.idx.msk [tilespmem:v31+s16+$0x0], $0xffff  }
0x364: {  	v43 =	vor.u32 $0x1C, v1;
	v46 =	vld.idx.msk [tilespmem:v36+s18+$0x0], $0xffff;
	v45 =	vmul.f32 v34, v13;
	v3 =	vadd.f32 v41, v3  }
0x365: {  	v47 =	vor.u32 $0x1D, v1;
	v7 =	vld.idx.msk [tilespmem:v35+s16+$0x0], $0xffff  }
0x366: {  	v48 =	vor.u32 $0x1D, v2;
	v50 =	vld.idx.msk [tilespmem:v40+s18+$0x0], $0xffff;
	v49 =	vmul.f32 v38, v10;
	v3 =	vadd.f32 v45, v3  }
0x367: {  	v51 =	vor.u32 $0x1E, v1;
	v9 =	vld.idx.msk [tilespmem:v39+s16+$0x0], $0xffff  }
0x368: {  	v52 =	vor.u32 $0x1E, v2;
	v54 =	vld.idx.msk [tilespmem:v44+s18+$0x0], $0xffff;
	v53 =	vmul.f32 v42, v12;
	v3 =	vadd.f32 v49, v3  }
0x369: {  	v1 =	vor.u32 $0x1F, v1;
	v11 =	vld.idx.msk [tilespmem:v43+s16+$0x0], $0xffff  }
0x36a: {  	v2 =	vor.u32 $0x1F, v2;
	v55 =	vld.idx.msk [tilespmem:v47+s16+$0x0], $0xffff;
	v56 =	vmul.f32 v46, v7;
	v3 =	vadd.f32 v53, v3  }
0x36b: {  	v57 =	vld.idx.msk [tilespmem:v48+s18+$0x0], $0xffff  }
0x36c: {  	v58 =	vld.idx.msk [tilespmem:v51+s16+$0x0], $0xffff;
	v59 =	vmul.f32 v50, v9;
	v3 =	vadd.f32 v56, v3  }
0x36d: {  	v60 =	vld.idx.msk [tilespmem:v52+s18+$0x0], $0xffff  }
0x36e: {  	v1 =	vld.idx.msk [tilespmem:v1+s16+$0x0], $0xffff;
	v61 =	vmul.f32 v54, v11;
	v3 =	vadd.f32 v59, v3  }
0x36f: {  	v2 =	vld.idx.msk [tilespmem:v2+s18+$0x0], $0xffff  }
0x370: {  	v62 =	vmul.f32 v57, v55;
	v3 =	vadd.f32 v61, v3;
	_ =	sdelay $0x1  }
0x371: {  	v63 =	vmul.f32 v60, v58;
	v3 =	vadd.f32 v62, v3;
	_ =	sdelay $0x1  }
0x372: {  	v1 =	vmul.f32 v2, v1;
	v3 =	vadd.f32 v63, v3;
	_ =	sdelay $0x1  }
0x373: {  	v1 =	vadd.f32 v1, v3  }
0x374: {  	s28 =	simm.s32 $0x10980  }
0x375: {  	s29 =	simm.s32 $0x390;
	[tilespmem:s28+$0x0] =	vst v1  }
0x376: {  	s30 =	simm.s32 $0x790;
	v1 =	vld [tilespmem:s29+$0x0]  }
0x377: {  	s31 =	simm.s32 $0x10;
	s0 =	simm.s32 $0x20;
	v2 =	vld [tilespmem:s30+$0x0]  }
.LBB2_8:
0x378: {  	p0 =	sne.s32 s0, $0x70;
	_ =	sdelay $0x1  }
0x379: {  	v3 =	vmov s31;
	s31 =	smov.u32 s0  }
0x37a: {  	v3 =	vshll.u32 v3, $0x7;
	v1 =	vshll.u32 v1, $0x5  }
0x37b: {  	v3 =	vor.u32 v0, v3;
	v2 =	vshll.u32 v2, $0x5;
	v4 =	vand.u32 $0xFFFFFF80, v1  }
0x37c: {  	v1 =	vand.u32 $0x60, v1;
	v4 =	vadd.s32 v3, v4;
	v5 =	vand.u32 $0xFFFFFF80, v2  }
0x37d: {  	v2 =	vand.u32 $0x60, v2;
	v1 =	vor.u32 v1, v4;
	v3 =	vadd.s32 v3, v5  }
0x37e: {  	v2 =	vor.u32 v2, v3  }
0x37f: {  	v3 =	vor.u32 $0x1, v1  }
0x380: {  	v4 =	vor.u32 $0x1, v2  }
0x381: {  	v5 =	vor.u32 $0x2, v1  }
0x382: {  	v7 =	vor.u32 $0x2, v2;
	v6 =	vld.idx.msk [tilespmem:v1+s16+$0x0], $0xffff  }
0x383: {  	v9 =	vor.u32 $0x3, v1;
	v8 =	vld.idx.msk [tilespmem:v2+s18+$0x0], $0xffff  }
0x384: {  	v10 =	vor.u32 $0x3, v2;
	v3 =	vld.idx.msk [tilespmem:v3+s16+$0x0], $0xffff  }
0x385: {  	v11 =	vor.u32 $0x4, v1;
	v4 =	vld.idx.msk [tilespmem:v4+s18+$0x0], $0xffff  }
0x386: {  	v12 =	vor.u32 $0x4, v2;
	v5 =	vld.idx.msk [tilespmem:v5+s16+$0x0], $0xffff  }
0x387: {  	v13 =	vor.u32 $0x5, v1;
	v7 =	vld.idx.msk [tilespmem:v7+s18+$0x0], $0xffff  }
0x388: {  	v14 =	vor.u32 $0x5, v2;
	v9 =	vld.idx.msk [tilespmem:v9+s16+$0x0], $0xffff  }
0x389: {  	v6 =	vmul.f32 v8, v6;
	v8 =	vld.idx.msk [tilespmem:v10+s18+$0x0], $0xffff;
	v10 =	vor.u32 $0x6, v1  }
0x38a: {  	v15 =	vor.u32 $0x6, v2;
	v11 =	vld.idx.msk [tilespmem:v11+s16+$0x0], $0xffff  }
0x38b: {  	v6 =	vadd.f32 $0.0e+00, v6;
	v3 =	vmul.f32 v4, v3;
	v4 =	vld.idx.msk [tilespmem:v12+s18+$0x0], $0xffff;
	v12 =	vor.u32 $0x7, v1  }
0x38c: {  	v16 =	vor.u32 $0x7, v2;
	v13 =	vld.idx.msk [tilespmem:v13+s16+$0x0], $0xffff  }
0x38d: {  	v3 =	vadd.f32 v3, v6;
	v5 =	vmul.f32 v7, v5;
	v7 =	vor.u32 $0x8, v1;
	v6 =	vld.idx.msk [tilespmem:v14+s18+$0x0], $0xffff  }
0x38e: {  	v14 =	vor.u32 $0x8, v2;
	v10 =	vld.idx.msk [tilespmem:v10+s16+$0x0], $0xffff  }
0x38f: {  	v3 =	vadd.f32 v5, v3;
	v5 =	vmul.f32 v8, v9;
	v9 =	vor.u32 $0x9, v1;
	v8 =	vld.idx.msk [tilespmem:v15+s18+$0x0], $0xffff  }
0x390: {  	v15 =	vor.u32 $0x9, v2;
	v12 =	vld.idx.msk [tilespmem:v12+s16+$0x0], $0xffff  }
0x391: {  	v3 =	vadd.f32 v5, v3;
	v4 =	vmul.f32 v4, v11;
	v11 =	vor.u32 $0xA, v1;
	v5 =	vld.idx.msk [tilespmem:v16+s18+$0x0], $0xffff  }
0x392: {  	v16 =	vor.u32 $0xA, v2;
	v7 =	vld.idx.msk [tilespmem:v7+s16+$0x0], $0xffff  }
0x393: {  	v3 =	vadd.f32 v4, v3;
	v4 =	vmul.f32 v6, v13;
	v13 =	vor.u32 $0xB, v1;
	v6 =	vld.idx.msk [tilespmem:v14+s18+$0x0], $0xffff  }
0x394: {  	v14 =	vor.u32 $0xB, v2;
	v9 =	vld.idx.msk [tilespmem:v9+s16+$0x0], $0xffff  }
0x395: {  	v3 =	vadd.f32 v4, v3;
	v4 =	vmul.f32 v8, v10;
	v10 =	vor.u32 $0xC, v1;
	v8 =	vld.idx.msk [tilespmem:v15+s18+$0x0], $0xffff  }
0x396: {  	v15 =	vor.u32 $0xC, v2;
	v11 =	vld.idx.msk [tilespmem:v11+s16+$0x0], $0xffff  }
0x397: {  	v3 =	vadd.f32 v4, v3;
	v4 =	vmul.f32 v5, v12;
	v12 =	vor.u32 $0xD, v1;
	v5 =	vld.idx.msk [tilespmem:v16+s18+$0x0], $0xffff  }
0x398: {  	v16 =	vor.u32 $0xD, v2;
	v13 =	vld.idx.msk [tilespmem:v13+s16+$0x0], $0xffff  }
0x399: {  	v3 =	vadd.f32 v4, v3;
	v4 =	vmul.f32 v6, v7;
	v7 =	vor.u32 $0xE, v1;
	v6 =	vld.idx.msk [tilespmem:v14+s18+$0x0], $0xffff  }
0x39a: {  	v14 =	vor.u32 $0xE, v2;
	v10 =	vld.idx.msk [tilespmem:v10+s16+$0x0], $0xffff  }
0x39b: {  	v3 =	vadd.f32 v4, v3;
	v4 =	vmul.f32 v8, v9;
	v9 =	vor.u32 $0xF, v1;
	v8 =	vld.idx.msk [tilespmem:v15+s18+$0x0], $0xffff  }
0x39c: {  	v15 =	vor.u32 $0xF, v2;
	v12 =	vld.idx.msk [tilespmem:v12+s16+$0x0], $0xffff  }
0x39d: {  	v3 =	vadd.f32 v4, v3;
	v4 =	vmul.f32 v5, v11;
	v11 =	vor.u32 $0x10, v1;
	v5 =	vld.idx.msk [tilespmem:v16+s18+$0x0], $0xffff  }
0x39e: {  	v16 =	vor.u32 $0x10, v2;
	v7 =	vld.idx.msk [tilespmem:v7+s16+$0x0], $0xffff  }
0x39f: {  	v3 =	vadd.f32 v4, v3;
	v4 =	vmul.f32 v6, v13;
	v13 =	vor.u32 $0x11, v1;
	v6 =	vld.idx.msk [tilespmem:v14+s18+$0x0], $0xffff  }
0x3a0: {  	v14 =	vor.u32 $0x11, v2;
	v9 =	vld.idx.msk [tilespmem:v9+s16+$0x0], $0xffff  }
0x3a1: {  	v3 =	vadd.f32 v4, v3;
	v4 =	vmul.f32 v8, v10;
	v10 =	vor.u32 $0x12, v1;
	v8 =	vld.idx.msk [tilespmem:v15+s18+$0x0], $0xffff  }
0x3a2: {  	v15 =	vor.u32 $0x12, v2;
	v11 =	vld.idx.msk [tilespmem:v11+s16+$0x0], $0xffff  }
0x3a3: {  	v3 =	vadd.f32 v4, v3;
	v4 =	vmul.f32 v5, v12;
	v12 =	vor.u32 $0x13, v1;
	v5 =	vld.idx.msk [tilespmem:v16+s18+$0x0], $0xffff  }
0x3a4: {  	v16 =	vor.u32 $0x13, v2;
	v13 =	vld.idx.msk [tilespmem:v13+s16+$0x0], $0xffff  }
0x3a5: {  	v3 =	vadd.f32 v4, v3;
	v4 =	vmul.f32 v6, v7;
	v7 =	vor.u32 $0x14, v1;
	v6 =	vld.idx.msk [tilespmem:v14+s18+$0x0], $0xffff  }
0x3a6: {  	v14 =	vor.u32 $0x14, v2;
	v10 =	vld.idx.msk [tilespmem:v10+s16+$0x0], $0xffff  }
0x3a7: {  	v3 =	vadd.f32 v4, v3;
	v4 =	vmul.f32 v8, v9;
	v9 =	vor.u32 $0x15, v1;
	v8 =	vld.idx.msk [tilespmem:v15+s18+$0x0], $0xffff  }
0x3a8: {  	v15 =	vor.u32 $0x15, v2;
	v12 =	vld.idx.msk [tilespmem:v12+s16+$0x0], $0xffff  }
0x3a9: {  	v3 =	vadd.f32 v4, v3;
	v4 =	vmul.f32 v5, v11;
	v11 =	vor.u32 $0x16, v1;
	v5 =	vld.idx.msk [tilespmem:v16+s18+$0x0], $0xffff  }
0x3aa: {  	v16 =	vor.u32 $0x16, v2;
	v7 =	vld.idx.msk [tilespmem:v7+s16+$0x0], $0xffff  }
0x3ab: {  	v3 =	vadd.f32 v4, v3;
	v4 =	vmul.f32 v6, v13;
	v13 =	vor.u32 $0x17, v1;
	v6 =	vld.idx.msk [tilespmem:v14+s18+$0x0], $0xffff  }
0x3ac: {  	v14 =	vor.u32 $0x17, v2;
	v9 =	vld.idx.msk [tilespmem:v9+s16+$0x0], $0xffff  }
0x3ad: {  	v3 =	vadd.f32 v4, v3;
	v4 =	vmul.f32 v8, v10;
	v10 =	vor.u32 $0x18, v1;
	v8 =	vld.idx.msk [tilespmem:v15+s18+$0x0], $0xffff  }
0x3ae: {  	v15 =	vor.u32 $0x18, v2;
	v11 =	vld.idx.msk [tilespmem:v11+s16+$0x0], $0xffff  }
0x3af: {  	v3 =	vadd.f32 v4, v3;
	v4 =	vmul.f32 v5, v12;
	v12 =	vor.u32 $0x19, v1;
	v5 =	vld.idx.msk [tilespmem:v16+s18+$0x0], $0xffff  }
0x3b0: {  	v16 =	vor.u32 $0x19, v2;
	v13 =	vld.idx.msk [tilespmem:v13+s16+$0x0], $0xffff  }
0x3b1: {  	v3 =	vadd.f32 v4, v3;
	v4 =	vmul.f32 v6, v7;
	v7 =	vor.u32 $0x1A, v1;
	v6 =	vld.idx.msk [tilespmem:v14+s18+$0x0], $0xffff  }
0x3b2: {  	v14 =	vor.u32 $0x1A, v2;
	v10 =	vld.idx.msk [tilespmem:v10+s16+$0x0], $0xffff  }
0x3b3: {  	v3 =	vadd.f32 v4, v3;
	v4 =	vmul.f32 v8, v9;
	v9 =	vor.u32 $0x1B, v1;
	v8 =	vld.idx.msk [tilespmem:v15+s18+$0x0], $0xffff  }
0x3b4: {  	v15 =	vor.u32 $0x1B, v2;
	v12 =	vld.idx.msk [tilespmem:v12+s16+$0x0], $0xffff  }
0x3b5: {  	v3 =	vadd.f32 v4, v3;
	v4 =	vmul.f32 v5, v11;
	v11 =	vor.u32 $0x1C, v1;
	v5 =	vld.idx.msk [tilespmem:v16+s18+$0x0], $0xffff  }
0x3b6: {  	v16 =	vor.u32 $0x1C, v2;
	v7 =	vld.idx.msk [tilespmem:v7+s16+$0x0], $0xffff  }
0x3b7: {  	v3 =	vadd.f32 v4, v3;
	v4 =	vmul.f32 v6, v13;
	v13 =	vor.u32 $0x1D, v1;
	v6 =	vld.idx.msk [tilespmem:v14+s18+$0x0], $0xffff  }
0x3b8: {  	v14 =	vor.u32 $0x1D, v2;
	v9 =	vld.idx.msk [tilespmem:v9+s16+$0x0], $0xffff  }
0x3b9: {  	v3 =	vadd.f32 v4, v3;
	v4 =	vmul.f32 v8, v10;
	v10 =	vor.u32 $0x1E, v1;
	v8 =	vld.idx.msk [tilespmem:v15+s18+$0x0], $0xffff  }
0x3ba: {  	v15 =	vor.u32 $0x1E, v2;
	v11 =	vld.idx.msk [tilespmem:v11+s16+$0x0], $0xffff  }
0x3bb: {  	v1 =	vor.u32 $0x1F, v1;
	v3 =	vadd.f32 v4, v3;
	v4 =	vmul.f32 v5, v12;
	v5 =	vld.idx.msk [tilespmem:v16+s18+$0x0], $0xffff  }
0x3bc: {  	v2 =	vor.u32 $0x1F, v2;
	v12 =	vld.idx.msk [tilespmem:v13+s16+$0x0], $0xffff  }
0x3bd: {  	v3 =	vadd.f32 v4, v3;
	v4 =	vmul.f32 v6, v7;
	v6 =	vld.idx.msk [tilespmem:v14+s18+$0x0], $0xffff  }
0x3be: {  	v7 =	vld.idx.msk [tilespmem:v10+s16+$0x0], $0xffff  }
0x3bf: {  	v3 =	vadd.f32 v4, v3;
	v4 =	vmul.f32 v8, v9;
	v8 =	vld.idx.msk [tilespmem:v15+s18+$0x0], $0xffff  }
0x3c0: {  	v1 =	vld.idx.msk [tilespmem:v1+s16+$0x0], $0xffff  }
0x3c1: {  	v3 =	vadd.f32 v4, v3;
	v4 =	vmul.f32 v5, v11;
	v2 =	vld.idx.msk [tilespmem:v2+s18+$0x0], $0xffff;
	_ =	sdelay $0x1  }
0x3c2: {  	v3 =	vadd.f32 v4, v3;
	v4 =	vmul.f32 v6, v12;
	_ =	sdelay $0x1  }
0x3c3: {  	v3 =	vadd.f32 v4, v3;
	v4 =	vmul.f32 v8, v7;
	_ =	sdelay $0x1  }
0x3c4: {  	v3 =	vadd.f32 v4, v3;
	v1 =	vmul.f32 v2, v1;
	_ =	sdelay $0x1  }
.Ltmp3:
0x3c5: {  	v1 =	vadd.f32 v1, v3;
	(pc) =	sbr.rel @p0 .LBB2_8-.Ltmp3, $4  }
0x3c6: {  	s28 =	sadd.s32 $0x10, s28  }
0x3c7: {  	s29 =	sadd.s32 $0x10, s29;
	[tilespmem:s28+$0x0] =	vst v1  }
0x3c8: {  	s30 =	sadd.s32 $0x10, s30;
	v1 =	vld [tilespmem:s29+$0x0]  }
0x3c9: {  	s0 =	sadd.s32 $0x10, s0;
	v2 =	vld [tilespmem:s30+$0x0]  }
0x3ca: {  	_ =	sdelay $0x1  }
0x3cb: {  	v3 =	vmov s31  }
0x3cc: {  	v3 =	vshll.u32 v3, $0x7;
	v1 =	vshll.u32 v1, $0x5  }
0x3cd: {  	v3 =	vor.u32 v0, v3;
	v2 =	vshll.u32 v2, $0x5;
	v4 =	vand.u32 $0xFFFFFF80, v1  }
0x3ce: {  	v1 =	vand.u32 $0x60, v1;
	v4 =	vadd.s32 v3, v4;
	v5 =	vand.u32 $0xFFFFFF80, v2  }
0x3cf: {  	v2 =	vand.u32 $0x60, v2;
	v1 =	vor.u32 v1, v4;
	v3 =	vadd.s32 v3, v5  }
0x3d0: {  	v2 =	vor.u32 v2, v3  }
0x3d1: {  	v3 =	vor.u32 $0x1, v1  }
0x3d2: {  	v46 =	vor.u32 $0x1, v2  }
0x3d3: {  	v47 =	vor.u32 $0x2, v1  }
0x3d4: {  	v7 =	vor.u32 $0x2, v2;
	v6 =	vld.idx.msk [tilespmem:v1+s16+$0x0], $0xffff  }
0x3d5: {  	v9 =	vor.u32 $0x3, v1;
	v8 =	vld.idx.msk [tilespmem:v2+s18+$0x0], $0xffff  }
0x3d6: {  	v10 =	vor.u32 $0x3, v2;
	v3 =	vld.idx.msk [tilespmem:v3+s16+$0x0], $0xffff  }
0x3d7: {  	v11 =	vor.u32 $0x4, v1;
	v4 =	vld.idx.msk [tilespmem:v46+s18+$0x0], $0xffff  }
0x3d8: {  	v12 =	vor.u32 $0x4, v2;
	v5 =	vld.idx.msk [tilespmem:v47+s16+$0x0], $0xffff  }
0x3d9: {  	v13 =	vor.u32 $0x5, v1;
	v7 =	vld.idx.msk [tilespmem:v7+s18+$0x0], $0xffff  }
0x3da: {  	v14 =	vor.u32 $0x5, v2;
	v9 =	vld.idx.msk [tilespmem:v9+s16+$0x0], $0xffff;
	v6 =	vmul.f32 v8, v6  }
0x3db: {  	v49 =	vor.u32 $0x6, v1;
	v48 =	vld.idx.msk [tilespmem:v10+s18+$0x0], $0xffff  }
0x3dc: {  	v15 =	vor.u32 $0x6, v2;
	v11 =	vld.idx.msk [tilespmem:v11+s16+$0x0], $0xffff;
	v3 =	vmul.f32 v4, v3;
	v6 =	vadd.f32 $0.0e+00, v6  }
0x3dd: {  	v51 =	vor.u32 $0x7, v1;
	v50 =	vld.idx.msk [tilespmem:v12+s18+$0x0], $0xffff  }
0x3de: {  	v16 =	vor.u32 $0x7, v2;
	v13 =	vld.idx.msk [tilespmem:v13+s16+$0x0], $0xffff;
	v5 =	vmul.f32 v7, v5;
	v3 =	vadd.f32 v3, v6  }
0x3df: {  	v54 =	vor.u32 $0x8, v2;
	v52 =	vld.idx.msk [tilespmem:v14+s18+$0x0], $0xffff  }
0x3e0: {  	v53 =	vor.u32 $0x8, v1;
	v10 =	vld.idx.msk [tilespmem:v49+s16+$0x0], $0xffff;
	v55 =	vmul.f32 v48, v9;
	v3 =	vadd.f32 v5, v3  }
0x3e1: {  	v58 =	vor.u32 $0x9, v2;
	v56 =	vld.idx.msk [tilespmem:v15+s18+$0x0], $0xffff  }
0x3e2: {  	v57 =	vor.u32 $0x9, v1;
	v12 =	vld.idx.msk [tilespmem:v51+s16+$0x0], $0xffff;
	v4 =	vmul.f32 v50, v11;
	v3 =	vadd.f32 v55, v3  }
0x3e3: {  	v61 =	vor.u32 $0xA, v2;
	v59 =	vld.idx.msk [tilespmem:v16+s18+$0x0], $0xffff  }
0x3e4: {  	v60 =	vor.u32 $0xA, v1;
	v63 =	vld.idx.msk [tilespmem:v54+s18+$0x0], $0xffff;
	v62 =	vmul.f32 v52, v13;
	v3 =	vadd.f32 v4, v3  }
0x3e5: {  	v20 =	vor.u32 $0xB, v2;
	v7 =	vld.idx.msk [tilespmem:v53+s16+$0x0], $0xffff  }
0x3e6: {  	v19 =	vor.u32 $0xB, v1;
	v22 =	vld.idx.msk [tilespmem:v58+s18+$0x0], $0xffff;
	v21 =	vmul.f32 v56, v10;
	v3 =	vadd.f32 v62, v3  }
0x3e7: {  	v24 =	vor.u32 $0xC, v2;
	v9 =	vld.idx.msk [tilespmem:v57+s16+$0x0], $0xffff  }
0x3e8: {  	v23 =	vor.u32 $0xC, v1;
	v26 =	vld.idx.msk [tilespmem:v61+s18+$0x0], $0xffff;
	v25 =	vmul.f32 v59, v12;
	v3 =	vadd.f32 v21, v3  }
0x3e9: {  	v28 =	vor.u32 $0xD, v2;
	v11 =	vld.idx.msk [tilespmem:v60+s16+$0x0], $0xffff  }
0x3ea: {  	v27 =	vor.u32 $0xD, v1;
	v30 =	vld.idx.msk [tilespmem:v20+s18+$0x0], $0xffff;
	v29 =	vmul.f32 v63, v7;
	v3 =	vadd.f32 v25, v3  }
0x3eb: {  	v32 =	vor.u32 $0xE, v2;
	v13 =	vld.idx.msk [tilespmem:v19+s16+$0x0], $0xffff  }
0x3ec: {  	v31 =	vor.u32 $0xE, v1;
	v34 =	vld.idx.msk [tilespmem:v24+s18+$0x0], $0xffff;
	v33 =	vmul.f32 v22, v9;
	v3 =	vadd.f32 v29, v3  }
0x3ed: {  	v36 =	vor.u32 $0xF, v2;
	v10 =	vld.idx.msk [tilespmem:v23+s16+$0x0], $0xffff  }
0x3ee: {  	v35 =	vor.u32 $0xF, v1;
	v38 =	vld.idx.msk [tilespmem:v28+s18+$0x0], $0xffff;
	v37 =	vmul.f32 v26, v11;
	v3 =	vadd.f32 v33, v3  }
0x3ef: {  	v40 =	vor.u32 $0x10, v2;
	v12 =	vld.idx.msk [tilespmem:v27+s16+$0x0], $0xffff  }
0x3f0: {  	v39 =	vor.u32 $0x10, v1;
	v42 =	vld.idx.msk [tilespmem:v32+s18+$0x0], $0xffff;
	v41 =	vmul.f32 v30, v13;
	v3 =	vadd.f32 v37, v3  }
0x3f1: {  	v44 =	vor.u32 $0x11, v2;
	v7 =	vld.idx.msk [tilespmem:v31+s16+$0x0], $0xffff  }
0x3f2: {  	v43 =	vor.u32 $0x11, v1;
	v46 =	vld.idx.msk [tilespmem:v36+s18+$0x0], $0xffff;
	v45 =	vmul.f32 v34, v10;
	v3 =	vadd.f32 v41, v3  }
0x3f3: {  	v47 =	vor.u32 $0x12, v1;
	v9 =	vld.idx.msk [tilespmem:v35+s16+$0x0], $0xffff  }
0x3f4: {  	v48 =	vor.u32 $0x12, v2;
	v50 =	vld.idx.msk [tilespmem:v40+s18+$0x0], $0xffff;
	v49 =	vmul.f32 v38, v12;
	v3 =	vadd.f32 v45, v3  }
0x3f5: {  	v51 =	vor.u32 $0x13, v1;
	v11 =	vld.idx.msk [tilespmem:v39+s16+$0x0], $0xffff  }
0x3f6: {  	v54 =	vld.idx.msk [tilespmem:v44+s18+$0x0], $0xffff;
	v52 =	vor.u32 $0x13, v2;
	v53 =	vmul.f32 v42, v7;
	v3 =	vadd.f32 v49, v3  }
0x3f7: {  	v56 =	vor.u32 $0x14, v2;
	v13 =	vld.idx.msk [tilespmem:v43+s16+$0x0], $0xffff  }
0x3f8: {  	v10 =	vld.idx.msk [tilespmem:v47+s16+$0x0], $0xffff;
	v55 =	vor.u32 $0x14, v1;
	v57 =	vmul.f32 v46, v9;
	v3 =	vadd.f32 v53, v3  }
0x3f9: {  	v60 =	vor.u32 $0x15, v2;
	v58 =	vld.idx.msk [tilespmem:v48+s18+$0x0], $0xffff  }
0x3fa: {  	v59 =	vor.u32 $0x15, v1;
	v12 =	vld.idx.msk [tilespmem:v51+s16+$0x0], $0xffff;
	v61 =	vmul.f32 v50, v11;
	v3 =	vadd.f32 v57, v3  }
0x3fb: {  	v20 =	vor.u32 $0x16, v2;
	v62 =	vld.idx.msk [tilespmem:v52+s18+$0x0], $0xffff  }
0x3fc: {  	v63 =	vor.u32 $0x16, v1;
	v22 =	vld.idx.msk [tilespmem:v56+s18+$0x0], $0xffff;
	v21 =	vmul.f32 v54, v13;
	v3 =	vadd.f32 v61, v3  }
0x3fd: {  	v24 =	vor.u32 $0x17, v2;
	v7 =	vld.idx.msk [tilespmem:v55+s16+$0x0], $0xffff  }
0x3fe: {  	v23 =	vor.u32 $0x17, v1;
	v26 =	vld.idx.msk [tilespmem:v60+s18+$0x0], $0xffff;
	v25 =	vmul.f32 v58, v10;
	v3 =	vadd.f32 v21, v3  }
0x3ff: {  	v28 =	vor.u32 $0x18, v2;
	v9 =	vld.idx.msk [tilespmem:v59+s16+$0x0], $0xffff  }
0x400: {  	v27 =	vor.u32 $0x18, v1;
	v30 =	vld.idx.msk [tilespmem:v20+s18+$0x0], $0xffff;
	v29 =	vmul.f32 v62, v12;
	v3 =	vadd.f32 v25, v3  }
0x401: {  	v32 =	vor.u32 $0x19, v2;
	v11 =	vld.idx.msk [tilespmem:v63+s16+$0x0], $0xffff  }
0x402: {  	v31 =	vor.u32 $0x19, v1;
	v34 =	vld.idx.msk [tilespmem:v24+s18+$0x0], $0xffff;
	v33 =	vmul.f32 v22, v7;
	v3 =	vadd.f32 v29, v3  }
0x403: {  	v36 =	vor.u32 $0x1A, v2;
	v13 =	vld.idx.msk [tilespmem:v23+s16+$0x0], $0xffff  }
0x404: {  	v35 =	vor.u32 $0x1A, v1;
	v38 =	vld.idx.msk [tilespmem:v28+s18+$0x0], $0xffff;
	v37 =	vmul.f32 v26, v9;
	v3 =	vadd.f32 v33, v3  }
0x405: {  	v40 =	vor.u32 $0x1B, v2;
	v10 =	vld.idx.msk [tilespmem:v27+s16+$0x0], $0xffff  }
0x406: {  	v39 =	vor.u32 $0x1B, v1;
	v42 =	vld.idx.msk [tilespmem:v32+s18+$0x0], $0xffff;
	v41 =	vmul.f32 v30, v11;
	v3 =	vadd.f32 v37, v3  }
0x407: {  	v44 =	vor.u32 $0x1C, v2;
	v12 =	vld.idx.msk [tilespmem:v31+s16+$0x0], $0xffff  }
0x408: {  	v43 =	vor.u32 $0x1C, v1;
	v46 =	vld.idx.msk [tilespmem:v36+s18+$0x0], $0xffff;
	v45 =	vmul.f32 v34, v13;
	v3 =	vadd.f32 v41, v3  }
0x409: {  	v47 =	vor.u32 $0x1D, v1;
	v7 =	vld.idx.msk [tilespmem:v35+s16+$0x0], $0xffff  }
0x40a: {  	v48 =	vor.u32 $0x1D, v2;
	v50 =	vld.idx.msk [tilespmem:v40+s18+$0x0], $0xffff;
	v49 =	vmul.f32 v38, v10;
	v3 =	vadd.f32 v45, v3  }
0x40b: {  	v51 =	vor.u32 $0x1E, v1;
	v9 =	vld.idx.msk [tilespmem:v39+s16+$0x0], $0xffff  }
0x40c: {  	v52 =	vor.u32 $0x1E, v2;
	v54 =	vld.idx.msk [tilespmem:v44+s18+$0x0], $0xffff;
	v53 =	vmul.f32 v42, v12;
	v3 =	vadd.f32 v49, v3  }
0x40d: {  	v1 =	vor.u32 $0x1F, v1;
	v11 =	vld.idx.msk [tilespmem:v43+s16+$0x0], $0xffff  }
0x40e: {  	v2 =	vor.u32 $0x1F, v2;
	v55 =	vld.idx.msk [tilespmem:v47+s16+$0x0], $0xffff;
	v56 =	vmul.f32 v46, v7;
	v3 =	vadd.f32 v53, v3  }
0x40f: {  	v57 =	vld.idx.msk [tilespmem:v48+s18+$0x0], $0xffff  }
0x410: {  	v58 =	vld.idx.msk [tilespmem:v51+s16+$0x0], $0xffff;
	v59 =	vmul.f32 v50, v9;
	v3 =	vadd.f32 v56, v3  }
0x411: {  	v60 =	vld.idx.msk [tilespmem:v52+s18+$0x0], $0xffff  }
0x412: {  	v1 =	vld.idx.msk [tilespmem:v1+s16+$0x0], $0xffff;
	v61 =	vmul.f32 v54, v11;
	v3 =	vadd.f32 v59, v3  }
0x413: {  	v2 =	vld.idx.msk [tilespmem:v2+s18+$0x0], $0xffff  }
0x414: {  	v62 =	vmul.f32 v57, v55;
	v3 =	vadd.f32 v61, v3;
	_ =	sdelay $0x1  }
0x415: {  	v63 =	vmul.f32 v60, v58;
	v3 =	vadd.f32 v62, v3;
	_ =	sdelay $0x1  }
0x416: {  	v1 =	vmul.f32 v2, v1;
	v3 =	vadd.f32 v63, v3;
	_ =	sdelay $0x1  }
0x417: {  	s26 =	sadd.s32 $0x1, s26;
	v1 =	vadd.f32 v1, v3  }
0x418: {  	s0 =	sadd.s32 $0x10, s28;
	p0 =	sne.s32 s26, s10  }
.Ltmp4:
0x419: {  	[tilespmem:s0+$0x0] =	vst v1;
	(pc) =	sbr.rel @p0 .LBB2_1-.Ltmp4, $4  }
0x41a: {  	[hbm4b:s9+s2] =	stream.linear.scatter [tilespmem:s25], [sflag:$0x3], $0x200, $0x38;
	[tilespmem:$0x10A00] =	vst v63  }
0x41b: {  	_ =	swait.ge [sflag:s11], $0x200  }
0x41c: {  	[sflag:s11] =	ssyncset.done $0x0  }
0x41d: {  	[sflag:s11] =	ssyncadd.s32 $0xFFFFFE00  }
0x41e: {  	_ =	sfence.sel $0x180000  }
0x41f: {  	[bflag:$0x0] =	sbarrier.arrive $0xFFFF  }
0x420: {  	_ =	strace $0x90000047  }
0x421: {  	[bflag:$0x2] =	sbarrier.arrive $0xFFFF  }
0x422: {  	p0 =	sne.s32 s1, $0x0;
	s0 =	rddreg [dreg:$0x2]  }
0x423: {  	s0 =	sadd.s32 @!p0 $0x100000, s0  }
0x424: {  	[sflag:s0] =	ssyncadd.tile.s32 @!p0 $0x1;
	_ =	shalt  }
.Lfunc_end2:
_tile_overlayer_lowered:
.L_overlay_start_2:
0x425: {  	(tag) =	ssettag $0x2  }
0x426: {  	s0 =	rddreg [dreg:$0x0];
	s2 =	stileid.u32  }
0x427: {  	s1 =	rddreg [dreg:$0x1];
	p0 =	sne.s32 s2, $0x0  }
0x428: {  	s3 =	rddreg [dreg:$0x2];
	[bflag:$0x3] =	sbarrier.arrive $0xFFFF;
	s2 =	simm.s32 @!p0 $0x1C03  }
0x429: {  	[timem:s3], [sflag:s2] =	dma.local @!p0 [hbm:s0], s1  }
0x42a: {  	s0 =	simm.s32 @!p0 $0x3  }
0x42b: {  	_ =	swait.ge @!p0 [sflag:s0], s1  }
0x42c: {  	s1 =	ssub.s32 @!p0 $0x0, s1;
	[sflag:s0] =	ssyncset.done @!p0 $0x0  }
0x42d: {  	[sflag:s0] =	ssyncadd.s32 @!p0 s1  }
0x42e: {  	[bflag:$0x3] =	sbarrier.arrive $0xFFFF  }
0x42f: {  	_ =	shalt  }

</sc_bundles>
